<compile_context>
chip_gen: v7x
topology: tpu7x:2x2x1
jax: 0.10.2.dev20260603
libtpu: 0.0.44.dev20260713+nightly
codegen_flags: <defaults>
</compile_context>

<pallas_src>
import functools

import jax
import jax.numpy as jnp
from jax import lax
from jax.experimental import pallas as pl
from jax.experimental.pallas import tpu as pltpu
from jax.experimental.pallas import tpu_sc as plsc

N = 10000
E = 320000
D = 128
H = 128
C = 64

NC = 2
NS = 16
NW = NC * NS
EPT = E // NW
KC = 125
NCHUNK = EPT // KC
NBUF = 4
RPT = 632
RPT_LAST = N - 15 * RPT

_mesh = plsc.VectorSubcoreMesh(core_axis_name="c", subcore_axis_name="s")


@functools.partial(
    pl.kernel,
    mesh=_mesh,
    compiler_params=pltpu.CompilerParams(use_tc_tiling_on_sc=False),
    out_type=[jax.ShapeDtypeStruct((N, D), jnp.bfloat16)] * 2,
    scratch_types=[
        pltpu.VMEM((2, NCHUNK, KC), jnp.int32),
        pltpu.VMEM((NBUF, KC, D), jnp.bfloat16),
        pltpu.VMEM_SHARED((N, D), jnp.bfloat16),
        pltpu.SemaphoreType.DMA,
        pltpu.SemaphoreType.DMA((NBUF,)),
    ],
)
def _segsum_sc(x_hbm, eidx_hbm, zeros_hbm, o0, o1,
               idx_all, rows, acc, semg, sems):
    outs = (o0, o1)
    c = lax.axis_index("c")
    s = lax.axis_index("s")
    wid = s * NC + c
    r0 = pl.multiple_of(s * RPT, 8)

    pltpu.sync_copy(eidx_hbm.at[0, wid], idx_all.at[0])
    pltpu.sync_copy(eidx_hbm.at[1, wid], idx_all.at[1])

    @pl.when(s < NS - 1)
    def _():
        pltpu.sync_copy(zeros_hbm, acc.at[pl.ds(r0, RPT)])

    @pl.when(s == NS - 1)
    def _():
        pltpu.sync_copy(zeros_hbm.at[pl.ds(0, RPT_LAST)],
                        acc.at[pl.ds((NS - 1) * RPT, RPT_LAST)])

    for b in range(NBUF):
        pltpu.async_copy(x_hbm.at[idx_all.at[0, b]], rows.at[b], semg)

    plsc.subcore_barrier()

    def outer(t, carry):
        for b in range(NBUF):
            i = t * NBUF + b
            pltpu.make_async_copy(x_hbm.at[idx_all.at[0, i]],
                                  rows.at[b], semg).wait()
            pltpu.make_async_copy(rows.at[b],
                                  acc.at[idx_all.at[1, i]],
                                  sems.at[b]).start(add=True)
            bp = (b - 1) % NBUF

            @pl.when(i >= 1)
            def _():
                pltpu.make_async_copy(rows.at[bp],
                                      acc.at[idx_all.at[1, i]],
                                      sems.at[bp]).wait()
                j = jnp.minimum(i - 1 + NBUF, NCHUNK - 1)
                pltpu.async_copy(x_hbm.at[idx_all.at[0, j]],
                                 rows.at[bp], semg)
        return carry

    lax.fori_loop(0, NCHUNK // NBUF, outer, 0)
    pltpu.make_async_copy(rows.at[(NCHUNK - 1) % NBUF],
                          acc.at[idx_all.at[1, NCHUNK - 1]],
                          sems.at[(NCHUNK - 1) % NBUF]).wait()
    for b in range(NBUF - 1):
        pltpu.make_async_copy(x_hbm.at[idx_all.at[0, 0]], rows.at[b],
                              semg).wait()
    plsc.subcore_barrier()

    for cc in range(NC):
        @pl.when((c == cc) & (s < NS - 1))
        def _():
            pltpu.sync_copy(acc.at[pl.ds(r0, RPT)],
                            outs[cc].at[pl.ds(r0, RPT)])

        @pl.when((c == cc) & (s == NS - 1))
        def _():
            pltpu.sync_copy(acc.at[pl.ds((NS - 1) * RPT, RPT_LAST)],
                            outs[cc].at[pl.ds((NS - 1) * RPT, RPT_LAST)])


def _mlp1(x, p0, p1, W1, b1):
    BM = 1000

    def body(x_ref, a0, a1, w_ref, bias, h_ref):
        f32 = jnp.float32
        sm = x_ref[...] + a0[...].astype(f32) + a1[...].astype(f32)
        z = jnp.dot(sm, w_ref[...], preferred_element_type=jnp.float32)
        h_ref[...] = jnp.maximum(z + bias[...], 0.0).astype(jnp.bfloat16)

    blk = pl.BlockSpec((BM, D), lambda i: (i, 0))
    return pl.pallas_call(
        body,
        grid=(N // BM,),
        in_specs=[blk, blk, blk,
                  pl.BlockSpec((D, H), lambda i: (0, 0)),
                  pl.BlockSpec((1, H), lambda i: (0, 0))],
        out_specs=pl.BlockSpec((BM, H), lambda i: (i, 0)),
        out_shape=jax.ShapeDtypeStruct((N, H), jnp.bfloat16),
    )(x, p0, p1, W1, b1.reshape(1, H))


def _mlp2(h, q0, q1, W2, b2):
    BM = 1000

    def body(h_ref, a0, a1, w_ref, bias, o_ref):
        f32 = jnp.float32
        sm = (h_ref[...].astype(f32) + a0[...].astype(f32)
              + a1[...].astype(f32))
        z = jnp.dot(sm, w_ref[...], preferred_element_type=jnp.float32)
        z = z + bias[...]
        m = jnp.max(z, axis=-1, keepdims=True)
        e = z - m
        lse = jnp.log(jnp.sum(jnp.exp(e), axis=-1, keepdims=True))
        o_ref[...] = e - lse

    blk = pl.BlockSpec((BM, H), lambda i: (i, 0))
    return pl.pallas_call(
        body,
        grid=(N // BM,),
        in_specs=[blk, blk, blk,
                  pl.BlockSpec((H, C), lambda i: (0, 0)),
                  pl.BlockSpec((1, C), lambda i: (0, 0))],
        out_specs=pl.BlockSpec((BM, C), lambda i: (i, 0)),
        out_shape=jax.ShapeDtypeStruct((N, C), jnp.float32),
    )(h, q0, q1, W2, b2.reshape(1, C))


def kernel(x, edge_index, W1, b1, W2, b2):
    eidx = edge_index.astype(jnp.int32).reshape(2, NW, NCHUNK, KC)
    zeros = jnp.zeros((RPT, D), jnp.bfloat16)
    xb = x.astype(jnp.bfloat16)
    p0, p1 = _segsum_sc(xb, eidx, zeros)
    h = _mlp1(x, p0, p1, W1, b1)
    q0, q1 = _segsum_sc(h, eidx, zeros)
    return _mlp2(h, q0, q1, W2, b2)

# --- scband reference (transcript-rebuilt; emitter-appended) ---
"""Pipeline reference for scband-gin-57440892616781 (READ-ONLY COPY).

The authoritative reference and input builder live on the scoring server;
editing this copy changes nothing except your own understanding.
"""

import jax, jax.numpy as jnp
import numpy as np

N = 10000
E = 320000
D = 128
H = 128
C = 64

def setup_inputs(seed: int = 0) -> dict:
    key = jax.random.key(seed)
    k_x, k_e, k_w1, k_w2 = jax.random.split(key, 4)
    x = jax.random.normal(k_x, (N, D), dtype=jnp.float32)
    edge_index = jax.random.randint(k_e, (2, E), 0, N, dtype=jnp.int64)
    W1 = jax.random.normal(k_w1, (D, H), dtype=jnp.float32) * 0.05
    b1 = jnp.zeros((H,), dtype=jnp.float32)
    W2 = jax.random.normal(k_w2, (H, C), dtype=jnp.float32) * 0.05
    b2 = jnp.zeros((C,), dtype=jnp.float32)
    return {"x": x, "edge_index": edge_index, "W1": W1, "b1": b1, "W2": W2, "b2": b2}

def reference(x, edge_index, W1, b1, W2, b2):
    # GIN (non-quantized path, eps=0): layer(x) = nn(x + A @ x)
    # A is built from edge_index with unit edge weights (adj1 - id in the torch code).
    src = edge_index[0]
    dst = edge_index[1]
    n = x.shape[0]
    # Layer 1: sparse neighbor sum aggregation (scatter-add), then Linear + ReLU
    agg1 = jax.ops.segment_sum(jnp.take(x, src, axis=0), dst, num_segments=n)
    h = (x + agg1) @ W1 + b1
    h = jax.nn.relu(h)
    # Layer 2: aggregation + Linear
    agg2 = jax.ops.segment_sum(jnp.take(h, src, axis=0), dst, num_segments=n)
    out = (h + agg2) @ W2 + b2
    return jax.nn.log_softmax(out, axis=-1)

if __name__ == "__main__":
    import jax
    _d = setup_inputs()
    print(jax.jit(kernel)(*tuple(_d.values())))

</pallas_src>

<mosaic_0001>
#map = affine_map<(d0, d1) -> (0, 0)>
#map1 = affine_map<(d0, d1) -> (0, 0, 0, 0)>
module attributes {stable_mosaic.version = 14 : i64} {
  func.func @_segsum_sc(%arg0: i32, %arg1: i32, %arg2: memref<10000x128xbf16, #tpu.memory_space<hbm>>, %arg3: memref<2x32x80x125xi32, #tpu.memory_space<hbm>>, %arg4: memref<632x128xbf16, #tpu.memory_space<hbm>>, %arg5: memref<10000x128xbf16, #tpu.memory_space<hbm>>, %arg6: memref<10000x128xbf16, #tpu.memory_space<hbm>>, %arg7: memref<2x80x125xi32, #tpu.memory_space<vmem>>, %arg8: memref<4x125x128xbf16, #tpu.memory_space<vmem>>, %arg9: memref<10000x128xbf16, #tpu.memory_space<vmem_shared>>, %arg10: memref<!tpu.dma_semaphore, #tpu.memory_space<semaphore_mem>>, %arg11: memref<4x!tpu.dma_semaphore, #tpu.memory_space<semaphore_mem>>) attributes {dimension_semantics = [#tpu.dimension_semantics<core_parallel>, #tpu.dimension_semantics<subcore_parallel>], iteration_bounds = array<i64: 2, 16>, scalar_prefetch = 0 : i64, scratch_operands = 5 : i64, tpu.core_type = #tpu.core_type<sc_vector_subcore>, window_params = [{transform_indices = #map}, {transform_indices = #map1}, {transform_indices = #map}, {transform_indices = #map}, {transform_indices = #map}]} {
    %mul3A = arith.constant 2 : i32
    %mul3A_0 = arith.muli %arg1, %mul3A : i32
    %add3A = arith.addi %mul3A_0, %arg0 : i32
    %mul3A_1 = arith.constant 632 : i32
    %mul3A_2 = arith.muli %arg1, %mul3A_1 : i32
    %multiple_of3A = tpu.assume_multiple %mul3A_2, 8 : i32
    %run_scoped3A = arith.constant 0 : i32
    %run_scoped3A_3 = arith.constant 0 : i32
    "tpu.region"() ({
      %run_scoped3A_154 = tpu.sem_alloc : memref<!tpu.dma_semaphore, #tpu.memory_space<semaphore_mem>>
      %dma_start3A_155 = arith.constant 0 : i32
      %dma_start3A_156 = arith.constant 0 : i32
      %dma_start3A_157 = tpu.memref_slice %arg7[%run_scoped3A_3, %dma_start3A_155, %dma_start3A_156] : memref<2x80x125xi32, #tpu.memory_space<vmem>> -> memref<1x80x125xi32, #tpu.memory_space<vmem>>
      %dma_start3A_158 = tpu.memref_squeeze %dma_start3A_157 : memref<1x80x125xi32, #tpu.memory_space<vmem>> -> memref<80x125xi32, #tpu.memory_space<vmem>>
      %dma_start3A_159 = arith.constant 0 : i32
      %dma_start3A_160 = arith.constant 0 : i32
      %dma_start3A_161 = tpu.memref_slice %arg3[%run_scoped3A, %add3A, %dma_start3A_159, %dma_start3A_160] : memref<2x32x80x125xi32, #tpu.memory_space<hbm>> -> memref<1x1x80x125xi32, #tpu.memory_space<hbm>>
      %dma_start3A_162 = tpu.memref_squeeze %dma_start3A_161 : memref<1x1x80x125xi32, #tpu.memory_space<hbm>> -> memref<80x125xi32, #tpu.memory_space<hbm>>
      %dma_start3A_163 = arith.constant 0 : i32
      %dma_start3A_164 = arith.constant 0 : i32
      %dma_start3A_165 = tpu.memref_slice %arg7[%run_scoped3A_3, %dma_start3A_163, %dma_start3A_164] : memref<2x80x125xi32, #tpu.memory_space<vmem>> -> memref<1x80x125xi32, #tpu.memory_space<vmem>>
      %dma_start3A_166 = tpu.memref_squeeze %dma_start3A_165 : memref<1x80x125xi32, #tpu.memory_space<vmem>> -> memref<80x125xi32, #tpu.memory_space<vmem>>
      %dma_start3A_167 = arith.constant 0 : i32
      %dma_start3A_168 = arith.constant 0 : i32
      %dma_start3A_169 = tpu.memref_slice %arg3[%run_scoped3A, %add3A, %dma_start3A_167, %dma_start3A_168] : memref<2x32x80x125xi32, #tpu.memory_space<hbm>> -> memref<1x1x80x125xi32, #tpu.memory_space<hbm>>
      %dma_start3A_170 = tpu.memref_squeeze %dma_start3A_169 : memref<1x1x80x125xi32, #tpu.memory_space<hbm>> -> memref<80x125xi32, #tpu.memory_space<hbm>>
      tpu.enqueue_dma source(%dma_start3A_170 : memref<80x125xi32, #tpu.memory_space<hbm>>) target(%dma_start3A_166 : memref<80x125xi32, #tpu.memory_space<vmem>>) target_semaphore(%run_scoped3A_154 : memref<!tpu.dma_semaphore, #tpu.memory_space<semaphore_mem>>)
      %dma_wait3A_171 = arith.constant 0 : i32
      %dma_wait3A_172 = arith.constant 0 : i32
      %dma_wait3A_173 = tpu.memref_slice %arg7[%run_scoped3A_3, %dma_wait3A_171, %dma_wait3A_172] : memref<2x80x125xi32, #tpu.memory_space<vmem>> -> memref<1x80x125xi32, #tpu.memory_space<vmem>>
      %dma_wait3A_174 = tpu.memref_squeeze %dma_wait3A_173 : memref<1x80x125xi32, #tpu.memory_space<vmem>> -> memref<80x125xi32, #tpu.memory_space<vmem>>
      %dma_wait3A_175 = arith.constant 0 : i32
      %dma_wait3A_176 = arith.constant 0 : i32
      %dma_wait3A_177 = tpu.memref_slice %arg3[%run_scoped3A, %add3A, %dma_wait3A_175, %dma_wait3A_176] : memref<2x32x80x125xi32, #tpu.memory_space<hbm>> -> memref<1x1x80x125xi32, #tpu.memory_space<hbm>>
      %dma_wait3A_178 = tpu.memref_squeeze %dma_wait3A_177 : memref<1x1x80x125xi32, #tpu.memory_space<hbm>> -> memref<80x125xi32, #tpu.memory_space<hbm>>
      %dma_wait3A_179 = arith.constant 0 : i32
      %dma_wait3A_180 = arith.constant 0 : i32
      %dma_wait3A_181 = tpu.memref_slice %arg7[%run_scoped3A_3, %dma_wait3A_179, %dma_wait3A_180] : memref<2x80x125xi32, #tpu.memory_space<vmem>> -> memref<1x80x125xi32, #tpu.memory_space<vmem>>
      %dma_wait3A_182 = tpu.memref_squeeze %dma_wait3A_181 : memref<1x80x125xi32, #tpu.memory_space<vmem>> -> memref<80x125xi32, #tpu.memory_space<vmem>>
      %dma_wait3A_183 = arith.constant 0 : i32
      %dma_wait3A_184 = arith.constant 0 : i32
      %dma_wait3A_185 = tpu.memref_slice %arg3[%run_scoped3A, %add3A, %dma_wait3A_183, %dma_wait3A_184] : memref<2x32x80x125xi32, #tpu.memory_space<hbm>> -> memref<1x1x80x125xi32, #tpu.memory_space<hbm>>
      %dma_wait3A_186 = tpu.memref_squeeze %dma_wait3A_185 : memref<1x1x80x125xi32, #tpu.memory_space<hbm>> -> memref<80x125xi32, #tpu.memory_space<hbm>>
      tpu.wait_dma2 semaphore(%run_scoped3A_154 : memref<!tpu.dma_semaphore, #tpu.memory_space<semaphore_mem>>) src(%dma_wait3A_186 : memref<80x125xi32, #tpu.memory_space<hbm>>) dst(%dma_wait3A_182 : memref<80x125xi32, #tpu.memory_space<vmem>>)
      tpu.yield
    }) : () -> ()
    %run_scoped3A_4 = arith.constant 1 : i32
    %run_scoped3A_5 = arith.constant 1 : i32
    "tpu.region"() ({
      %run_scoped3A_154 = tpu.sem_alloc : memref<!tpu.dma_semaphore, #tpu.memory_space<semaphore_mem>>
      %dma_start3A_155 = arith.constant 0 : i32
      %dma_start3A_156 = arith.constant 0 : i32
      %dma_start3A_157 = tpu.memref_slice %arg7[%run_scoped3A_5, %dma_start3A_155, %dma_start3A_156] : memref<2x80x125xi32, #tpu.memory_space<vmem>> -> memref<1x80x125xi32, #tpu.memory_space<vmem>>
      %dma_start3A_158 = tpu.memref_squeeze %dma_start3A_157 : memref<1x80x125xi32, #tpu.memory_space<vmem>> -> memref<80x125xi32, #tpu.memory_space<vmem>>
      %dma_start3A_159 = arith.constant 0 : i32
      %dma_start3A_160 = arith.constant 0 : i32
      %dma_start3A_161 = tpu.memref_slice %arg3[%run_scoped3A_4, %add3A, %dma_start3A_159, %dma_start3A_160] : memref<2x32x80x125xi32, #tpu.memory_space<hbm>> -> memref<1x1x80x125xi32, #tpu.memory_space<hbm>>
      %dma_start3A_162 = tpu.memref_squeeze %dma_start3A_161 : memref<1x1x80x125xi32, #tpu.memory_space<hbm>> -> memref<80x125xi32, #tpu.memory_space<hbm>>
      %dma_start3A_163 = arith.constant 0 : i32
      %dma_start3A_164 = arith.constant 0 : i32
      %dma_start3A_165 = tpu.memref_slice %arg7[%run_scoped3A_5, %dma_start3A_163, %dma_start3A_164] : memref<2x80x125xi32, #tpu.memory_space<vmem>> -> memref<1x80x125xi32, #tpu.memory_space<vmem>>
      %dma_start3A_166 = tpu.memref_squeeze %dma_start3A_165 : memref<1x80x125xi32, #tpu.memory_space<vmem>> -> memref<80x125xi32, #tpu.memory_space<vmem>>
      %dma_start3A_167 = arith.constant 0 : i32
      %dma_start3A_168 = arith.constant 0 : i32
      %dma_start3A_169 = tpu.memref_slice %arg3[%run_scoped3A_4, %add3A, %dma_start3A_167, %dma_start3A_168] : memref<2x32x80x125xi32, #tpu.memory_space<hbm>> -> memref<1x1x80x125xi32, #tpu.memory_space<hbm>>
      %dma_start3A_170 = tpu.memref_squeeze %dma_start3A_169 : memref<1x1x80x125xi32, #tpu.memory_space<hbm>> -> memref<80x125xi32, #tpu.memory_space<hbm>>
      tpu.enqueue_dma source(%dma_start3A_170 : memref<80x125xi32, #tpu.memory_space<hbm>>) target(%dma_start3A_166 : memref<80x125xi32, #tpu.memory_space<vmem>>) target_semaphore(%run_scoped3A_154 : memref<!tpu.dma_semaphore, #tpu.memory_space<semaphore_mem>>)
      %dma_wait3A_171 = arith.constant 0 : i32
      %dma_wait3A_172 = arith.constant 0 : i32
      %dma_wait3A_173 = tpu.memref_slice %arg7[%run_scoped3A_5, %dma_wait3A_171, %dma_wait3A_172] : memref<2x80x125xi32, #tpu.memory_space<vmem>> -> memref<1x80x125xi32, #tpu.memory_space<vmem>>
      %dma_wait3A_174 = tpu.memref_squeeze %dma_wait3A_173 : memref<1x80x125xi32, #tpu.memory_space<vmem>> -> memref<80x125xi32, #tpu.memory_space<vmem>>
      %dma_wait3A_175 = arith.constant 0 : i32
      %dma_wait3A_176 = arith.constant 0 : i32
      %dma_wait3A_177 = tpu.memref_slice %arg3[%run_scoped3A_4, %add3A, %dma_wait3A_175, %dma_wait3A_176] : memref<2x32x80x125xi32, #tpu.memory_space<hbm>> -> memref<1x1x80x125xi32, #tpu.memory_space<hbm>>
      %dma_wait3A_178 = tpu.memref_squeeze %dma_wait3A_177 : memref<1x1x80x125xi32, #tpu.memory_space<hbm>> -> memref<80x125xi32, #tpu.memory_space<hbm>>
      %dma_wait3A_179 = arith.constant 0 : i32
      %dma_wait3A_180 = arith.constant 0 : i32
      %dma_wait3A_181 = tpu.memref_slice %arg7[%run_scoped3A_5, %dma_wait3A_179, %dma_wait3A_180] : memref<2x80x125xi32, #tpu.memory_space<vmem>> -> memref<1x80x125xi32, #tpu.memory_space<vmem>>
      %dma_wait3A_182 = tpu.memref_squeeze %dma_wait3A_181 : memref<1x80x125xi32, #tpu.memory_space<vmem>> -> memref<80x125xi32, #tpu.memory_space<vmem>>
      %dma_wait3A_183 = arith.constant 0 : i32
      %dma_wait3A_184 = arith.constant 0 : i32
      %dma_wait3A_185 = tpu.memref_slice %arg3[%run_scoped3A_4, %add3A, %dma_wait3A_183, %dma_wait3A_184] : memref<2x32x80x125xi32, #tpu.memory_space<hbm>> -> memref<1x1x80x125xi32, #tpu.memory_space<hbm>>
      %dma_wait3A_186 = tpu.memref_squeeze %dma_wait3A_185 : memref<1x1x80x125xi32, #tpu.memory_space<hbm>> -> memref<80x125xi32, #tpu.memory_space<hbm>>
      tpu.wait_dma2 semaphore(%run_scoped3A_154 : memref<!tpu.dma_semaphore, #tpu.memory_space<semaphore_mem>>) src(%dma_wait3A_186 : memref<80x125xi32, #tpu.memory_space<hbm>>) dst(%dma_wait3A_182 : memref<80x125xi32, #tpu.memory_space<vmem>>)
      tpu.yield
    }) : () -> ()
    %lt3A = arith.constant 15 : i32
    %lt3A_6 = arith.cmpi slt, %arg1, %lt3A : i32
    %convert_element_type3A = arith.extui %lt3A_6 : i1 to i32
    %cond3A = arith.constant 0 : i32
    %cond3A_7 = arith.cmpi ne, %convert_element_type3A, %cond3A : i32
    scf.if %cond3A_7 {
      "tpu.region"() ({
        %run_scoped3A_154 = tpu.sem_alloc : memref<!tpu.dma_semaphore, #tpu.memory_space<semaphore_mem>>
        %dma_start3A_155 = arith.constant 0 : i32
        %dma_start3A_156 = tpu.memref_slice %arg9[%multiple_of3A, %dma_start3A_155] : memref<10000x128xbf16, #tpu.memory_space<vmem_shared>> -> memref<632x128xbf16, #tpu.memory_space<vmem_shared>>
        tpu.enqueue_dma source(%arg4 : memref<632x128xbf16, #tpu.memory_space<hbm>>) target(%dma_start3A_156 : memref<632x128xbf16, #tpu.memory_space<vmem_shared>>) target_semaphore(%run_scoped3A_154 : memref<!tpu.dma_semaphore, #tpu.memory_space<semaphore_mem>>)
        %dma_wait3A_157 = arith.constant 0 : i32
        %dma_wait3A_158 = tpu.memref_slice %arg9[%multiple_of3A, %dma_wait3A_157] : memref<10000x128xbf16, #tpu.memory_space<vmem_shared>> -> memref<632x128xbf16, #tpu.memory_space<vmem_shared>>
        tpu.wait_dma2 semaphore(%run_scoped3A_154 : memref<!tpu.dma_semaphore, #tpu.memory_space<semaphore_mem>>) src(%arg4 : memref<632x128xbf16, #tpu.memory_space<hbm>>) dst(%dma_wait3A_158 : memref<632x128xbf16, #tpu.memory_space<vmem_shared>>)
        tpu.yield
      }) : () -> ()
    } else {
    }
    %eq3A = arith.constant 15 : i32
    %eq3A_8 = arith.cmpi eq, %arg1, %eq3A : i32
    %convert_element_type3A_9 = arith.extui %eq3A_8 : i1 to i32
    %cond3A_10 = arith.constant 0 : i32
    %cond3A_11 = arith.cmpi ne, %convert_element_type3A_9, %cond3A_10 : i32
    scf.if %cond3A_11 {
      "tpu.region"() ({
        %run_scoped3A_154 = tpu.sem_alloc : memref<!tpu.dma_semaphore, #tpu.memory_space<semaphore_mem>>
        %dma_start3A_155 = arith.constant 9480 : i32
        %dma_start3A_156 = arith.constant 0 : i32
        %dma_start3A_157 = tpu.memref_slice %arg9[%dma_start3A_155, %dma_start3A_156] : memref<10000x128xbf16, #tpu.memory_space<vmem_shared>> -> memref<520x128xbf16, #tpu.memory_space<vmem_shared>>
        %dma_start3A_158 = arith.constant 0 : i32
        %dma_start3A_159 = arith.constant 0 : i32
        %dma_start3A_160 = tpu.memref_slice %arg4[%dma_start3A_158, %dma_start3A_159] : memref<632x128xbf16, #tpu.memory_space<hbm>> -> memref<520x128xbf16, #tpu.memory_space<hbm>>
        tpu.enqueue_dma source(%dma_start3A_160 : memref<520x128xbf16, #tpu.memory_space<hbm>>) target(%dma_start3A_157 : memref<520x128xbf16, #tpu.memory_space<vmem_shared>>) target_semaphore(%run_scoped3A_154 : memref<!tpu.dma_semaphore, #tpu.memory_space<semaphore_mem>>)
        %dma_wait3A_161 = arith.constant 9480 : i32
        %dma_wait3A_162 = arith.constant 0 : i32
        %dma_wait3A_163 = tpu.memref_slice %arg9[%dma_wait3A_161, %dma_wait3A_162] : memref<10000x128xbf16, #tpu.memory_space<vmem_shared>> -> memref<520x128xbf16, #tpu.memory_space<vmem_shared>>
        %dma_wait3A_164 = arith.constant 0 : i32
        %dma_wait3A_165 = arith.constant 0 : i32
        %dma_wait3A_166 = tpu.memref_slice %arg4[%dma_wait3A_164, %dma_wait3A_165] : memref<632x128xbf16, #tpu.memory_space<hbm>> -> memref<520x128xbf16, #tpu.memory_space<hbm>>
        tpu.wait_dma2 semaphore(%run_scoped3A_154 : memref<!tpu.dma_semaphore, #tpu.memory_space<semaphore_mem>>) src(%dma_wait3A_166 : memref<520x128xbf16, #tpu.memory_space<hbm>>) dst(%dma_wait3A_163 : memref<520x128xbf16, #tpu.memory_space<vmem_shared>>)
        tpu.yield
      }) : () -> ()
    } else {
    }
    %dma_start3A = arith.constant 0 : i32
    %dma_start3A_12 = arith.constant 0 : i32
    %dma_start3A_13 = arith.constant 0 : i32
    %dma_start3A_14 = arith.constant 0 : i32
    %dma_start3A_15 = arith.constant 0 : i32
    %dma_start3A_16 = tpu.memref_slice %arg8[%dma_start3A_13, %dma_start3A_14, %dma_start3A_15] : memref<4x125x128xbf16, #tpu.memory_space<vmem>> -> memref<1x125x128xbf16, #tpu.memory_space<vmem>>
    %dma_start3A_17 = tpu.memref_squeeze %dma_start3A_16 : memref<1x125x128xbf16, #tpu.memory_space<vmem>> -> memref<125x128xbf16, #tpu.memory_space<vmem>>
    %dma_start3A_18 = arith.constant 0 : i32
    %dma_start3A_19 = tpu.memref_slice %arg7[%dma_start3A, %dma_start3A_12, %dma_start3A_18] : memref<2x80x125xi32, #tpu.memory_space<vmem>> -> memref<1x1x125xi32, #tpu.memory_space<vmem>>
    %dma_start3A_20 = tpu.memref_squeeze %dma_start3A_19 : memref<1x1x125xi32, #tpu.memory_space<vmem>> -> memref<125xi32, #tpu.memory_space<vmem>>
    %dma_start3A_21 = arith.constant 0 : i32
    %dma_start3A_22 = arith.constant 0 : i32
    %dma_start3A_23 = tpu.memref_slice %arg2[%dma_start3A_21, %dma_start3A_22] : memref<10000x128xbf16, #tpu.memory_space<hbm>> -> memref<10000x128xbf16, #tpu.memory_space<hbm>>
    tpu.enqueue_indirect_dma source(%dma_start3A_23 : memref<10000x128xbf16, #tpu.memory_space<hbm>>) target(%dma_start3A_17 : memref<125x128xbf16, #tpu.memory_space<vmem>>) offsets(%dma_start3A_20 : memref<125xi32, #tpu.memory_space<vmem>>) semaphore(%arg10 : memref<!tpu.dma_semaphore, #tpu.memory_space<semaphore_mem>>)
    %dma_start3A_24 = arith.constant 0 : i32
    %dma_start3A_25 = arith.constant 1 : i32
    %dma_start3A_26 = arith.constant 1 : i32
    %dma_start3A_27 = arith.constant 0 : i32
    %dma_start3A_28 = arith.constant 0 : i32
    %dma_start3A_29 = tpu.memref_slice %arg8[%dma_start3A_26, %dma_start3A_27, %dma_start3A_28] : memref<4x125x128xbf16, #tpu.memory_space<vmem>> -> memref<1x125x128xbf16, #tpu.memory_space<vmem>>
    %dma_start3A_30 = tpu.memref_squeeze %dma_start3A_29 : memref<1x125x128xbf16, #tpu.memory_space<vmem>> -> memref<125x128xbf16, #tpu.memory_space<vmem>>
    %dma_start3A_31 = arith.constant 0 : i32
    %dma_start3A_32 = tpu.memref_slice %arg7[%dma_start3A_24, %dma_start3A_25, %dma_start3A_31] : memref<2x80x125xi32, #tpu.memory_space<vmem>> -> memref<1x1x125xi32, #tpu.memory_space<vmem>>
    %dma_start3A_33 = tpu.memref_squeeze %dma_start3A_32 : memref<1x1x125xi32, #tpu.memory_space<vmem>> -> memref<125xi32, #tpu.memory_space<vmem>>
    %dma_start3A_34 = arith.constant 0 : i32
    %dma_start3A_35 = arith.constant 0 : i32
    %dma_start3A_36 = tpu.memref_slice %arg2[%dma_start3A_34, %dma_start3A_35] : memref<10000x128xbf16, #tpu.memory_space<hbm>> -> memref<10000x128xbf16, #tpu.memory_space<hbm>>
    tpu.enqueue_indirect_dma source(%dma_start3A_36 : memref<10000x128xbf16, #tpu.memory_space<hbm>>) target(%dma_start3A_30 : memref<125x128xbf16, #tpu.memory_space<vmem>>) offsets(%dma_start3A_33 : memref<125xi32, #tpu.memory_space<vmem>>) semaphore(%arg10 : memref<!tpu.dma_semaphore, #tpu.memory_space<semaphore_mem>>)
    %dma_start3A_37 = arith.constant 0 : i32
    %dma_start3A_38 = arith.constant 2 : i32
    %dma_start3A_39 = arith.constant 2 : i32
    %dma_start3A_40 = arith.constant 0 : i32
    %dma_start3A_41 = arith.constant 0 : i32
    %dma_start3A_42 = tpu.memref_slice %arg8[%dma_start3A_39, %dma_start3A_40, %dma_start3A_41] : memref<4x125x128xbf16, #tpu.memory_space<vmem>> -> memref<1x125x128xbf16, #tpu.memory_space<vmem>>
    %dma_start3A_43 = tpu.memref_squeeze %dma_start3A_42 : memref<1x125x128xbf16, #tpu.memory_space<vmem>> -> memref<125x128xbf16, #tpu.memory_space<vmem>>
    %dma_start3A_44 = arith.constant 0 : i32
    %dma_start3A_45 = tpu.memref_slice %arg7[%dma_start3A_37, %dma_start3A_38, %dma_start3A_44] : memref<2x80x125xi32, #tpu.memory_space<vmem>> -> memref<1x1x125xi32, #tpu.memory_space<vmem>>
    %dma_start3A_46 = tpu.memref_squeeze %dma_start3A_45 : memref<1x1x125xi32, #tpu.memory_space<vmem>> -> memref<125xi32, #tpu.memory_space<vmem>>
    %dma_start3A_47 = arith.constant 0 : i32
    %dma_start3A_48 = arith.constant 0 : i32
    %dma_start3A_49 = tpu.memref_slice %arg2[%dma_start3A_47, %dma_start3A_48] : memref<10000x128xbf16, #tpu.memory_space<hbm>> -> memref<10000x128xbf16, #tpu.memory_space<hbm>>
    tpu.enqueue_indirect_dma source(%dma_start3A_49 : memref<10000x128xbf16, #tpu.memory_space<hbm>>) target(%dma_start3A_43 : memref<125x128xbf16, #tpu.memory_space<vmem>>) offsets(%dma_start3A_46 : memref<125xi32, #tpu.memory_space<vmem>>) semaphore(%arg10 : memref<!tpu.dma_semaphore, #tpu.memory_space<semaphore_mem>>)
    %dma_start3A_50 = arith.constant 0 : i32
    %dma_start3A_51 = arith.constant 3 : i32
    %dma_start3A_52 = arith.constant 3 : i32
    %dma_start3A_53 = arith.constant 0 : i32
    %dma_start3A_54 = arith.constant 0 : i32
    %dma_start3A_55 = tpu.memref_slice %arg8[%dma_start3A_52, %dma_start3A_53, %dma_start3A_54] : memref<4x125x128xbf16, #tpu.memory_space<vmem>> -> memref<1x125x128xbf16, #tpu.memory_space<vmem>>
    %dma_start3A_56 = tpu.memref_squeeze %dma_start3A_55 : memref<1x125x128xbf16, #tpu.memory_space<vmem>> -> memref<125x128xbf16, #tpu.memory_space<vmem>>
    %dma_start3A_57 = arith.constant 0 : i32
    %dma_start3A_58 = tpu.memref_slice %arg7[%dma_start3A_50, %dma_start3A_51, %dma_start3A_57] : memref<2x80x125xi32, #tpu.memory_space<vmem>> -> memref<1x1x125xi32, #tpu.memory_space<vmem>>
    %dma_start3A_59 = tpu.memref_squeeze %dma_start3A_58 : memref<1x1x125xi32, #tpu.memory_space<vmem>> -> memref<125xi32, #tpu.memory_space<vmem>>
    %dma_start3A_60 = arith.constant 0 : i32
    %dma_start3A_61 = arith.constant 0 : i32
    %dma_start3A_62 = tpu.memref_slice %arg2[%dma_start3A_60, %dma_start3A_61] : memref<10000x128xbf16, #tpu.memory_space<hbm>> -> memref<10000x128xbf16, #tpu.memory_space<hbm>>
    tpu.enqueue_indirect_dma source(%dma_start3A_62 : memref<10000x128xbf16, #tpu.memory_space<hbm>>) target(%dma_start3A_56 : memref<125x128xbf16, #tpu.memory_space<vmem>>) offsets(%dma_start3A_59 : memref<125xi32, #tpu.memory_space<vmem>>) semaphore(%arg10 : memref<!tpu.dma_semaphore, #tpu.memory_space<semaphore_mem>>)
    %barrier3A = arith.constant 0 : index
    tpu.barrier barrier_id(%barrier3A)
    %scan3A = arith.constant 0 : i32
    %scan3A_63 = arith.constant 0 : i32
    %scan3A_64 = arith.constant 20 : i32
    %scan3A_65 = arith.addi %scan3A_63, %scan3A_64 : i32
    %scan3A_66 = arith.constant 1 : i32
    scf.for %scan3A_154 = %scan3A_63 to %scan3A_65 step %scan3A_66  : i32 {
      %mul3A_155 = arith.constant 4 : i32
      %mul3A_156 = arith.muli %scan3A_154, %mul3A_155 : i32
      %add3A_157 = arith.constant 0 : i32
      %add3A_158 = arith.addi %mul3A_156, %add3A_157 : i32
      %dma_wait3A_159 = arith.constant 0 : i32
      %dma_wait3A_160 = arith.constant 0 : i32
      %dma_wait3A_161 = arith.constant 0 : i32
      %dma_wait3A_162 = arith.constant 0 : i32
      %dma_wait3A_163 = tpu.memref_slice %arg8[%dma_wait3A_160, %dma_wait3A_161, %dma_wait3A_162] : memref<4x125x128xbf16, #tpu.memory_space<vmem>> -> memref<1x125x128xbf16, #tpu.memory_space<vmem>>
      %dma_wait3A_164 = tpu.memref_squeeze %dma_wait3A_163 : memref<1x125x128xbf16, #tpu.memory_space<vmem>> -> memref<125x128xbf16, #tpu.memory_space<vmem>>
      %dma_wait3A_165 = arith.constant 0 : i32
      %dma_wait3A_166 = tpu.memref_slice %arg7[%dma_wait3A_159, %add3A_158, %dma_wait3A_165] : memref<2x80x125xi32, #tpu.memory_space<vmem>> -> memref<1x1x125xi32, #tpu.memory_space<vmem>>
      %dma_wait3A_167 = tpu.memref_squeeze %dma_wait3A_166 : memref<1x1x125xi32, #tpu.memory_space<vmem>> -> memref<125xi32, #tpu.memory_space<vmem>>
      %dma_wait3A_168 = arith.constant 0 : i32
      %dma_wait3A_169 = arith.constant 0 : i32
      %dma_wait3A_170 = tpu.memref_slice %arg2[%dma_wait3A_168, %dma_wait3A_169] : memref<10000x128xbf16, #tpu.memory_space<hbm>> -> memref<10000x128xbf16, #tpu.memory_space<hbm>>
      tpu.wait_indirect_dma semaphore(%arg10 : memref<!tpu.dma_semaphore, #tpu.memory_space<semaphore_mem>>) src(%dma_wait3A_170 : memref<10000x128xbf16, #tpu.memory_space<hbm>>) dst(%dma_wait3A_164 : memref<125x128xbf16, #tpu.memory_space<vmem>>)
      %dma_start3A_171 = arith.constant 0 : i32
      %dma_start3A_172 = arith.constant 1 : i32
      %dma_start3A_173 = arith.constant 0 : i32
      %dma_start3A_174 = arith.constant 0 : i32
      %dma_start3A_175 = arith.constant 0 : i32
      %dma_start3A_176 = tpu.memref_slice %arg8[%dma_start3A_171, %dma_start3A_174, %dma_start3A_175] : memref<4x125x128xbf16, #tpu.memory_space<vmem>> -> memref<1x125x128xbf16, #tpu.memory_space<vmem>>
      %dma_start3A_177 = tpu.memref_squeeze %dma_start3A_176 : memref<1x125x128xbf16, #tpu.memory_space<vmem>> -> memref<125x128xbf16, #tpu.memory_space<vmem>>
      %dma_start3A_178 = arith.constant 0 : i32
      %dma_start3A_179 = tpu.memref_slice %arg7[%dma_start3A_172, %add3A_158, %dma_start3A_178] : memref<2x80x125xi32, #tpu.memory_space<vmem>> -> memref<1x1x125xi32, #tpu.memory_space<vmem>>
      %dma_start3A_180 = tpu.memref_squeeze %dma_start3A_179 : memref<1x1x125xi32, #tpu.memory_space<vmem>> -> memref<125xi32, #tpu.memory_space<vmem>>
      %dma_start3A_181 = arith.constant 0 : i32
      %dma_start3A_182 = arith.constant 0 : i32
      %dma_start3A_183 = tpu.memref_slice %arg9[%dma_start3A_181, %dma_start3A_182] : memref<10000x128xbf16, #tpu.memory_space<vmem_shared>> -> memref<10000x128xbf16, #tpu.memory_space<vmem_shared>>
      %dma_start3A_184 = tpu.memref_slice %arg11[%dma_start3A_173] : memref<4x!tpu.dma_semaphore, #tpu.memory_space<semaphore_mem>> -> memref<1x!tpu.dma_semaphore, #tpu.memory_space<semaphore_mem>>
      %dma_start3A_185 = tpu.memref_squeeze %dma_start3A_184 : memref<1x!tpu.dma_semaphore, #tpu.memory_space<semaphore_mem>> -> memref<!tpu.dma_semaphore, #tpu.memory_space<semaphore_mem>>
      tpu.enqueue_indirect_dma source(%dma_start3A_177 : memref<125x128xbf16, #tpu.memory_space<vmem>>) target(%dma_start3A_183 : memref<10000x128xbf16, #tpu.memory_space<vmem_shared>>) offsets(%dma_start3A_180 : memref<125xi32, #tpu.memory_space<vmem>>) semaphore(%dma_start3A_185 : memref<!tpu.dma_semaphore, #tpu.memory_space<semaphore_mem>>) {add = true}
      %ge3A = arith.constant 1 : i32
      %ge3A_186 = arith.cmpi sge, %add3A_158, %ge3A : i32
      %convert_element_type3A_187 = arith.extui %ge3A_186 : i1 to i32
      %cond3A_188 = arith.constant 0 : i32
      %cond3A_189 = arith.cmpi ne, %convert_element_type3A_187, %cond3A_188 : i32
      scf.if %cond3A_189 {
        %dma_wait3A_298 = arith.constant 3 : i32
        %dma_wait3A_299 = arith.constant 1 : i32
        %dma_wait3A_300 = arith.constant 3 : i32
        %dma_wait3A_301 = arith.constant 0 : i32
        %dma_wait3A_302 = arith.constant 0 : i32
        %dma_wait3A_303 = tpu.memref_slice %arg8[%dma_wait3A_298, %dma_wait3A_301, %dma_wait3A_302] : memref<4x125x128xbf16, #tpu.memory_space<vmem>> -> memref<1x125x128xbf16, #tpu.memory_space<vmem>>
        %dma_wait3A_304 = tpu.memref_squeeze %dma_wait3A_303 : memref<1x125x128xbf16, #tpu.memory_space<vmem>> -> memref<125x128xbf16, #tpu.memory_space<vmem>>
        %dma_wait3A_305 = arith.constant 0 : i32
        %dma_wait3A_306 = tpu.memref_slice %arg7[%dma_wait3A_299, %add3A_158, %dma_wait3A_305] : memref<2x80x125xi32, #tpu.memory_space<vmem>> -> memref<1x1x125xi32, #tpu.memory_space<vmem>>
        %dma_wait3A_307 = tpu.memref_squeeze %dma_wait3A_306 : memref<1x1x125xi32, #tpu.memory_space<vmem>> -> memref<125xi32, #tpu.memory_space<vmem>>
        %dma_wait3A_308 = arith.constant 0 : i32
        %dma_wait3A_309 = arith.constant 0 : i32
        %dma_wait3A_310 = tpu.memref_slice %arg9[%dma_wait3A_308, %dma_wait3A_309] : memref<10000x128xbf16, #tpu.memory_space<vmem_shared>> -> memref<10000x128xbf16, #tpu.memory_space<vmem_shared>>
        %dma_wait3A_311 = tpu.memref_slice %arg11[%dma_wait3A_300] : memref<4x!tpu.dma_semaphore, #tpu.memory_space<semaphore_mem>> -> memref<1x!tpu.dma_semaphore, #tpu.memory_space<semaphore_mem>>
        %dma_wait3A_312 = tpu.memref_squeeze %dma_wait3A_311 : memref<1x!tpu.dma_semaphore, #tpu.memory_space<semaphore_mem>> -> memref<!tpu.dma_semaphore, #tpu.memory_space<semaphore_mem>>
        tpu.wait_indirect_dma semaphore(%dma_wait3A_312 : memref<!tpu.dma_semaphore, #tpu.memory_space<semaphore_mem>>) src(%dma_wait3A_304 : memref<125x128xbf16, #tpu.memory_space<vmem>>) dst(%dma_wait3A_310 : memref<10000x128xbf16, #tpu.memory_space<vmem_shared>>)
        %sub3A = arith.constant 1 : i32
        %sub3A_313 = arith.subi %add3A_158, %sub3A : i32
        %add3A_314 = arith.constant 4 : i32
        %add3A_315 = arith.addi %sub3A_313, %add3A_314 : i32
        %min3A = arith.constant 79 : i32
        %min3A_316 = arith.minsi %add3A_315, %min3A : i32
        %dma_start3A_317 = arith.constant 0 : i32
        %dma_start3A_318 = arith.constant 3 : i32
        %dma_start3A_319 = arith.constant 0 : i32
        %dma_start3A_320 = arith.constant 0 : i32
        %dma_start3A_321 = tpu.memref_slice %arg8[%dma_start3A_318, %dma_start3A_319, %dma_start3A_320] : memref<4x125x128xbf16, #tpu.memory_space<vmem>> -> memref<1x125x128xbf16, #tpu.memory_space<vmem>>
        %dma_start3A_322 = tpu.memref_squeeze %dma_start3A_321 : memref<1x125x128xbf16, #tpu.memory_space<vmem>> -> memref<125x128xbf16, #tpu.memory_space<vmem>>
        %dma_start3A_323 = arith.constant 0 : i32
        %dma_start3A_324 = tpu.memref_slice %arg7[%dma_start3A_317, %min3A_316, %dma_start3A_323] : memref<2x80x125xi32, #tpu.memory_space<vmem>> -> memref<1x1x125xi32, #tpu.memory_space<vmem>>
        %dma_start3A_325 = tpu.memref_squeeze %dma_start3A_324 : memref<1x1x125xi32, #tpu.memory_space<vmem>> -> memref<125xi32, #tpu.memory_space<vmem>>
        %dma_start3A_326 = arith.constant 0 : i32
        %dma_start3A_327 = arith.constant 0 : i32
        %dma_start3A_328 = tpu.memref_slice %arg2[%dma_start3A_326, %dma_start3A_327] : memref<10000x128xbf16, #tpu.memory_space<hbm>> -> memref<10000x128xbf16, #tpu.memory_space<hbm>>
        tpu.enqueue_indirect_dma source(%dma_start3A_328 : memref<10000x128xbf16, #tpu.memory_space<hbm>>) target(%dma_start3A_322 : memref<125x128xbf16, #tpu.memory_space<vmem>>) offsets(%dma_start3A_325 : memref<125xi32, #tpu.memory_space<vmem>>) semaphore(%arg10 : memref<!tpu.dma_semaphore, #tpu.memory_space<semaphore_mem>>)
      } else {
      }
      %mul3A_190 = arith.constant 4 : i32
      %mul3A_191 = arith.muli %scan3A_154, %mul3A_190 : i32
      %add3A_192 = arith.constant 1 : i32
      %add3A_193 = arith.addi %mul3A_191, %add3A_192 : i32
      %dma_wait3A_194 = arith.constant 0 : i32
      %dma_wait3A_195 = arith.constant 1 : i32
      %dma_wait3A_196 = arith.constant 0 : i32
      %dma_wait3A_197 = arith.constant 0 : i32
      %dma_wait3A_198 = tpu.memref_slice %arg8[%dma_wait3A_195, %dma_wait3A_196, %dma_wait3A_197] : memref<4x125x128xbf16, #tpu.memory_space<vmem>> -> memref<1x125x128xbf16, #tpu.memory_space<vmem>>
      %dma_wait3A_199 = tpu.memref_squeeze %dma_wait3A_198 : memref<1x125x128xbf16, #tpu.memory_space<vmem>> -> memref<125x128xbf16, #tpu.memory_space<vmem>>
      %dma_wait3A_200 = arith.constant 0 : i32
      %dma_wait3A_201 = tpu.memref_slice %arg7[%dma_wait3A_194, %add3A_193, %dma_wait3A_200] : memref<2x80x125xi32, #tpu.memory_space<vmem>> -> memref<1x1x125xi32, #tpu.memory_space<vmem>>
      %dma_wait3A_202 = tpu.memref_squeeze %dma_wait3A_201 : memref<1x1x125xi32, #tpu.memory_space<vmem>> -> memref<125xi32, #tpu.memory_space<vmem>>
      %dma_wait3A_203 = arith.constant 0 : i32
      %dma_wait3A_204 = arith.constant 0 : i32
      %dma_wait3A_205 = tpu.memref_slice %arg2[%dma_wait3A_203, %dma_wait3A_204] : memref<10000x128xbf16, #tpu.memory_space<hbm>> -> memref<10000x128xbf16, #tpu.memory_space<hbm>>
      tpu.wait_indirect_dma semaphore(%arg10 : memref<!tpu.dma_semaphore, #tpu.memory_space<semaphore_mem>>) src(%dma_wait3A_205 : memref<10000x128xbf16, #tpu.memory_space<hbm>>) dst(%dma_wait3A_199 : memref<125x128xbf16, #tpu.memory_space<vmem>>)
      %dma_start3A_206 = arith.constant 1 : i32
      %dma_start3A_207 = arith.constant 1 : i32
      %dma_start3A_208 = arith.constant 1 : i32
      %dma_start3A_209 = arith.constant 0 : i32
      %dma_start3A_210 = arith.constant 0 : i32
      %dma_start3A_211 = tpu.memref_slice %arg8[%dma_start3A_206, %dma_start3A_209, %dma_start3A_210] : memref<4x125x128xbf16, #tpu.memory_space<vmem>> -> memref<1x125x128xbf16, #tpu.memory_space<vmem>>
      %dma_start3A_212 = tpu.memref_squeeze %dma_start3A_211 : memref<1x125x128xbf16, #tpu.memory_space<vmem>> -> memref<125x128xbf16, #tpu.memory_space<vmem>>
      %dma_start3A_213 = arith.constant 0 : i32
      %dma_start3A_214 = tpu.memref_slice %arg7[%dma_start3A_207, %add3A_193, %dma_start3A_213] : memref<2x80x125xi32, #tpu.memory_space<vmem>> -> memref<1x1x125xi32, #tpu.memory_space<vmem>>
      %dma_start3A_215 = tpu.memref_squeeze %dma_start3A_214 : memref<1x1x125xi32, #tpu.memory_space<vmem>> -> memref<125xi32, #tpu.memory_space<vmem>>
      %dma_start3A_216 = arith.constant 0 : i32
      %dma_start3A_217 = arith.constant 0 : i32
      %dma_start3A_218 = tpu.memref_slice %arg9[%dma_start3A_216, %dma_start3A_217] : memref<10000x128xbf16, #tpu.memory_space<vmem_shared>> -> memref<10000x128xbf16, #tpu.memory_space<vmem_shared>>
      %dma_start3A_219 = tpu.memref_slice %arg11[%dma_start3A_208] : memref<4x!tpu.dma_semaphore, #tpu.memory_space<semaphore_mem>> -> memref<1x!tpu.dma_semaphore, #tpu.memory_space<semaphore_mem>>
      %dma_start3A_220 = tpu.memref_squeeze %dma_start3A_219 : memref<1x!tpu.dma_semaphore, #tpu.memory_space<semaphore_mem>> -> memref<!tpu.dma_semaphore, #tpu.memory_space<semaphore_mem>>
      tpu.enqueue_indirect_dma source(%dma_start3A_212 : memref<125x128xbf16, #tpu.memory_space<vmem>>) target(%dma_start3A_218 : memref<10000x128xbf16, #tpu.memory_space<vmem_shared>>) offsets(%dma_start3A_215 : memref<125xi32, #tpu.memory_space<vmem>>) semaphore(%dma_start3A_220 : memref<!tpu.dma_semaphore, #tpu.memory_space<semaphore_mem>>) {add = true}
      %ge3A_221 = arith.constant 1 : i32
      %ge3A_222 = arith.cmpi sge, %add3A_193, %ge3A_221 : i32
      %convert_element_type3A_223 = arith.extui %ge3A_222 : i1 to i32
      %cond3A_224 = arith.constant 0 : i32
      %cond3A_225 = arith.cmpi ne, %convert_element_type3A_223, %cond3A_224 : i32
      scf.if %cond3A_225 {
        %dma_wait3A_298 = arith.constant 0 : i32
        %dma_wait3A_299 = arith.constant 1 : i32
        %dma_wait3A_300 = arith.constant 0 : i32
        %dma_wait3A_301 = arith.constant 0 : i32
        %dma_wait3A_302 = arith.constant 0 : i32
        %dma_wait3A_303 = tpu.memref_slice %arg8[%dma_wait3A_298, %dma_wait3A_301, %dma_wait3A_302] : memref<4x125x128xbf16, #tpu.memory_space<vmem>> -> memref<1x125x128xbf16, #tpu.memory_space<vmem>>
        %dma_wait3A_304 = tpu.memref_squeeze %dma_wait3A_303 : memref<1x125x128xbf16, #tpu.memory_space<vmem>> -> memref<125x128xbf16, #tpu.memory_space<vmem>>
        %dma_wait3A_305 = arith.constant 0 : i32
        %dma_wait3A_306 = tpu.memref_slice %arg7[%dma_wait3A_299, %add3A_193, %dma_wait3A_305] : memref<2x80x125xi32, #tpu.memory_space<vmem>> -> memref<1x1x125xi32, #tpu.memory_space<vmem>>
        %dma_wait3A_307 = tpu.memref_squeeze %dma_wait3A_306 : memref<1x1x125xi32, #tpu.memory_space<vmem>> -> memref<125xi32, #tpu.memory_space<vmem>>
        %dma_wait3A_308 = arith.constant 0 : i32
        %dma_wait3A_309 = arith.constant 0 : i32
        %dma_wait3A_310 = tpu.memref_slice %arg9[%dma_wait3A_308, %dma_wait3A_309] : memref<10000x128xbf16, #tpu.memory_space<vmem_shared>> -> memref<10000x128xbf16, #tpu.memory_space<vmem_shared>>
        %dma_wait3A_311 = tpu.memref_slice %arg11[%dma_wait3A_300] : memref<4x!tpu.dma_semaphore, #tpu.memory_space<semaphore_mem>> -> memref<1x!tpu.dma_semaphore, #tpu.memory_space<semaphore_mem>>
        %dma_wait3A_312 = tpu.memref_squeeze %dma_wait3A_311 : memref<1x!tpu.dma_semaphore, #tpu.memory_space<semaphore_mem>> -> memref<!tpu.dma_semaphore, #tpu.memory_space<semaphore_mem>>
        tpu.wait_indirect_dma semaphore(%dma_wait3A_312 : memref<!tpu.dma_semaphore, #tpu.memory_space<semaphore_mem>>) src(%dma_wait3A_304 : memref<125x128xbf16, #tpu.memory_space<vmem>>) dst(%dma_wait3A_310 : memref<10000x128xbf16, #tpu.memory_space<vmem_shared>>)
        %sub3A = arith.constant 1 : i32
        %sub3A_313 = arith.subi %add3A_193, %sub3A : i32
        %add3A_314 = arith.constant 4 : i32
        %add3A_315 = arith.addi %sub3A_313, %add3A_314 : i32
        %min3A = arith.constant 79 : i32
        %min3A_316 = arith.minsi %add3A_315, %min3A : i32
        %dma_start3A_317 = arith.constant 0 : i32
        %dma_start3A_318 = arith.constant 0 : i32
        %dma_start3A_319 = arith.constant 0 : i32
        %dma_start3A_320 = arith.constant 0 : i32
        %dma_start3A_321 = tpu.memref_slice %arg8[%dma_start3A_318, %dma_start3A_319, %dma_start3A_320] : memref<4x125x128xbf16, #tpu.memory_space<vmem>> -> memref<1x125x128xbf16, #tpu.memory_space<vmem>>
        %dma_start3A_322 = tpu.memref_squeeze %dma_start3A_321 : memref<1x125x128xbf16, #tpu.memory_space<vmem>> -> memref<125x128xbf16, #tpu.memory_space<vmem>>
        %dma_start3A_323 = arith.constant 0 : i32
        %dma_start3A_324 = tpu.memref_slice %arg7[%dma_start3A_317, %min3A_316, %dma_start3A_323] : memref<2x80x125xi32, #tpu.memory_space<vmem>> -> memref<1x1x125xi32, #tpu.memory_space<vmem>>
        %dma_start3A_325 = tpu.memref_squeeze %dma_start3A_324 : memref<1x1x125xi32, #tpu.memory_space<vmem>> -> memref<125xi32, #tpu.memory_space<vmem>>
        %dma_start3A_326 = arith.constant 0 : i32
        %dma_start3A_327 = arith.constant 0 : i32
        %dma_start3A_328 = tpu.memref_slice %arg2[%dma_start3A_326, %dma_start3A_327] : memref<10000x128xbf16, #tpu.memory_space<hbm>> -> memref<10000x128xbf16, #tpu.memory_space<hbm>>
        tpu.enqueue_indirect_dma source(%dma_start3A_328 : memref<10000x128xbf16, #tpu.memory_space<hbm>>) target(%dma_start3A_322 : memref<125x128xbf16, #tpu.memory_space<vmem>>) offsets(%dma_start3A_325 : memref<125xi32, #tpu.memory_space<vmem>>) semaphore(%arg10 : memref<!tpu.dma_semaphore, #tpu.memory_space<semaphore_mem>>)
      } else {
      }
      %mul3A_226 = arith.constant 4 : i32
      %mul3A_227 = arith.muli %scan3A_154, %mul3A_226 : i32
      %add3A_228 = arith.constant 2 : i32
      %add3A_229 = arith.addi %mul3A_227, %add3A_228 : i32
      %dma_wait3A_230 = arith.constant 0 : i32
      %dma_wait3A_231 = arith.constant 2 : i32
      %dma_wait3A_232 = arith.constant 0 : i32
      %dma_wait3A_233 = arith.constant 0 : i32
      %dma_wait3A_234 = tpu.memref_slice %arg8[%dma_wait3A_231, %dma_wait3A_232, %dma_wait3A_233] : memref<4x125x128xbf16, #tpu.memory_space<vmem>> -> memref<1x125x128xbf16, #tpu.memory_space<vmem>>
      %dma_wait3A_235 = tpu.memref_squeeze %dma_wait3A_234 : memref<1x125x128xbf16, #tpu.memory_space<vmem>> -> memref<125x128xbf16, #tpu.memory_space<vmem>>
      %dma_wait3A_236 = arith.constant 0 : i32
      %dma_wait3A_237 = tpu.memref_slice %arg7[%dma_wait3A_230, %add3A_229, %dma_wait3A_236] : memref<2x80x125xi32, #tpu.memory_space<vmem>> -> memref<1x1x125xi32, #tpu.memory_space<vmem>>
      %dma_wait3A_238 = tpu.memref_squeeze %dma_wait3A_237 : memref<1x1x125xi32, #tpu.memory_space<vmem>> -> memref<125xi32, #tpu.memory_space<vmem>>
      %dma_wait3A_239 = arith.constant 0 : i32
      %dma_wait3A_240 = arith.constant 0 : i32
      %dma_wait3A_241 = tpu.memref_slice %arg2[%dma_wait3A_239, %dma_wait3A_240] : memref<10000x128xbf16, #tpu.memory_space<hbm>> -> memref<10000x128xbf16, #tpu.memory_space<hbm>>
      tpu.wait_indirect_dma semaphore(%arg10 : memref<!tpu.dma_semaphore, #tpu.memory_space<semaphore_mem>>) src(%dma_wait3A_241 : memref<10000x128xbf16, #tpu.memory_space<hbm>>) dst(%dma_wait3A_235 : memref<125x128xbf16, #tpu.memory_space<vmem>>)
      %dma_start3A_242 = arith.constant 2 : i32
      %dma_start3A_243 = arith.constant 1 : i32
      %dma_start3A_244 = arith.constant 2 : i32
      %dma_start3A_245 = arith.constant 0 : i32
      %dma_start3A_246 = arith.constant 0 : i32
      %dma_start3A_247 = tpu.memref_slice %arg8[%dma_start3A_242, %dma_start3A_245, %dma_start3A_246] : memref<4x125x128xbf16, #tpu.memory_space<vmem>> -> memref<1x125x128xbf16, #tpu.memory_space<vmem>>
      %dma_start3A_248 = tpu.memref_squeeze %dma_start3A_247 : memref<1x125x128xbf16, #tpu.memory_space<vmem>> -> memref<125x128xbf16, #tpu.memory_space<vmem>>
      %dma_start3A_249 = arith.constant 0 : i32
      %dma_start3A_250 = tpu.memref_slice %arg7[%dma_start3A_243, %add3A_229, %dma_start3A_249] : memref<2x80x125xi32, #tpu.memory_space<vmem>> -> memref<1x1x125xi32, #tpu.memory_space<vmem>>
      %dma_start3A_251 = tpu.memref_squeeze %dma_start3A_250 : memref<1x1x125xi32, #tpu.memory_space<vmem>> -> memref<125xi32, #tpu.memory_space<vmem>>
      %dma_start3A_252 = arith.constant 0 : i32
      %dma_start3A_253 = arith.constant 0 : i32
      %dma_start3A_254 = tpu.memref_slice %arg9[%dma_start3A_252, %dma_start3A_253] : memref<10000x128xbf16, #tpu.memory_space<vmem_shared>> -> memref<10000x128xbf16, #tpu.memory_space<vmem_shared>>
      %dma_start3A_255 = tpu.memref_slice %arg11[%dma_start3A_244] : memref<4x!tpu.dma_semaphore, #tpu.memory_space<semaphore_mem>> -> memref<1x!tpu.dma_semaphore, #tpu.memory_space<semaphore_mem>>
      %dma_start3A_256 = tpu.memref_squeeze %dma_start3A_255 : memref<1x!tpu.dma_semaphore, #tpu.memory_space<semaphore_mem>> -> memref<!tpu.dma_semaphore, #tpu.memory_space<semaphore_mem>>
      tpu.enqueue_indirect_dma source(%dma_start3A_248 : memref<125x128xbf16, #tpu.memory_space<vmem>>) target(%dma_start3A_254 : memref<10000x128xbf16, #tpu.memory_space<vmem_shared>>) offsets(%dma_start3A_251 : memref<125xi32, #tpu.memory_space<vmem>>) semaphore(%dma_start3A_256 : memref<!tpu.dma_semaphore, #tpu.memory_space<semaphore_mem>>) {add = true}
      %ge3A_257 = arith.constant 1 : i32
      %ge3A_258 = arith.cmpi sge, %add3A_229, %ge3A_257 : i32
      %convert_element_type3A_259 = arith.extui %ge3A_258 : i1 to i32
      %cond3A_260 = arith.constant 0 : i32
      %cond3A_261 = arith.cmpi ne, %convert_element_type3A_259, %cond3A_260 : i32
      scf.if %cond3A_261 {
        %dma_wait3A_298 = arith.constant 1 : i32
        %dma_wait3A_299 = arith.constant 1 : i32
        %dma_wait3A_300 = arith.constant 1 : i32
        %dma_wait3A_301 = arith.constant 0 : i32
        %dma_wait3A_302 = arith.constant 0 : i32
        %dma_wait3A_303 = tpu.memref_slice %arg8[%dma_wait3A_298, %dma_wait3A_301, %dma_wait3A_302] : memref<4x125x128xbf16, #tpu.memory_space<vmem>> -> memref<1x125x128xbf16, #tpu.memory_space<vmem>>
        %dma_wait3A_304 = tpu.memref_squeeze %dma_wait3A_303 : memref<1x125x128xbf16, #tpu.memory_space<vmem>> -> memref<125x128xbf16, #tpu.memory_space<vmem>>
        %dma_wait3A_305 = arith.constant 0 : i32
        %dma_wait3A_306 = tpu.memref_slice %arg7[%dma_wait3A_299, %add3A_229, %dma_wait3A_305] : memref<2x80x125xi32, #tpu.memory_space<vmem>> -> memref<1x1x125xi32, #tpu.memory_space<vmem>>
        %dma_wait3A_307 = tpu.memref_squeeze %dma_wait3A_306 : memref<1x1x125xi32, #tpu.memory_space<vmem>> -> memref<125xi32, #tpu.memory_space<vmem>>
        %dma_wait3A_308 = arith.constant 0 : i32
        %dma_wait3A_309 = arith.constant 0 : i32
        %dma_wait3A_310 = tpu.memref_slice %arg9[%dma_wait3A_308, %dma_wait3A_309] : memref<10000x128xbf16, #tpu.memory_space<vmem_shared>> -> memref<10000x128xbf16, #tpu.memory_space<vmem_shared>>
        %dma_wait3A_311 = tpu.memref_slice %arg11[%dma_wait3A_300] : memref<4x!tpu.dma_semaphore, #tpu.memory_space<semaphore_mem>> -> memref<1x!tpu.dma_semaphore, #tpu.memory_space<semaphore_mem>>
        %dma_wait3A_312 = tpu.memref_squeeze %dma_wait3A_311 : memref<1x!tpu.dma_semaphore, #tpu.memory_space<semaphore_mem>> -> memref<!tpu.dma_semaphore, #tpu.memory_space<semaphore_mem>>
        tpu.wait_indirect_dma semaphore(%dma_wait3A_312 : memref<!tpu.dma_semaphore, #tpu.memory_space<semaphore_mem>>) src(%dma_wait3A_304 : memref<125x128xbf16, #tpu.memory_space<vmem>>) dst(%dma_wait3A_310 : memref<10000x128xbf16, #tpu.memory_space<vmem_shared>>)
        %sub3A = arith.constant 1 : i32
        %sub3A_313 = arith.subi %add3A_229, %sub3A : i32
        %add3A_314 = arith.constant 4 : i32
        %add3A_315 = arith.addi %sub3A_313, %add3A_314 : i32
        %min3A = arith.constant 79 : i32
        %min3A_316 = arith.minsi %add3A_315, %min3A : i32
        %dma_start3A_317 = arith.constant 0 : i32
        %dma_start3A_318 = arith.constant 1 : i32
        %dma_start3A_319 = arith.constant 0 : i32
        %dma_start3A_320 = arith.constant 0 : i32
        %dma_start3A_321 = tpu.memref_slice %arg8[%dma_start3A_318, %dma_start3A_319, %dma_start3A_320] : memref<4x125x128xbf16, #tpu.memory_space<vmem>> -> memref<1x125x128xbf16, #tpu.memory_space<vmem>>
        %dma_start3A_322 = tpu.memref_squeeze %dma_start3A_321 : memref<1x125x128xbf16, #tpu.memory_space<vmem>> -> memref<125x128xbf16, #tpu.memory_space<vmem>>
        %dma_start3A_323 = arith.constant 0 : i32
        %dma_start3A_324 = tpu.memref_slice %arg7[%dma_start3A_317, %min3A_316, %dma_start3A_323] : memref<2x80x125xi32, #tpu.memory_space<vmem>> -> memref<1x1x125xi32, #tpu.memory_space<vmem>>
        %dma_start3A_325 = tpu.memref_squeeze %dma_start3A_324 : memref<1x1x125xi32, #tpu.memory_space<vmem>> -> memref<125xi32, #tpu.memory_space<vmem>>
        %dma_start3A_326 = arith.constant 0 : i32
        %dma_start3A_327 = arith.constant 0 : i32
        %dma_start3A_328 = tpu.memref_slice %arg2[%dma_start3A_326, %dma_start3A_327] : memref<10000x128xbf16, #tpu.memory_space<hbm>> -> memref<10000x128xbf16, #tpu.memory_space<hbm>>
        tpu.enqueue_indirect_dma source(%dma_start3A_328 : memref<10000x128xbf16, #tpu.memory_space<hbm>>) target(%dma_start3A_322 : memref<125x128xbf16, #tpu.memory_space<vmem>>) offsets(%dma_start3A_325 : memref<125xi32, #tpu.memory_space<vmem>>) semaphore(%arg10 : memref<!tpu.dma_semaphore, #tpu.memory_space<semaphore_mem>>)
      } else {
      }
      %mul3A_262 = arith.constant 4 : i32
      %mul3A_263 = arith.muli %scan3A_154, %mul3A_262 : i32
      %add3A_264 = arith.constant 3 : i32
      %add3A_265 = arith.addi %mul3A_263, %add3A_264 : i32
      %dma_wait3A_266 = arith.constant 0 : i32
      %dma_wait3A_267 = arith.constant 3 : i32
      %dma_wait3A_268 = arith.constant 0 : i32
      %dma_wait3A_269 = arith.constant 0 : i32
      %dma_wait3A_270 = tpu.memref_slice %arg8[%dma_wait3A_267, %dma_wait3A_268, %dma_wait3A_269] : memref<4x125x128xbf16, #tpu.memory_space<vmem>> -> memref<1x125x128xbf16, #tpu.memory_space<vmem>>
      %dma_wait3A_271 = tpu.memref_squeeze %dma_wait3A_270 : memref<1x125x128xbf16, #tpu.memory_space<vmem>> -> memref<125x128xbf16, #tpu.memory_space<vmem>>
      %dma_wait3A_272 = arith.constant 0 : i32
      %dma_wait3A_273 = tpu.memref_slice %arg7[%dma_wait3A_266, %add3A_265, %dma_wait3A_272] : memref<2x80x125xi32, #tpu.memory_space<vmem>> -> memref<1x1x125xi32, #tpu.memory_space<vmem>>
      %dma_wait3A_274 = tpu.memref_squeeze %dma_wait3A_273 : memref<1x1x125xi32, #tpu.memory_space<vmem>> -> memref<125xi32, #tpu.memory_space<vmem>>
      %dma_wait3A_275 = arith.constant 0 : i32
      %dma_wait3A_276 = arith.constant 0 : i32
      %dma_wait3A_277 = tpu.memref_slice %arg2[%dma_wait3A_275, %dma_wait3A_276] : memref<10000x128xbf16, #tpu.memory_space<hbm>> -> memref<10000x128xbf16, #tpu.memory_space<hbm>>
      tpu.wait_indirect_dma semaphore(%arg10 : memref<!tpu.dma_semaphore, #tpu.memory_space<semaphore_mem>>) src(%dma_wait3A_277 : memref<10000x128xbf16, #tpu.memory_space<hbm>>) dst(%dma_wait3A_271 : memref<125x128xbf16, #tpu.memory_space<vmem>>)
      %dma_start3A_278 = arith.constant 3 : i32
      %dma_start3A_279 = arith.constant 1 : i32
      %dma_start3A_280 = arith.constant 3 : i32
      %dma_start3A_281 = arith.constant 0 : i32
      %dma_start3A_282 = arith.constant 0 : i32
      %dma_start3A_283 = tpu.memref_slice %arg8[%dma_start3A_278, %dma_start3A_281, %dma_start3A_282] : memref<4x125x128xbf16, #tpu.memory_space<vmem>> -> memref<1x125x128xbf16, #tpu.memory_space<vmem>>
      %dma_start3A_284 = tpu.memref_squeeze %dma_start3A_283 : memref<1x125x128xbf16, #tpu.memory_space<vmem>> -> memref<125x128xbf16, #tpu.memory_space<vmem>>
      %dma_start3A_285 = arith.constant 0 : i32
      %dma_start3A_286 = tpu.memref_slice %arg7[%dma_start3A_279, %add3A_265, %dma_start3A_285] : memref<2x80x125xi32, #tpu.memory_space<vmem>> -> memref<1x1x125xi32, #tpu.memory_space<vmem>>
      %dma_start3A_287 = tpu.memref_squeeze %dma_start3A_286 : memref<1x1x125xi32, #tpu.memory_space<vmem>> -> memref<125xi32, #tpu.memory_space<vmem>>
      %dma_start3A_288 = arith.constant 0 : i32
      %dma_start3A_289 = arith.constant 0 : i32
      %dma_start3A_290 = tpu.memref_slice %arg9[%dma_start3A_288, %dma_start3A_289] : memref<10000x128xbf16, #tpu.memory_space<vmem_shared>> -> memref<10000x128xbf16, #tpu.memory_space<vmem_shared>>
      %dma_start3A_291 = tpu.memref_slice %arg11[%dma_start3A_280] : memref<4x!tpu.dma_semaphore, #tpu.memory_space<semaphore_mem>> -> memref<1x!tpu.dma_semaphore, #tpu.memory_space<semaphore_mem>>
      %dma_start3A_292 = tpu.memref_squeeze %dma_start3A_291 : memref<1x!tpu.dma_semaphore, #tpu.memory_space<semaphore_mem>> -> memref<!tpu.dma_semaphore, #tpu.memory_space<semaphore_mem>>
      tpu.enqueue_indirect_dma source(%dma_start3A_284 : memref<125x128xbf16, #tpu.memory_space<vmem>>) target(%dma_start3A_290 : memref<10000x128xbf16, #tpu.memory_space<vmem_shared>>) offsets(%dma_start3A_287 : memref<125xi32, #tpu.memory_space<vmem>>) semaphore(%dma_start3A_292 : memref<!tpu.dma_semaphore, #tpu.memory_space<semaphore_mem>>) {add = true}
      %ge3A_293 = arith.constant 1 : i32
      %ge3A_294 = arith.cmpi sge, %add3A_265, %ge3A_293 : i32
      %convert_element_type3A_295 = arith.extui %ge3A_294 : i1 to i32
      %cond3A_296 = arith.constant 0 : i32
      %cond3A_297 = arith.cmpi ne, %convert_element_type3A_295, %cond3A_296 : i32
      scf.if %cond3A_297 {
        %dma_wait3A_298 = arith.constant 2 : i32
        %dma_wait3A_299 = arith.constant 1 : i32
        %dma_wait3A_300 = arith.constant 2 : i32
        %dma_wait3A_301 = arith.constant 0 : i32
        %dma_wait3A_302 = arith.constant 0 : i32
        %dma_wait3A_303 = tpu.memref_slice %arg8[%dma_wait3A_298, %dma_wait3A_301, %dma_wait3A_302] : memref<4x125x128xbf16, #tpu.memory_space<vmem>> -> memref<1x125x128xbf16, #tpu.memory_space<vmem>>
        %dma_wait3A_304 = tpu.memref_squeeze %dma_wait3A_303 : memref<1x125x128xbf16, #tpu.memory_space<vmem>> -> memref<125x128xbf16, #tpu.memory_space<vmem>>
        %dma_wait3A_305 = arith.constant 0 : i32
        %dma_wait3A_306 = tpu.memref_slice %arg7[%dma_wait3A_299, %add3A_265, %dma_wait3A_305] : memref<2x80x125xi32, #tpu.memory_space<vmem>> -> memref<1x1x125xi32, #tpu.memory_space<vmem>>
        %dma_wait3A_307 = tpu.memref_squeeze %dma_wait3A_306 : memref<1x1x125xi32, #tpu.memory_space<vmem>> -> memref<125xi32, #tpu.memory_space<vmem>>
        %dma_wait3A_308 = arith.constant 0 : i32
        %dma_wait3A_309 = arith.constant 0 : i32
        %dma_wait3A_310 = tpu.memref_slice %arg9[%dma_wait3A_308, %dma_wait3A_309] : memref<10000x128xbf16, #tpu.memory_space<vmem_shared>> -> memref<10000x128xbf16, #tpu.memory_space<vmem_shared>>
        %dma_wait3A_311 = tpu.memref_slice %arg11[%dma_wait3A_300] : memref<4x!tpu.dma_semaphore, #tpu.memory_space<semaphore_mem>> -> memref<1x!tpu.dma_semaphore, #tpu.memory_space<semaphore_mem>>
        %dma_wait3A_312 = tpu.memref_squeeze %dma_wait3A_311 : memref<1x!tpu.dma_semaphore, #tpu.memory_space<semaphore_mem>> -> memref<!tpu.dma_semaphore, #tpu.memory_space<semaphore_mem>>
        tpu.wait_indirect_dma semaphore(%dma_wait3A_312 : memref<!tpu.dma_semaphore, #tpu.memory_space<semaphore_mem>>) src(%dma_wait3A_304 : memref<125x128xbf16, #tpu.memory_space<vmem>>) dst(%dma_wait3A_310 : memref<10000x128xbf16, #tpu.memory_space<vmem_shared>>)
        %sub3A = arith.constant 1 : i32
        %sub3A_313 = arith.subi %add3A_265, %sub3A : i32
        %add3A_314 = arith.constant 4 : i32
        %add3A_315 = arith.addi %sub3A_313, %add3A_314 : i32
        %min3A = arith.constant 79 : i32
        %min3A_316 = arith.minsi %add3A_315, %min3A : i32
        %dma_start3A_317 = arith.constant 0 : i32
        %dma_start3A_318 = arith.constant 2 : i32
        %dma_start3A_319 = arith.constant 0 : i32
        %dma_start3A_320 = arith.constant 0 : i32
        %dma_start3A_321 = tpu.memref_slice %arg8[%dma_start3A_318, %dma_start3A_319, %dma_start3A_320] : memref<4x125x128xbf16, #tpu.memory_space<vmem>> -> memref<1x125x128xbf16, #tpu.memory_space<vmem>>
        %dma_start3A_322 = tpu.memref_squeeze %dma_start3A_321 : memref<1x125x128xbf16, #tpu.memory_space<vmem>> -> memref<125x128xbf16, #tpu.memory_space<vmem>>
        %dma_start3A_323 = arith.constant 0 : i32
        %dma_start3A_324 = tpu.memref_slice %arg7[%dma_start3A_317, %min3A_316, %dma_start3A_323] : memref<2x80x125xi32, #tpu.memory_space<vmem>> -> memref<1x1x125xi32, #tpu.memory_space<vmem>>
        %dma_start3A_325 = tpu.memref_squeeze %dma_start3A_324 : memref<1x1x125xi32, #tpu.memory_space<vmem>> -> memref<125xi32, #tpu.memory_space<vmem>>
        %dma_start3A_326 = arith.constant 0 : i32
        %dma_start3A_327 = arith.constant 0 : i32
        %dma_start3A_328 = tpu.memref_slice %arg2[%dma_start3A_326, %dma_start3A_327] : memref<10000x128xbf16, #tpu.memory_space<hbm>> -> memref<10000x128xbf16, #tpu.memory_space<hbm>>
        tpu.enqueue_indirect_dma source(%dma_start3A_328 : memref<10000x128xbf16, #tpu.memory_space<hbm>>) target(%dma_start3A_322 : memref<125x128xbf16, #tpu.memory_space<vmem>>) offsets(%dma_start3A_325 : memref<125xi32, #tpu.memory_space<vmem>>) semaphore(%arg10 : memref<!tpu.dma_semaphore, #tpu.memory_space<semaphore_mem>>)
      } else {
      }
    }
    %scan3A_67 = arith.constant 20 : i32
    %dma_wait3A = arith.constant 3 : i32
    %dma_wait3A_68 = arith.constant 1 : i32
    %dma_wait3A_69 = arith.constant 79 : i32
    %dma_wait3A_70 = arith.constant 3 : i32
    %dma_wait3A_71 = arith.constant 0 : i32
    %dma_wait3A_72 = arith.constant 0 : i32
    %dma_wait3A_73 = tpu.memref_slice %arg8[%dma_wait3A, %dma_wait3A_71, %dma_wait3A_72] : memref<4x125x128xbf16, #tpu.memory_space<vmem>> -> memref<1x125x128xbf16, #tpu.memory_space<vmem>>
    %dma_wait3A_74 = tpu.memref_squeeze %dma_wait3A_73 : memref<1x125x128xbf16, #tpu.memory_space<vmem>> -> memref<125x128xbf16, #tpu.memory_space<vmem>>
    %dma_wait3A_75 = arith.constant 0 : i32
    %dma_wait3A_76 = tpu.memref_slice %arg7[%dma_wait3A_68, %dma_wait3A_69, %dma_wait3A_75] : memref<2x80x125xi32, #tpu.memory_space<vmem>> -> memref<1x1x125xi32, #tpu.memory_space<vmem>>
    %dma_wait3A_77 = tpu.memref_squeeze %dma_wait3A_76 : memref<1x1x125xi32, #tpu.memory_space<vmem>> -> memref<125xi32, #tpu.memory_space<vmem>>
    %dma_wait3A_78 = arith.constant 0 : i32
    %dma_wait3A_79 = arith.constant 0 : i32
    %dma_wait3A_80 = tpu.memref_slice %arg9[%dma_wait3A_78, %dma_wait3A_79] : memref<10000x128xbf16, #tpu.memory_space<vmem_shared>> -> memref<10000x128xbf16, #tpu.memory_space<vmem_shared>>
    %dma_wait3A_81 = tpu.memref_slice %arg11[%dma_wait3A_70] : memref<4x!tpu.dma_semaphore, #tpu.memory_space<semaphore_mem>> -> memref<1x!tpu.dma_semaphore, #tpu.memory_space<semaphore_mem>>
    %dma_wait3A_82 = tpu.memref_squeeze %dma_wait3A_81 : memref<1x!tpu.dma_semaphore, #tpu.memory_space<semaphore_mem>> -> memref<!tpu.dma_semaphore, #tpu.memory_space<semaphore_mem>>
    tpu.wait_indirect_dma semaphore(%dma_wait3A_82 : memref<!tpu.dma_semaphore, #tpu.memory_space<semaphore_mem>>) src(%dma_wait3A_74 : memref<125x128xbf16, #tpu.memory_space<vmem>>) dst(%dma_wait3A_80 : memref<10000x128xbf16, #tpu.memory_space<vmem_shared>>)
    %dma_wait3A_83 = arith.constant 0 : i32
    %dma_wait3A_84 = arith.constant 0 : i32
    %dma_wait3A_85 = arith.constant 0 : i32
    %dma_wait3A_86 = arith.constant 0 : i32
    %dma_wait3A_87 = arith.constant 0 : i32
    %dma_wait3A_88 = tpu.memref_slice %arg8[%dma_wait3A_85, %dma_wait3A_86, %dma_wait3A_87] : memref<4x125x128xbf16, #tpu.memory_space<vmem>> -> memref<1x125x128xbf16, #tpu.memory_space<vmem>>
    %dma_wait3A_89 = tpu.memref_squeeze %dma_wait3A_88 : memref<1x125x128xbf16, #tpu.memory_space<vmem>> -> memref<125x128xbf16, #tpu.memory_space<vmem>>
    %dma_wait3A_90 = arith.constant 0 : i32
    %dma_wait3A_91 = tpu.memref_slice %arg7[%dma_wait3A_83, %dma_wait3A_84, %dma_wait3A_90] : memref<2x80x125xi32, #tpu.memory_space<vmem>> -> memref<1x1x125xi32, #tpu.memory_space<vmem>>
    %dma_wait3A_92 = tpu.memref_squeeze %dma_wait3A_91 : memref<1x1x125xi32, #tpu.memory_space<vmem>> -> memref<125xi32, #tpu.memory_space<vmem>>
    %dma_wait3A_93 = arith.constant 0 : i32
    %dma_wait3A_94 = arith.constant 0 : i32
    %dma_wait3A_95 = tpu.memref_slice %arg2[%dma_wait3A_93, %dma_wait3A_94] : memref<10000x128xbf16, #tpu.memory_space<hbm>> -> memref<10000x128xbf16, #tpu.memory_space<hbm>>
    tpu.wait_indirect_dma semaphore(%arg10 : memref<!tpu.dma_semaphore, #tpu.memory_space<semaphore_mem>>) src(%dma_wait3A_95 : memref<10000x128xbf16, #tpu.memory_space<hbm>>) dst(%dma_wait3A_89 : memref<125x128xbf16, #tpu.memory_space<vmem>>)
    %dma_wait3A_96 = arith.constant 0 : i32
    %dma_wait3A_97 = arith.constant 0 : i32
    %dma_wait3A_98 = arith.constant 1 : i32
    %dma_wait3A_99 = arith.constant 0 : i32
    %dma_wait3A_100 = arith.constant 0 : i32
    %dma_wait3A_101 = tpu.memref_slice %arg8[%dma_wait3A_98, %dma_wait3A_99, %dma_wait3A_100] : memref<4x125x128xbf16, #tpu.memory_space<vmem>> -> memref<1x125x128xbf16, #tpu.memory_space<vmem>>
    %dma_wait3A_102 = tpu.memref_squeeze %dma_wait3A_101 : memref<1x125x128xbf16, #tpu.memory_space<vmem>> -> memref<125x128xbf16, #tpu.memory_space<vmem>>
    %dma_wait3A_103 = arith.constant 0 : i32
    %dma_wait3A_104 = tpu.memref_slice %arg7[%dma_wait3A_96, %dma_wait3A_97, %dma_wait3A_103] : memref<2x80x125xi32, #tpu.memory_space<vmem>> -> memref<1x1x125xi32, #tpu.memory_space<vmem>>
    %dma_wait3A_105 = tpu.memref_squeeze %dma_wait3A_104 : memref<1x1x125xi32, #tpu.memory_space<vmem>> -> memref<125xi32, #tpu.memory_space<vmem>>
    %dma_wait3A_106 = arith.constant 0 : i32
    %dma_wait3A_107 = arith.constant 0 : i32
    %dma_wait3A_108 = tpu.memref_slice %arg2[%dma_wait3A_106, %dma_wait3A_107] : memref<10000x128xbf16, #tpu.memory_space<hbm>> -> memref<10000x128xbf16, #tpu.memory_space<hbm>>
    tpu.wait_indirect_dma semaphore(%arg10 : memref<!tpu.dma_semaphore, #tpu.memory_space<semaphore_mem>>) src(%dma_wait3A_108 : memref<10000x128xbf16, #tpu.memory_space<hbm>>) dst(%dma_wait3A_102 : memref<125x128xbf16, #tpu.memory_space<vmem>>)
    %dma_wait3A_109 = arith.constant 0 : i32
    %dma_wait3A_110 = arith.constant 0 : i32
    %dma_wait3A_111 = arith.constant 2 : i32
    %dma_wait3A_112 = arith.constant 0 : i32
    %dma_wait3A_113 = arith.constant 0 : i32
    %dma_wait3A_114 = tpu.memref_slice %arg8[%dma_wait3A_111, %dma_wait3A_112, %dma_wait3A_113] : memref<4x125x128xbf16, #tpu.memory_space<vmem>> -> memref<1x125x128xbf16, #tpu.memory_space<vmem>>
    %dma_wait3A_115 = tpu.memref_squeeze %dma_wait3A_114 : memref<1x125x128xbf16, #tpu.memory_space<vmem>> -> memref<125x128xbf16, #tpu.memory_space<vmem>>
    %dma_wait3A_116 = arith.constant 0 : i32
    %dma_wait3A_117 = tpu.memref_slice %arg7[%dma_wait3A_109, %dma_wait3A_110, %dma_wait3A_116] : memref<2x80x125xi32, #tpu.memory_space<vmem>> -> memref<1x1x125xi32, #tpu.memory_space<vmem>>
    %dma_wait3A_118 = tpu.memref_squeeze %dma_wait3A_117 : memref<1x1x125xi32, #tpu.memory_space<vmem>> -> memref<125xi32, #tpu.memory_space<vmem>>
    %dma_wait3A_119 = arith.constant 0 : i32
    %dma_wait3A_120 = arith.constant 0 : i32
    %dma_wait3A_121 = tpu.memref_slice %arg2[%dma_wait3A_119, %dma_wait3A_120] : memref<10000x128xbf16, #tpu.memory_space<hbm>> -> memref<10000x128xbf16, #tpu.memory_space<hbm>>
    tpu.wait_indirect_dma semaphore(%arg10 : memref<!tpu.dma_semaphore, #tpu.memory_space<semaphore_mem>>) src(%dma_wait3A_121 : memref<10000x128xbf16, #tpu.memory_space<hbm>>) dst(%dma_wait3A_115 : memref<125x128xbf16, #tpu.memory_space<vmem>>)
    %barrier3A_122 = arith.constant 0 : index
    tpu.barrier barrier_id(%barrier3A_122)
    %eq3A_123 = arith.constant 0 : i32
    %eq3A_124 = arith.cmpi eq, %arg0, %eq3A_123 : i32
    %lt3A_125 = arith.constant 15 : i32
    %lt3A_126 = arith.cmpi slt, %arg1, %lt3A_125 : i32
    %and3A = arith.andi %eq3A_124, %lt3A_126 : i1
    %convert_element_type3A_127 = arith.extui %and3A : i1 to i32
    %cond3A_128 = arith.constant 0 : i32
    %cond3A_129 = arith.cmpi ne, %convert_element_type3A_127, %cond3A_128 : i32
    scf.if %cond3A_129 {
      "tpu.region"() ({
        %run_scoped3A_154 = tpu.sem_alloc : memref<!tpu.dma_semaphore, #tpu.memory_space<semaphore_mem>>
        %dma_start3A_155 = arith.constant 0 : i32
        %dma_start3A_156 = tpu.memref_slice %arg5[%multiple_of3A, %dma_start3A_155] : memref<10000x128xbf16, #tpu.memory_space<hbm>> -> memref<632x128xbf16, #tpu.memory_space<hbm>>
        %dma_start3A_157 = arith.constant 0 : i32
        %dma_start3A_158 = tpu.memref_slice %arg9[%multiple_of3A, %dma_start3A_157] : memref<10000x128xbf16, #tpu.memory_space<vmem_shared>> -> memref<632x128xbf16, #tpu.memory_space<vmem_shared>>
        tpu.enqueue_dma source(%dma_start3A_158 : memref<632x128xbf16, #tpu.memory_space<vmem_shared>>) target(%dma_start3A_156 : memref<632x128xbf16, #tpu.memory_space<hbm>>) target_semaphore(%run_scoped3A_154 : memref<!tpu.dma_semaphore, #tpu.memory_space<semaphore_mem>>)
        %dma_wait3A_159 = arith.constant 0 : i32
        %dma_wait3A_160 = tpu.memref_slice %arg5[%multiple_of3A, %dma_wait3A_159] : memref<10000x128xbf16, #tpu.memory_space<hbm>> -> memref<632x128xbf16, #tpu.memory_space<hbm>>
        %dma_wait3A_161 = arith.constant 0 : i32
        %dma_wait3A_162 = tpu.memref_slice %arg9[%multiple_of3A, %dma_wait3A_161] : memref<10000x128xbf16, #tpu.memory_space<vmem_shared>> -> memref<632x128xbf16, #tpu.memory_space<vmem_shared>>
        tpu.wait_dma2 semaphore(%run_scoped3A_154 : memref<!tpu.dma_semaphore, #tpu.memory_space<semaphore_mem>>) src(%dma_wait3A_162 : memref<632x128xbf16, #tpu.memory_space<vmem_shared>>) dst(%dma_wait3A_160 : memref<632x128xbf16, #tpu.memory_space<hbm>>)
        tpu.yield
      }) : () -> ()
    } else {
    }
    %eq3A_130 = arith.constant 0 : i32
    %eq3A_131 = arith.cmpi eq, %arg0, %eq3A_130 : i32
    %eq3A_132 = arith.constant 15 : i32
    %eq3A_133 = arith.cmpi eq, %arg1, %eq3A_132 : i32
    %and3A_134 = arith.andi %eq3A_131, %eq3A_133 : i1
    %convert_element_type3A_135 = arith.extui %and3A_134 : i1 to i32
    %cond3A_136 = arith.constant 0 : i32
    %cond3A_137 = arith.cmpi ne, %convert_element_type3A_135, %cond3A_136 : i32
    scf.if %cond3A_137 {
      "tpu.region"() ({
        %run_scoped3A_154 = tpu.sem_alloc : memref<!tpu.dma_semaphore, #tpu.memory_space<semaphore_mem>>
        %dma_start3A_155 = arith.constant 9480 : i32
        %dma_start3A_156 = arith.constant 0 : i32
        %dma_start3A_157 = tpu.memref_slice %arg5[%dma_start3A_155, %dma_start3A_156] : memref<10000x128xbf16, #tpu.memory_space<hbm>> -> memref<520x128xbf16, #tpu.memory_space<hbm>>
        %dma_start3A_158 = arith.constant 9480 : i32
        %dma_start3A_159 = arith.constant 0 : i32
        %dma_start3A_160 = tpu.memref_slice %arg9[%dma_start3A_158, %dma_start3A_159] : memref<10000x128xbf16, #tpu.memory_space<vmem_shared>> -> memref<520x128xbf16, #tpu.memory_space<vmem_shared>>
        tpu.enqueue_dma source(%dma_start3A_160 : memref<520x128xbf16, #tpu.memory_space<vmem_shared>>) target(%dma_start3A_157 : memref<520x128xbf16, #tpu.memory_space<hbm>>) target_semaphore(%run_scoped3A_154 : memref<!tpu.dma_semaphore, #tpu.memory_space<semaphore_mem>>)
        %dma_wait3A_161 = arith.constant 9480 : i32
        %dma_wait3A_162 = arith.constant 0 : i32
        %dma_wait3A_163 = tpu.memref_slice %arg5[%dma_wait3A_161, %dma_wait3A_162] : memref<10000x128xbf16, #tpu.memory_space<hbm>> -> memref<520x128xbf16, #tpu.memory_space<hbm>>
        %dma_wait3A_164 = arith.constant 9480 : i32
        %dma_wait3A_165 = arith.constant 0 : i32
        %dma_wait3A_166 = tpu.memref_slice %arg9[%dma_wait3A_164, %dma_wait3A_165] : memref<10000x128xbf16, #tpu.memory_space<vmem_shared>> -> memref<520x128xbf16, #tpu.memory_space<vmem_shared>>
        tpu.wait_dma2 semaphore(%run_scoped3A_154 : memref<!tpu.dma_semaphore, #tpu.memory_space<semaphore_mem>>) src(%dma_wait3A_166 : memref<520x128xbf16, #tpu.memory_space<vmem_shared>>) dst(%dma_wait3A_163 : memref<520x128xbf16, #tpu.memory_space<hbm>>)
        tpu.yield
      }) : () -> ()
    } else {
    }
    %eq3A_138 = arith.constant 1 : i32
    %eq3A_139 = arith.cmpi eq, %arg0, %eq3A_138 : i32
    %lt3A_140 = arith.constant 15 : i32
    %lt3A_141 = arith.cmpi slt, %arg1, %lt3A_140 : i32
    %and3A_142 = arith.andi %eq3A_139, %lt3A_141 : i1
    %convert_element_type3A_143 = arith.extui %and3A_142 : i1 to i32
    %cond3A_144 = arith.constant 0 : i32
    %cond3A_145 = arith.cmpi ne, %convert_element_type3A_143, %cond3A_144 : i32
    scf.if %cond3A_145 {
      "tpu.region"() ({
        %run_scoped3A_154 = tpu.sem_alloc : memref<!tpu.dma_semaphore, #tpu.memory_space<semaphore_mem>>
        %dma_start3A_155 = arith.constant 0 : i32
        %dma_start3A_156 = tpu.memref_slice %arg6[%multiple_of3A, %dma_start3A_155] : memref<10000x128xbf16, #tpu.memory_space<hbm>> -> memref<632x128xbf16, #tpu.memory_space<hbm>>
        %dma_start3A_157 = arith.constant 0 : i32
        %dma_start3A_158 = tpu.memref_slice %arg9[%multiple_of3A, %dma_start3A_157] : memref<10000x128xbf16, #tpu.memory_space<vmem_shared>> -> memref<632x128xbf16, #tpu.memory_space<vmem_shared>>
        tpu.enqueue_dma source(%dma_start3A_158 : memref<632x128xbf16, #tpu.memory_space<vmem_shared>>) target(%dma_start3A_156 : memref<632x128xbf16, #tpu.memory_space<hbm>>) target_semaphore(%run_scoped3A_154 : memref<!tpu.dma_semaphore, #tpu.memory_space<semaphore_mem>>)
        %dma_wait3A_159 = arith.constant 0 : i32
        %dma_wait3A_160 = tpu.memref_slice %arg6[%multiple_of3A, %dma_wait3A_159] : memref<10000x128xbf16, #tpu.memory_space<hbm>> -> memref<632x128xbf16, #tpu.memory_space<hbm>>
        %dma_wait3A_161 = arith.constant 0 : i32
        %dma_wait3A_162 = tpu.memref_slice %arg9[%multiple_of3A, %dma_wait3A_161] : memref<10000x128xbf16, #tpu.memory_space<vmem_shared>> -> memref<632x128xbf16, #tpu.memory_space<vmem_shared>>
        tpu.wait_dma2 semaphore(%run_scoped3A_154 : memref<!tpu.dma_semaphore, #tpu.memory_space<semaphore_mem>>) src(%dma_wait3A_162 : memref<632x128xbf16, #tpu.memory_space<vmem_shared>>) dst(%dma_wait3A_160 : memref<632x128xbf16, #tpu.memory_space<hbm>>)
        tpu.yield
      }) : () -> ()
    } else {
    }
    %eq3A_146 = arith.constant 1 : i32
    %eq3A_147 = arith.cmpi eq, %arg0, %eq3A_146 : i32
    %eq3A_148 = arith.constant 15 : i32
    %eq3A_149 = arith.cmpi eq, %arg1, %eq3A_148 : i32
    %and3A_150 = arith.andi %eq3A_147, %eq3A_149 : i1
    %convert_element_type3A_151 = arith.extui %and3A_150 : i1 to i32
    %cond3A_152 = arith.constant 0 : i32
    %cond3A_153 = arith.cmpi ne, %convert_element_type3A_151, %cond3A_152 : i32
    scf.if %cond3A_153 {
      "tpu.region"() ({
        %run_scoped3A_154 = tpu.sem_alloc : memref<!tpu.dma_semaphore, #tpu.memory_space<semaphore_mem>>
        %dma_start3A_155 = arith.constant 9480 : i32
        %dma_start3A_156 = arith.constant 0 : i32
        %dma_start3A_157 = tpu.memref_slice %arg6[%dma_start3A_155, %dma_start3A_156] : memref<10000x128xbf16, #tpu.memory_space<hbm>> -> memref<520x128xbf16, #tpu.memory_space<hbm>>
        %dma_start3A_158 = arith.constant 9480 : i32
        %dma_start3A_159 = arith.constant 0 : i32
        %dma_start3A_160 = tpu.memref_slice %arg9[%dma_start3A_158, %dma_start3A_159] : memref<10000x128xbf16, #tpu.memory_space<vmem_shared>> -> memref<520x128xbf16, #tpu.memory_space<vmem_shared>>
        tpu.enqueue_dma source(%dma_start3A_160 : memref<520x128xbf16, #tpu.memory_space<vmem_shared>>) target(%dma_start3A_157 : memref<520x128xbf16, #tpu.memory_space<hbm>>) target_semaphore(%run_scoped3A_154 : memref<!tpu.dma_semaphore, #tpu.memory_space<semaphore_mem>>)
        %dma_wait3A_161 = arith.constant 9480 : i32
        %dma_wait3A_162 = arith.constant 0 : i32
        %dma_wait3A_163 = tpu.memref_slice %arg6[%dma_wait3A_161, %dma_wait3A_162] : memref<10000x128xbf16, #tpu.memory_space<hbm>> -> memref<520x128xbf16, #tpu.memory_space<hbm>>
        %dma_wait3A_164 = arith.constant 9480 : i32
        %dma_wait3A_165 = arith.constant 0 : i32
        %dma_wait3A_166 = tpu.memref_slice %arg9[%dma_wait3A_164, %dma_wait3A_165] : memref<10000x128xbf16, #tpu.memory_space<vmem_shared>> -> memref<520x128xbf16, #tpu.memory_space<vmem_shared>>
        tpu.wait_dma2 semaphore(%run_scoped3A_154 : memref<!tpu.dma_semaphore, #tpu.memory_space<semaphore_mem>>) src(%dma_wait3A_166 : memref<520x128xbf16, #tpu.memory_space<vmem_shared>>) dst(%dma_wait3A_163 : memref<520x128xbf16, #tpu.memory_space<hbm>>)
        tpu.yield
      }) : () -> ()
    } else {
    }
    return
  }
}

#map = affine_map<(d0, d1) -> (0, 0)>
#map1 = affine_map<(d0, d1) -> (0, 0, 0, 0)>
module attributes {stable_mosaic.version = 14 : i64} {
  func.func @_segsum_sc(%arg0: i32, %arg1: i32, %arg2: memref<10000x128xbf16, #tpu.memory_space<hbm>>, %arg3: memref<2x32x80x125xi32, #tpu.memory_space<hbm>>, %arg4: memref<632x128xbf16, #tpu.memory_space<hbm>>, %arg5: memref<10000x128xbf16, #tpu.memory_space<hbm>>, %arg6: memref<10000x128xbf16, #tpu.memory_space<hbm>>, %arg7: memref<2x80x125xi32, #tpu.memory_space<vmem>>, %arg8: memref<4x125x128xbf16, #tpu.memory_space<vmem>>, %arg9: memref<10000x128xbf16, #tpu.memory_space<vmem_shared>>, %arg10: memref<!tpu.dma_semaphore, #tpu.memory_space<semaphore_mem>>, %arg11: memref<4x!tpu.dma_semaphore, #tpu.memory_space<semaphore_mem>>) attributes {dimension_semantics = [#tpu.dimension_semantics<core_parallel>, #tpu.dimension_semantics<subcore_parallel>], iteration_bounds = array<i64: 2, 16>, scalar_prefetch = 0 : i64, scratch_operands = 5 : i64, tpu.core_type = #tpu.core_type<sc_vector_subcore>, window_params = [{transform_indices = #map}, {transform_indices = #map1}, {transform_indices = #map}, {transform_indices = #map}, {transform_indices = #map}]} {
    %mul3A = arith.constant 2 : i32
    %mul3A_0 = arith.muli %arg1, %mul3A : i32
    %add3A = arith.addi %mul3A_0, %arg0 : i32
    %mul3A_1 = arith.constant 632 : i32
    %mul3A_2 = arith.muli %arg1, %mul3A_1 : i32
    %multiple_of3A = tpu.assume_multiple %mul3A_2, 8 : i32
    %run_scoped3A = arith.constant 0 : i32
    %run_scoped3A_3 = arith.constant 0 : i32
    "tpu.region"() ({
      %run_scoped3A_154 = tpu.sem_alloc : memref<!tpu.dma_semaphore, #tpu.memory_space<semaphore_mem>>
      %dma_start3A_155 = arith.constant 0 : i32
      %dma_start3A_156 = arith.constant 0 : i32
      %dma_start3A_157 = tpu.memref_slice %arg7[%run_scoped3A_3, %dma_start3A_155, %dma_start3A_156] : memref<2x80x125xi32, #tpu.memory_space<vmem>> -> memref<1x80x125xi32, #tpu.memory_space<vmem>>
      %dma_start3A_158 = tpu.memref_squeeze %dma_start3A_157 : memref<1x80x125xi32, #tpu.memory_space<vmem>> -> memref<80x125xi32, #tpu.memory_space<vmem>>
      %dma_start3A_159 = arith.constant 0 : i32
      %dma_start3A_160 = arith.constant 0 : i32
      %dma_start3A_161 = tpu.memref_slice %arg3[%run_scoped3A, %add3A, %dma_start3A_159, %dma_start3A_160] : memref<2x32x80x125xi32, #tpu.memory_space<hbm>> -> memref<1x1x80x125xi32, #tpu.memory_space<hbm>>
      %dma_start3A_162 = tpu.memref_squeeze %dma_start3A_161 : memref<1x1x80x125xi32, #tpu.memory_space<hbm>> -> memref<80x125xi32, #tpu.memory_space<hbm>>
      %dma_start3A_163 = arith.constant 0 : i32
      %dma_start3A_164 = arith.constant 0 : i32
      %dma_start3A_165 = tpu.memref_slice %arg7[%run_scoped3A_3, %dma_start3A_163, %dma_start3A_164] : memref<2x80x125xi32, #tpu.memory_space<vmem>> -> memref<1x80x125xi32, #tpu.memory_space<vmem>>
      %dma_start3A_166 = tpu.memref_squeeze %dma_start3A_165 : memref<1x80x125xi32, #tpu.memory_space<vmem>> -> memref<80x125xi32, #tpu.memory_space<vmem>>
      %dma_start3A_167 = arith.constant 0 : i32
      %dma_start3A_168 = arith.constant 0 : i32
      %dma_start3A_169 = tpu.memref_slice %arg3[%run_scoped3A, %add3A, %dma_start3A_167, %dma_start3A_168] : memref<2x32x80x125xi32, #tpu.memory_space<hbm>> -> memref<1x1x80x125xi32, #tpu.memory_space<hbm>>
      %dma_start3A_170 = tpu.memref_squeeze %dma_start3A_169 : memref<1x1x80x125xi32, #tpu.memory_space<hbm>> -> memref<80x125xi32, #tpu.memory_space<hbm>>
      tpu.enqueue_dma source(%dma_start3A_170 : memref<80x125xi32, #tpu.memory_space<hbm>>) target(%dma_start3A_166 : memref<80x125xi32, #tpu.memory_space<vmem>>) target_semaphore(%run_scoped3A_154 : memref<!tpu.dma_semaphore, #tpu.memory_space<semaphore_mem>>)
      %dma_wait3A_171 = arith.constant 0 : i32
      %dma_wait3A_172 = arith.constant 0 : i32
      %dma_wait3A_173 = tpu.memref_slice %arg7[%run_scoped3A_3, %dma_wait3A_171, %dma_wait3A_172] : memref<2x80x125xi32, #tpu.memory_space<vmem>> -> memref<1x80x125xi32, #tpu.memory_space<vmem>>
      %dma_wait3A_174 = tpu.memref_squeeze %dma_wait3A_173 : memref<1x80x125xi32, #tpu.memory_space<vmem>> -> memref<80x125xi32, #tpu.memory_space<vmem>>
      %dma_wait3A_175 = arith.constant 0 : i32
      %dma_wait3A_176 = arith.constant 0 : i32
      %dma_wait3A_177 = tpu.memref_slice %arg3[%run_scoped3A, %add3A, %dma_wait3A_175, %dma_wait3A_176] : memref<2x32x80x125xi32, #tpu.memory_space<hbm>> -> memref<1x1x80x125xi32, #tpu.memory_space<hbm>>
      %dma_wait3A_178 = tpu.memref_squeeze %dma_wait3A_177 : memref<1x1x80x125xi32, #tpu.memory_space<hbm>> -> memref<80x125xi32, #tpu.memory_space<hbm>>
      %dma_wait3A_179 = arith.constant 0 : i32
      %dma_wait3A_180 = arith.constant 0 : i32
      %dma_wait3A_181 = tpu.memref_slice %arg7[%run_scoped3A_3, %dma_wait3A_179, %dma_wait3A_180] : memref<2x80x125xi32, #tpu.memory_space<vmem>> -> memref<1x80x125xi32, #tpu.memory_space<vmem>>
      %dma_wait3A_182 = tpu.memref_squeeze %dma_wait3A_181 : memref<1x80x125xi32, #tpu.memory_space<vmem>> -> memref<80x125xi32, #tpu.memory_space<vmem>>
      %dma_wait3A_183 = arith.constant 0 : i32
      %dma_wait3A_184 = arith.constant 0 : i32
      %dma_wait3A_185 = tpu.memref_slice %arg3[%run_scoped3A, %add3A, %dma_wait3A_183, %dma_wait3A_184] : memref<2x32x80x125xi32, #tpu.memory_space<hbm>> -> memref<1x1x80x125xi32, #tpu.memory_space<hbm>>
      %dma_wait3A_186 = tpu.memref_squeeze %dma_wait3A_185 : memref<1x1x80x125xi32, #tpu.memory_space<hbm>> -> memref<80x125xi32, #tpu.memory_space<hbm>>
      tpu.wait_dma2 semaphore(%run_scoped3A_154 : memref<!tpu.dma_semaphore, #tpu.memory_space<semaphore_mem>>) src(%dma_wait3A_186 : memref<80x125xi32, #tpu.memory_space<hbm>>) dst(%dma_wait3A_182 : memref<80x125xi32, #tpu.memory_space<vmem>>)
      tpu.yield
    }) : () -> ()
    %run_scoped3A_4 = arith.constant 1 : i32
    %run_scoped3A_5 = arith.constant 1 : i32
    "tpu.region"() ({
      %run_scoped3A_154 = tpu.sem_alloc : memref<!tpu.dma_semaphore, #tpu.memory_space<semaphore_mem>>
      %dma_start3A_155 = arith.constant 0 : i32
      %dma_start3A_156 = arith.constant 0 : i32
      %dma_start3A_157 = tpu.memref_slice %arg7[%run_scoped3A_5, %dma_start3A_155, %dma_start3A_156] : memref<2x80x125xi32, #tpu.memory_space<vmem>> -> memref<1x80x125xi32, #tpu.memory_space<vmem>>
      %dma_start3A_158 = tpu.memref_squeeze %dma_start3A_157 : memref<1x80x125xi32, #tpu.memory_space<vmem>> -> memref<80x125xi32, #tpu.memory_space<vmem>>
      %dma_start3A_159 = arith.constant 0 : i32
      %dma_start3A_160 = arith.constant 0 : i32
      %dma_start3A_161 = tpu.memref_slice %arg3[%run_scoped3A_4, %add3A, %dma_start3A_159, %dma_start3A_160] : memref<2x32x80x125xi32, #tpu.memory_space<hbm>> -> memref<1x1x80x125xi32, #tpu.memory_space<hbm>>
      %dma_start3A_162 = tpu.memref_squeeze %dma_start3A_161 : memref<1x1x80x125xi32, #tpu.memory_space<hbm>> -> memref<80x125xi32, #tpu.memory_space<hbm>>
      %dma_start3A_163 = arith.constant 0 : i32
      %dma_start3A_164 = arith.constant 0 : i32
      %dma_start3A_165 = tpu.memref_slice %arg7[%run_scoped3A_5, %dma_start3A_163, %dma_start3A_164] : memref<2x80x125xi32, #tpu.memory_space<vmem>> -> memref<1x80x125xi32, #tpu.memory_space<vmem>>
      %dma_start3A_166 = tpu.memref_squeeze %dma_start3A_165 : memref<1x80x125xi32, #tpu.memory_space<vmem>> -> memref<80x125xi32, #tpu.memory_space<vmem>>
      %dma_start3A_167 = arith.constant 0 : i32
      %dma_start3A_168 = arith.constant 0 : i32
      %dma_start3A_169 = tpu.memref_slice %arg3[%run_scoped3A_4, %add3A, %dma_start3A_167, %dma_start3A_168] : memref<2x32x80x125xi32, #tpu.memory_space<hbm>> -> memref<1x1x80x125xi32, #tpu.memory_space<hbm>>
      %dma_start3A_170 = tpu.memref_squeeze %dma_start3A_169 : memref<1x1x80x125xi32, #tpu.memory_space<hbm>> -> memref<80x125xi32, #tpu.memory_space<hbm>>
      tpu.enqueue_dma source(%dma_start3A_170 : memref<80x125xi32, #tpu.memory_space<hbm>>) target(%dma_start3A_166 : memref<80x125xi32, #tpu.memory_space<vmem>>) target_semaphore(%run_scoped3A_154 : memref<!tpu.dma_semaphore, #tpu.memory_space<semaphore_mem>>)
      %dma_wait3A_171 = arith.constant 0 : i32
      %dma_wait3A_172 = arith.constant 0 : i32
      %dma_wait3A_173 = tpu.memref_slice %arg7[%run_scoped3A_5, %dma_wait3A_171, %dma_wait3A_172] : memref<2x80x125xi32, #tpu.memory_space<vmem>> -> memref<1x80x125xi32, #tpu.memory_space<vmem>>
      %dma_wait3A_174 = tpu.memref_squeeze %dma_wait3A_173 : memref<1x80x125xi32, #tpu.memory_space<vmem>> -> memref<80x125xi32, #tpu.memory_space<vmem>>
      %dma_wait3A_175 = arith.constant 0 : i32
      %dma_wait3A_176 = arith.constant 0 : i32
      %dma_wait3A_177 = tpu.memref_slice %arg3[%run_scoped3A_4, %add3A, %dma_wait3A_175, %dma_wait3A_176] : memref<2x32x80x125xi32, #tpu.memory_space<hbm>> -> memref<1x1x80x125xi32, #tpu.memory_space<hbm>>
      %dma_wait3A_178 = tpu.memref_squeeze %dma_wait3A_177 : memref<1x1x80x125xi32, #tpu.memory_space<hbm>> -> memref<80x125xi32, #tpu.memory_space<hbm>>
      %dma_wait3A_179 = arith.constant 0 : i32
      %dma_wait3A_180 = arith.constant 0 : i32
      %dma_wait3A_181 = tpu.memref_slice %arg7[%run_scoped3A_5, %dma_wait3A_179, %dma_wait3A_180] : memref<2x80x125xi32, #tpu.memory_space<vmem>> -> memref<1x80x125xi32, #tpu.memory_space<vmem>>
      %dma_wait3A_182 = tpu.memref_squeeze %dma_wait3A_181 : memref<1x80x125xi32, #tpu.memory_space<vmem>> -> memref<80x125xi32, #tpu.memory_space<vmem>>
      %dma_wait3A_183 = arith.constant 0 : i32
      %dma_wait3A_184 = arith.constant 0 : i32
      %dma_wait3A_185 = tpu.memref_slice %arg3[%run_scoped3A_4, %add3A, %dma_wait3A_183, %dma_wait3A_184] : memref<2x32x80x125xi32, #tpu.memory_space<hbm>> -> memref<1x1x80x125xi32, #tpu.memory_space<hbm>>
      %dma_wait3A_186 = tpu.memref_squeeze %dma_wait3A_185 : memref<1x1x80x125xi32, #tpu.memory_space<hbm>> -> memref<80x125xi32, #tpu.memory_space<hbm>>
      tpu.wait_dma2 semaphore(%run_scoped3A_154 : memref<!tpu.dma_semaphore, #tpu.memory_space<semaphore_mem>>) src(%dma_wait3A_186 : memref<80x125xi32, #tpu.memory_space<hbm>>) dst(%dma_wait3A_182 : memref<80x125xi32, #tpu.memory_space<vmem>>)
      tpu.yield
    }) : () -> ()
    %lt3A = arith.constant 15 : i32
    %lt3A_6 = arith.cmpi slt, %arg1, %lt3A : i32
    %convert_element_type3A = arith.extui %lt3A_6 : i1 to i32
    %cond3A = arith.constant 0 : i32
    %cond3A_7 = arith.cmpi ne, %convert_element_type3A, %cond3A : i32
    scf.if %cond3A_7 {
      "tpu.region"() ({
        %run_scoped3A_154 = tpu.sem_alloc : memref<!tpu.dma_semaphore, #tpu.memory_space<semaphore_mem>>
        %dma_start3A_155 = arith.constant 0 : i32
        %dma_start3A_156 = tpu.memref_slice %arg9[%multiple_of3A, %dma_start3A_155] : memref<10000x128xbf16, #tpu.memory_space<vmem_shared>> -> memref<632x128xbf16, #tpu.memory_space<vmem_shared>>
        tpu.enqueue_dma source(%arg4 : memref<632x128xbf16, #tpu.memory_space<hbm>>) target(%dma_start3A_156 : memref<632x128xbf16, #tpu.memory_space<vmem_shared>>) target_semaphore(%run_scoped3A_154 : memref<!tpu.dma_semaphore, #tpu.memory_space<semaphore_mem>>)
        %dma_wait3A_157 = arith.constant 0 : i32
        %dma_wait3A_158 = tpu.memref_slice %arg9[%multiple_of3A, %dma_wait3A_157] : memref<10000x128xbf16, #tpu.memory_space<vmem_shared>> -> memref<632x128xbf16, #tpu.memory_space<vmem_shared>>
        tpu.wait_dma2 semaphore(%run_scoped3A_154 : memref<!tpu.dma_semaphore, #tpu.memory_space<semaphore_mem>>) src(%arg4 : memref<632x128xbf16, #tpu.memory_space<hbm>>) dst(%dma_wait3A_158 : memref<632x128xbf16, #tpu.memory_space<vmem_shared>>)
        tpu.yield
      }) : () -> ()
    } else {
    }
    %eq3A = arith.constant 15 : i32
    %eq3A_8 = arith.cmpi eq, %arg1, %eq3A : i32
    %convert_element_type3A_9 = arith.extui %eq3A_8 : i1 to i32
    %cond3A_10 = arith.constant 0 : i32
    %cond3A_11 = arith.cmpi ne, %convert_element_type3A_9, %cond3A_10 : i32
    scf.if %cond3A_11 {
      "tpu.region"() ({
        %run_scoped3A_154 = tpu.sem_alloc : memref<!tpu.dma_semaphore, #tpu.memory_space<semaphore_mem>>
        %dma_start3A_155 = arith.constant 9480 : i32
        %dma_start3A_156 = arith.constant 0 : i32
        %dma_start3A_157 = tpu.memref_slice %arg9[%dma_start3A_155, %dma_start3A_156] : memref<10000x128xbf16, #tpu.memory_space<vmem_shared>> -> memref<520x128xbf16, #tpu.memory_space<vmem_shared>>
        %dma_start3A_158 = arith.constant 0 : i32
        %dma_start3A_159 = arith.constant 0 : i32
        %dma_start3A_160 = tpu.memref_slice %arg4[%dma_start3A_158, %dma_start3A_159] : memref<632x128xbf16, #tpu.memory_space<hbm>> -> memref<520x128xbf16, #tpu.memory_space<hbm>>
        tpu.enqueue_dma source(%dma_start3A_160 : memref<520x128xbf16, #tpu.memory_space<hbm>>) target(%dma_start3A_157 : memref<520x128xbf16, #tpu.memory_space<vmem_shared>>) target_semaphore(%run_scoped3A_154 : memref<!tpu.dma_semaphore, #tpu.memory_space<semaphore_mem>>)
        %dma_wait3A_161 = arith.constant 9480 : i32
        %dma_wait3A_162 = arith.constant 0 : i32
        %dma_wait3A_163 = tpu.memref_slice %arg9[%dma_wait3A_161, %dma_wait3A_162] : memref<10000x128xbf16, #tpu.memory_space<vmem_shared>> -> memref<520x128xbf16, #tpu.memory_space<vmem_shared>>
        %dma_wait3A_164 = arith.constant 0 : i32
        %dma_wait3A_165 = arith.constant 0 : i32
        %dma_wait3A_166 = tpu.memref_slice %arg4[%dma_wait3A_164, %dma_wait3A_165] : memref<632x128xbf16, #tpu.memory_space<hbm>> -> memref<520x128xbf16, #tpu.memory_space<hbm>>
        tpu.wait_dma2 semaphore(%run_scoped3A_154 : memref<!tpu.dma_semaphore, #tpu.memory_space<semaphore_mem>>) src(%dma_wait3A_166 : memref<520x128xbf16, #tpu.memory_space<hbm>>) dst(%dma_wait3A_163 : memref<520x128xbf16, #tpu.memory_space<vmem_shared>>)
        tpu.yield
      }) : () -> ()
    } else {
    }
    %dma_start3A = arith.constant 0 : i32
    %dma_start3A_12 = arith.constant 0 : i32
    %dma_start3A_13 = arith.constant 0 : i32
    %dma_start3A_14 = arith.constant 0 : i32
    %dma_start3A_15 = arith.constant 0 : i32
    %dma_start3A_16 = tpu.memref_slice %arg8[%dma_start3A_13, %dma_start3A_14, %dma_start3A_15] : memref<4x125x128xbf16, #tpu.memory_space<vmem>> -> memref<1x125x128xbf16, #tpu.memory_space<vmem>>
    %dma_start3A_17 = tpu.memref_squeeze %dma_start3A_16 : memref<1x125x128xbf16, #tpu.memory_space<vmem>> -> memref<125x128xbf16, #tpu.memory_space<vmem>>
    %dma_start3A_18 = arith.constant 0 : i32
    %dma_start3A_19 = tpu.memref_slice %arg7[%dma_start3A, %dma_start3A_12, %dma_start3A_18] : memref<2x80x125xi32, #tpu.memory_space<vmem>> -> memref<1x1x125xi32, #tpu.memory_space<vmem>>
    %dma_start3A_20 = tpu.memref_squeeze %dma_start3A_19 : memref<1x1x125xi32, #tpu.memory_space<vmem>> -> memref<125xi32, #tpu.memory_space<vmem>>
    %dma_start3A_21 = arith.constant 0 : i32
    %dma_start3A_22 = arith.constant 0 : i32
    %dma_start3A_23 = tpu.memref_slice %arg2[%dma_start3A_21, %dma_start3A_22] : memref<10000x128xbf16, #tpu.memory_space<hbm>> -> memref<10000x128xbf16, #tpu.memory_space<hbm>>
    tpu.enqueue_indirect_dma source(%dma_start3A_23 : memref<10000x128xbf16, #tpu.memory_space<hbm>>) target(%dma_start3A_17 : memref<125x128xbf16, #tpu.memory_space<vmem>>) offsets(%dma_start3A_20 : memref<125xi32, #tpu.memory_space<vmem>>) semaphore(%arg10 : memref<!tpu.dma_semaphore, #tpu.memory_space<semaphore_mem>>)
    %dma_start3A_24 = arith.constant 0 : i32
    %dma_start3A_25 = arith.constant 1 : i32
    %dma_start3A_26 = arith.constant 1 : i32
    %dma_start3A_27 = arith.constant 0 : i32
    %dma_start3A_28 = arith.constant 0 : i32
    %dma_start3A_29 = tpu.memref_slice %arg8[%dma_start3A_26, %dma_start3A_27, %dma_start3A_28] : memref<4x125x128xbf16, #tpu.memory_space<vmem>> -> memref<1x125x128xbf16, #tpu.memory_space<vmem>>
    %dma_start3A_30 = tpu.memref_squeeze %dma_start3A_29 : memref<1x125x128xbf16, #tpu.memory_space<vmem>> -> memref<125x128xbf16, #tpu.memory_space<vmem>>
    %dma_start3A_31 = arith.constant 0 : i32
    %dma_start3A_32 = tpu.memref_slice %arg7[%dma_start3A_24, %dma_start3A_25, %dma_start3A_31] : memref<2x80x125xi32, #tpu.memory_space<vmem>> -> memref<1x1x125xi32, #tpu.memory_space<vmem>>
    %dma_start3A_33 = tpu.memref_squeeze %dma_start3A_32 : memref<1x1x125xi32, #tpu.memory_space<vmem>> -> memref<125xi32, #tpu.memory_space<vmem>>
    %dma_start3A_34 = arith.constant 0 : i32
    %dma_start3A_35 = arith.constant 0 : i32
    %dma_start3A_36 = tpu.memref_slice %arg2[%dma_start3A_34, %dma_start3A_35] : memref<10000x128xbf16, #tpu.memory_space<hbm>> -> memref<10000x128xbf16, #tpu.memory_space<hbm>>
    tpu.enqueue_indirect_dma source(%dma_start3A_36 : memref<10000x128xbf16, #tpu.memory_space<hbm>>) target(%dma_start3A_30 : memref<125x128xbf16, #tpu.memory_space<vmem>>) offsets(%dma_start3A_33 : memref<125xi32, #tpu.memory_space<vmem>>) semaphore(%arg10 : memref<!tpu.dma_semaphore, #tpu.memory_space<semaphore_mem>>)
    %dma_start3A_37 = arith.constant 0 : i32
    %dma_start3A_38 = arith.constant 2 : i32
    %dma_start3A_39 = arith.constant 2 : i32
    %dma_start3A_40 = arith.constant 0 : i32
    %dma_start3A_41 = arith.constant 0 : i32
    %dma_start3A_42 = tpu.memref_slice %arg8[%dma_start3A_39, %dma_start3A_40, %dma_start3A_41] : memref<4x125x128xbf16, #tpu.memory_space<vmem>> -> memref<1x125x128xbf16, #tpu.memory_space<vmem>>
    %dma_start3A_43 = tpu.memref_squeeze %dma_start3A_42 : memref<1x125x128xbf16, #tpu.memory_space<vmem>> -> memref<125x128xbf16, #tpu.memory_space<vmem>>
    %dma_start3A_44 = arith.constant 0 : i32
    %dma_start3A_45 = tpu.memref_slice %arg7[%dma_start3A_37, %dma_start3A_38, %dma_start3A_44] : memref<2x80x125xi32, #tpu.memory_space<vmem>> -> memref<1x1x125xi32, #tpu.memory_space<vmem>>
    %dma_start3A_46 = tpu.memref_squeeze %dma_start3A_45 : memref<1x1x125xi32, #tpu.memory_space<vmem>> -> memref<125xi32, #tpu.memory_space<vmem>>
    %dma_start3A_47 = arith.constant 0 : i32
    %dma_start3A_48 = arith.constant 0 : i32
    %dma_start3A_49 = tpu.memref_slice %arg2[%dma_start3A_47, %dma_start3A_48] : memref<10000x128xbf16, #tpu.memory_space<hbm>> -> memref<10000x128xbf16, #tpu.memory_space<hbm>>
    tpu.enqueue_indirect_dma source(%dma_start3A_49 : memref<10000x128xbf16, #tpu.memory_space<hbm>>) target(%dma_start3A_43 : memref<125x128xbf16, #tpu.memory_space<vmem>>) offsets(%dma_start3A_46 : memref<125xi32, #tpu.memory_space<vmem>>) semaphore(%arg10 : memref<!tpu.dma_semaphore, #tpu.memory_space<semaphore_mem>>)
    %dma_start3A_50 = arith.constant 0 : i32
    %dma_start3A_51 = arith.constant 3 : i32
    %dma_start3A_52 = arith.constant 3 : i32
    %dma_start3A_53 = arith.constant 0 : i32
    %dma_start3A_54 = arith.constant 0 : i32
    %dma_start3A_55 = tpu.memref_slice %arg8[%dma_start3A_52, %dma_start3A_53, %dma_start3A_54] : memref<4x125x128xbf16, #tpu.memory_space<vmem>> -> memref<1x125x128xbf16, #tpu.memory_space<vmem>>
    %dma_start3A_56 = tpu.memref_squeeze %dma_start3A_55 : memref<1x125x128xbf16, #tpu.memory_space<vmem>> -> memref<125x128xbf16, #tpu.memory_space<vmem>>
    %dma_start3A_57 = arith.constant 0 : i32
    %dma_start3A_58 = tpu.memref_slice %arg7[%dma_start3A_50, %dma_start3A_51, %dma_start3A_57] : memref<2x80x125xi32, #tpu.memory_space<vmem>> -> memref<1x1x125xi32, #tpu.memory_space<vmem>>
    %dma_start3A_59 = tpu.memref_squeeze %dma_start3A_58 : memref<1x1x125xi32, #tpu.memory_space<vmem>> -> memref<125xi32, #tpu.memory_space<vmem>>
    %dma_start3A_60 = arith.constant 0 : i32
    %dma_start3A_61 = arith.constant 0 : i32
    %dma_start3A_62 = tpu.memref_slice %arg2[%dma_start3A_60, %dma_start3A_61] : memref<10000x128xbf16, #tpu.memory_space<hbm>> -> memref<10000x128xbf16, #tpu.memory_space<hbm>>
    tpu.enqueue_indirect_dma source(%dma_start3A_62 : memref<10000x128xbf16, #tpu.memory_space<hbm>>) target(%dma_start3A_56 : memref<125x128xbf16, #tpu.memory_space<vmem>>) offsets(%dma_start3A_59 : memref<125xi32, #tpu.memory_space<vmem>>) semaphore(%arg10 : memref<!tpu.dma_semaphore, #tpu.memory_space<semaphore_mem>>)
    %barrier3A = arith.constant 0 : index
    tpu.barrier barrier_id(%barrier3A)
    %scan3A = arith.constant 0 : i32
    %scan3A_63 = arith.constant 0 : i32
    %scan3A_64 = arith.constant 20 : i32
    %scan3A_65 = arith.addi %scan3A_63, %scan3A_64 : i32
    %scan3A_66 = arith.constant 1 : i32
    scf.for %scan3A_154 = %scan3A_63 to %scan3A_65 step %scan3A_66  : i32 {
      %mul3A_155 = arith.constant 4 : i32
      %mul3A_156 = arith.muli %scan3A_154, %mul3A_155 : i32
      %add3A_157 = arith.constant 0 : i32
      %add3A_158 = arith.addi %mul3A_156, %add3A_157 : i32
      %dma_wait3A_159 = arith.constant 0 : i32
      %dma_wait3A_160 = arith.constant 0 : i32
      %dma_wait3A_161 = arith.constant 0 : i32
      %dma_wait3A_162 = arith.constant 0 : i32
      %dma_wait3A_163 = tpu.memref_slice %arg8[%dma_wait3A_160, %dma_wait3A_161, %dma_wait3A_162] : memref<4x125x128xbf16, #tpu.memory_space<vmem>> -> memref<1x125x128xbf16, #tpu.memory_space<vmem>>
      %dma_wait3A_164 = tpu.memref_squeeze %dma_wait3A_163 : memref<1x125x128xbf16, #tpu.memory_space<vmem>> -> memref<125x128xbf16, #tpu.memory_space<vmem>>
      %dma_wait3A_165 = arith.constant 0 : i32
      %dma_wait3A_166 = tpu.memref_slice %arg7[%dma_wait3A_159, %add3A_158, %dma_wait3A_165] : memref<2x80x125xi32, #tpu.memory_space<vmem>> -> memref<1x1x125xi32, #tpu.memory_space<vmem>>
      %dma_wait3A_167 = tpu.memref_squeeze %dma_wait3A_166 : memref<1x1x125xi32, #tpu.memory_space<vmem>> -> memref<125xi32, #tpu.memory_space<vmem>>
      %dma_wait3A_168 = arith.constant 0 : i32
      %dma_wait3A_169 = arith.constant 0 : i32
      %dma_wait3A_170 = tpu.memref_slice %arg2[%dma_wait3A_168, %dma_wait3A_169] : memref<10000x128xbf16, #tpu.memory_space<hbm>> -> memref<10000x128xbf16, #tpu.memory_space<hbm>>
      tpu.wait_indirect_dma semaphore(%arg10 : memref<!tpu.dma_semaphore, #tpu.memory_space<semaphore_mem>>) src(%dma_wait3A_170 : memref<10000x128xbf16, #tpu.memory_space<hbm>>) dst(%dma_wait3A_164 : memref<125x128xbf16, #tpu.memory_space<vmem>>)
      %dma_start3A_171 = arith.constant 0 : i32
      %dma_start3A_172 = arith.constant 1 : i32
      %dma_start3A_173 = arith.constant 0 : i32
      %dma_start3A_174 = arith.constant 0 : i32
      %dma_start3A_175 = arith.constant 0 : i32
      %dma_start3A_176 = tpu.memref_slice %arg8[%dma_start3A_171, %dma_start3A_174, %dma_start3A_175] : memref<4x125x128xbf16, #tpu.memory_space<vmem>> -> memref<1x125x128xbf16, #tpu.memory_space<vmem>>
      %dma_start3A_177 = tpu.memref_squeeze %dma_start3A_176 : memref<1x125x128xbf16, #tpu.memory_space<vmem>> -> memref<125x128xbf16, #tpu.memory_space<vmem>>
      %dma_start3A_178 = arith.constant 0 : i32
      %dma_start3A_179 = tpu.memref_slice %arg7[%dma_start3A_172, %add3A_158, %dma_start3A_178] : memref<2x80x125xi32, #tpu.memory_space<vmem>> -> memref<1x1x125xi32, #tpu.memory_space<vmem>>
      %dma_start3A_180 = tpu.memref_squeeze %dma_start3A_179 : memref<1x1x125xi32, #tpu.memory_space<vmem>> -> memref<125xi32, #tpu.memory_space<vmem>>
      %dma_start3A_181 = arith.constant 0 : i32
      %dma_start3A_182 = arith.constant 0 : i32
      %dma_start3A_183 = tpu.memref_slice %arg9[%dma_start3A_181, %dma_start3A_182] : memref<10000x128xbf16, #tpu.memory_space<vmem_shared>> -> memref<10000x128xbf16, #tpu.memory_space<vmem_shared>>
      %dma_start3A_184 = tpu.memref_slice %arg11[%dma_start3A_173] : memref<4x!tpu.dma_semaphore, #tpu.memory_space<semaphore_mem>> -> memref<1x!tpu.dma_semaphore, #tpu.memory_space<semaphore_mem>>
      %dma_start3A_185 = tpu.memref_squeeze %dma_start3A_184 : memref<1x!tpu.dma_semaphore, #tpu.memory_space<semaphore_mem>> -> memref<!tpu.dma_semaphore, #tpu.memory_space<semaphore_mem>>
      tpu.enqueue_indirect_dma source(%dma_start3A_177 : memref<125x128xbf16, #tpu.memory_space<vmem>>) target(%dma_start3A_183 : memref<10000x128xbf16, #tpu.memory_space<vmem_shared>>) offsets(%dma_start3A_180 : memref<125xi32, #tpu.memory_space<vmem>>) semaphore(%dma_start3A_185 : memref<!tpu.dma_semaphore, #tpu.memory_space<semaphore_mem>>) {add = true}
      %ge3A = arith.constant 1 : i32
      %ge3A_186 = arith.cmpi sge, %add3A_158, %ge3A : i32
      %convert_element_type3A_187 = arith.extui %ge3A_186 : i1 to i32
      %cond3A_188 = arith.constant 0 : i32
      %cond3A_189 = arith.cmpi ne, %convert_element_type3A_187, %cond3A_188 : i32
      scf.if %cond3A_189 {
        %dma_wait3A_298 = arith.constant 3 : i32
        %dma_wait3A_299 = arith.constant 1 : i32
        %dma_wait3A_300 = arith.constant 3 : i32
        %dma_wait3A_301 = arith.constant 0 : i32
        %dma_wait3A_302 = arith.constant 0 : i32
        %dma_wait3A_303 = tpu.memref_slice %arg8[%dma_wait3A_298, %dma_wait3A_301, %dma_wait3A_302] : memref<4x125x128xbf16, #tpu.memory_space<vmem>> -> memref<1x125x128xbf16, #tpu.memory_space<vmem>>
        %dma_wait3A_304 = tpu.memref_squeeze %dma_wait3A_303 : memref<1x125x128xbf16, #tpu.memory_space<vmem>> -> memref<125x128xbf16, #tpu.memory_space<vmem>>
        %dma_wait3A_305 = arith.constant 0 : i32
        %dma_wait3A_306 = tpu.memref_slice %arg7[%dma_wait3A_299, %add3A_158, %dma_wait3A_305] : memref<2x80x125xi32, #tpu.memory_space<vmem>> -> memref<1x1x125xi32, #tpu.memory_space<vmem>>
        %dma_wait3A_307 = tpu.memref_squeeze %dma_wait3A_306 : memref<1x1x125xi32, #tpu.memory_space<vmem>> -> memref<125xi32, #tpu.memory_space<vmem>>
        %dma_wait3A_308 = arith.constant 0 : i32
        %dma_wait3A_309 = arith.constant 0 : i32
        %dma_wait3A_310 = tpu.memref_slice %arg9[%dma_wait3A_308, %dma_wait3A_309] : memref<10000x128xbf16, #tpu.memory_space<vmem_shared>> -> memref<10000x128xbf16, #tpu.memory_space<vmem_shared>>
        %dma_wait3A_311 = tpu.memref_slice %arg11[%dma_wait3A_300] : memref<4x!tpu.dma_semaphore, #tpu.memory_space<semaphore_mem>> -> memref<1x!tpu.dma_semaphore, #tpu.memory_space<semaphore_mem>>
        %dma_wait3A_312 = tpu.memref_squeeze %dma_wait3A_311 : memref<1x!tpu.dma_semaphore, #tpu.memory_space<semaphore_mem>> -> memref<!tpu.dma_semaphore, #tpu.memory_space<semaphore_mem>>
        tpu.wait_indirect_dma semaphore(%dma_wait3A_312 : memref<!tpu.dma_semaphore, #tpu.memory_space<semaphore_mem>>) src(%dma_wait3A_304 : memref<125x128xbf16, #tpu.memory_space<vmem>>) dst(%dma_wait3A_310 : memref<10000x128xbf16, #tpu.memory_space<vmem_shared>>)
        %sub3A = arith.constant 1 : i32
        %sub3A_313 = arith.subi %add3A_158, %sub3A : i32
        %add3A_314 = arith.constant 4 : i32
        %add3A_315 = arith.addi %sub3A_313, %add3A_314 : i32
        %min3A = arith.constant 79 : i32
        %min3A_316 = arith.minsi %add3A_315, %min3A : i32
        %dma_start3A_317 = arith.constant 0 : i32
        %dma_start3A_318 = arith.constant 3 : i32
        %dma_start3A_319 = arith.constant 0 : i32
        %dma_start3A_320 = arith.constant 0 : i32
        %dma_start3A_321 = tpu.memref_slice %arg8[%dma_start3A_318, %dma_start3A_319, %dma_start3A_320] : memref<4x125x128xbf16, #tpu.memory_space<vmem>> -> memref<1x125x128xbf16, #tpu.memory_space<vmem>>
        %dma_start3A_322 = tpu.memref_squeeze %dma_start3A_321 : memref<1x125x128xbf16, #tpu.memory_space<vmem>> -> memref<125x128xbf16, #tpu.memory_space<vmem>>
        %dma_start3A_323 = arith.constant 0 : i32
        %dma_start3A_324 = tpu.memref_slice %arg7[%dma_start3A_317, %min3A_316, %dma_start3A_323] : memref<2x80x125xi32, #tpu.memory_space<vmem>> -> memref<1x1x125xi32, #tpu.memory_space<vmem>>
        %dma_start3A_325 = tpu.memref_squeeze %dma_start3A_324 : memref<1x1x125xi32, #tpu.memory_space<vmem>> -> memref<125xi32, #tpu.memory_space<vmem>>
        %dma_start3A_326 = arith.constant 0 : i32
        %dma_start3A_327 = arith.constant 0 : i32
        %dma_start3A_328 = tpu.memref_slice %arg2[%dma_start3A_326, %dma_start3A_327] : memref<10000x128xbf16, #tpu.memory_space<hbm>> -> memref<10000x128xbf16, #tpu.memory_space<hbm>>
        tpu.enqueue_indirect_dma source(%dma_start3A_328 : memref<10000x128xbf16, #tpu.memory_space<hbm>>) target(%dma_start3A_322 : memref<125x128xbf16, #tpu.memory_space<vmem>>) offsets(%dma_start3A_325 : memref<125xi32, #tpu.memory_space<vmem>>) semaphore(%arg10 : memref<!tpu.dma_semaphore, #tpu.memory_space<semaphore_mem>>)
      } else {
      }
      %mul3A_190 = arith.constant 4 : i32
      %mul3A_191 = arith.muli %scan3A_154, %mul3A_190 : i32
      %add3A_192 = arith.constant 1 : i32
      %add3A_193 = arith.addi %mul3A_191, %add3A_192 : i32
      %dma_wait3A_194 = arith.constant 0 : i32
      %dma_wait3A_195 = arith.constant 1 : i32
      %dma_wait3A_196 = arith.constant 0 : i32
      %dma_wait3A_197 = arith.constant 0 : i32
      %dma_wait3A_198 = tpu.memref_slice %arg8[%dma_wait3A_195, %dma_wait3A_196, %dma_wait3A_197] : memref<4x125x128xbf16, #tpu.memory_space<vmem>> -> memref<1x125x128xbf16, #tpu.memory_space<vmem>>
      %dma_wait3A_199 = tpu.memref_squeeze %dma_wait3A_198 : memref<1x125x128xbf16, #tpu.memory_space<vmem>> -> memref<125x128xbf16, #tpu.memory_space<vmem>>
      %dma_wait3A_200 = arith.constant 0 : i32
      %dma_wait3A_201 = tpu.memref_slice %arg7[%dma_wait3A_194, %add3A_193, %dma_wait3A_200] : memref<2x80x125xi32, #tpu.memory_space<vmem>> -> memref<1x1x125xi32, #tpu.memory_space<vmem>>
      %dma_wait3A_202 = tpu.memref_squeeze %dma_wait3A_201 : memref<1x1x125xi32, #tpu.memory_space<vmem>> -> memref<125xi32, #tpu.memory_space<vmem>>
      %dma_wait3A_203 = arith.constant 0 : i32
      %dma_wait3A_204 = arith.constant 0 : i32
      %dma_wait3A_205 = tpu.memref_slice %arg2[%dma_wait3A_203, %dma_wait3A_204] : memref<10000x128xbf16, #tpu.memory_space<hbm>> -> memref<10000x128xbf16, #tpu.memory_space<hbm>>
      tpu.wait_indirect_dma semaphore(%arg10 : memref<!tpu.dma_semaphore, #tpu.memory_space<semaphore_mem>>) src(%dma_wait3A_205 : memref<10000x128xbf16, #tpu.memory_space<hbm>>) dst(%dma_wait3A_199 : memref<125x128xbf16, #tpu.memory_space<vmem>>)
      %dma_start3A_206 = arith.constant 1 : i32
      %dma_start3A_207 = arith.constant 1 : i32
      %dma_start3A_208 = arith.constant 1 : i32
      %dma_start3A_209 = arith.constant 0 : i32
      %dma_start3A_210 = arith.constant 0 : i32
      %dma_start3A_211 = tpu.memref_slice %arg8[%dma_start3A_206, %dma_start3A_209, %dma_start3A_210] : memref<4x125x128xbf16, #tpu.memory_space<vmem>> -> memref<1x125x128xbf16, #tpu.memory_space<vmem>>
      %dma_start3A_212 = tpu.memref_squeeze %dma_start3A_211 : memref<1x125x128xbf16, #tpu.memory_space<vmem>> -> memref<125x128xbf16, #tpu.memory_space<vmem>>
      %dma_start3A_213 = arith.constant 0 : i32
      %dma_start3A_214 = tpu.memref_slice %arg7[%dma_start3A_207, %add3A_193, %dma_start3A_213] : memref<2x80x125xi32, #tpu.memory_space<vmem>> -> memref<1x1x125xi32, #tpu.memory_space<vmem>>
      %dma_start3A_215 = tpu.memref_squeeze %dma_start3A_214 : memref<1x1x125xi32, #tpu.memory_space<vmem>> -> memref<125xi32, #tpu.memory_space<vmem>>
      %dma_start3A_216 = arith.constant 0 : i32
      %dma_start3A_217 = arith.constant 0 : i32
      %dma_start3A_218 = tpu.memref_slice %arg9[%dma_start3A_216, %dma_start3A_217] : memref<10000x128xbf16, #tpu.memory_space<vmem_shared>> -> memref<10000x128xbf16, #tpu.memory_space<vmem_shared>>
      %dma_start3A_219 = tpu.memref_slice %arg11[%dma_start3A_208] : memref<4x!tpu.dma_semaphore, #tpu.memory_space<semaphore_mem>> -> memref<1x!tpu.dma_semaphore, #tpu.memory_space<semaphore_mem>>
      %dma_start3A_220 = tpu.memref_squeeze %dma_start3A_219 : memref<1x!tpu.dma_semaphore, #tpu.memory_space<semaphore_mem>> -> memref<!tpu.dma_semaphore, #tpu.memory_space<semaphore_mem>>
      tpu.enqueue_indirect_dma source(%dma_start3A_212 : memref<125x128xbf16, #tpu.memory_space<vmem>>) target(%dma_start3A_218 : memref<10000x128xbf16, #tpu.memory_space<vmem_shared>>) offsets(%dma_start3A_215 : memref<125xi32, #tpu.memory_space<vmem>>) semaphore(%dma_start3A_220 : memref<!tpu.dma_semaphore, #tpu.memory_space<semaphore_mem>>) {add = true}
      %ge3A_221 = arith.constant 1 : i32
      %ge3A_222 = arith.cmpi sge, %add3A_193, %ge3A_221 : i32
      %convert_element_type3A_223 = arith.extui %ge3A_222 : i1 to i32
      %cond3A_224 = arith.constant 0 : i32
      %cond3A_225 = arith.cmpi ne, %convert_element_type3A_223, %cond3A_224 : i32
      scf.if %cond3A_225 {
        %dma_wait3A_298 = arith.constant 0 : i32
        %dma_wait3A_299 = arith.constant 1 : i32
        %dma_wait3A_300 = arith.constant 0 : i32
        %dma_wait3A_301 = arith.constant 0 : i32
        %dma_wait3A_302 = arith.constant 0 : i32
        %dma_wait3A_303 = tpu.memref_slice %arg8[%dma_wait3A_298, %dma_wait3A_301, %dma_wait3A_302] : memref<4x125x128xbf16, #tpu.memory_space<vmem>> -> memref<1x125x128xbf16, #tpu.memory_space<vmem>>
        %dma_wait3A_304 = tpu.memref_squeeze %dma_wait3A_303 : memref<1x125x128xbf16, #tpu.memory_space<vmem>> -> memref<125x128xbf16, #tpu.memory_space<vmem>>
        %dma_wait3A_305 = arith.constant 0 : i32
        %dma_wait3A_306 = tpu.memref_slice %arg7[%dma_wait3A_299, %add3A_193, %dma_wait3A_305] : memref<2x80x125xi32, #tpu.memory_space<vmem>> -> memref<1x1x125xi32, #tpu.memory_space<vmem>>
        %dma_wait3A_307 = tpu.memref_squeeze %dma_wait3A_306 : memref<1x1x125xi32, #tpu.memory_space<vmem>> -> memref<125xi32, #tpu.memory_space<vmem>>
        %dma_wait3A_308 = arith.constant 0 : i32
        %dma_wait3A_309 = arith.constant 0 : i32
        %dma_wait3A_310 = tpu.memref_slice %arg9[%dma_wait3A_308, %dma_wait3A_309] : memref<10000x128xbf16, #tpu.memory_space<vmem_shared>> -> memref<10000x128xbf16, #tpu.memory_space<vmem_shared>>
        %dma_wait3A_311 = tpu.memref_slice %arg11[%dma_wait3A_300] : memref<4x!tpu.dma_semaphore, #tpu.memory_space<semaphore_mem>> -> memref<1x!tpu.dma_semaphore, #tpu.memory_space<semaphore_mem>>
        %dma_wait3A_312 = tpu.memref_squeeze %dma_wait3A_311 : memref<1x!tpu.dma_semaphore, #tpu.memory_space<semaphore_mem>> -> memref<!tpu.dma_semaphore, #tpu.memory_space<semaphore_mem>>
        tpu.wait_indirect_dma semaphore(%dma_wait3A_312 : memref<!tpu.dma_semaphore, #tpu.memory_space<semaphore_mem>>) src(%dma_wait3A_304 : memref<125x128xbf16, #tpu.memory_space<vmem>>) dst(%dma_wait3A_310 : memref<10000x128xbf16, #tpu.memory_space<vmem_shared>>)
        %sub3A = arith.constant 1 : i32
        %sub3A_313 = arith.subi %add3A_193, %sub3A : i32
        %add3A_314 = arith.constant 4 : i32
        %add3A_315 = arith.addi %sub3A_313, %add3A_314 : i32
        %min3A = arith.constant 79 : i32
        %min3A_316 = arith.minsi %add3A_315, %min3A : i32
        %dma_start3A_317 = arith.constant 0 : i32
        %dma_start3A_318 = arith.constant 0 : i32
        %dma_start3A_319 = arith.constant 0 : i32
        %dma_start3A_320 = arith.constant 0 : i32
        %dma_start3A_321 = tpu.memref_slice %arg8[%dma_start3A_318, %dma_start3A_319, %dma_start3A_320] : memref<4x125x128xbf16, #tpu.memory_space<vmem>> -> memref<1x125x128xbf16, #tpu.memory_space<vmem>>
        %dma_start3A_322 = tpu.memref_squeeze %dma_start3A_321 : memref<1x125x128xbf16, #tpu.memory_space<vmem>> -> memref<125x128xbf16, #tpu.memory_space<vmem>>
        %dma_start3A_323 = arith.constant 0 : i32
        %dma_start3A_324 = tpu.memref_slice %arg7[%dma_start3A_317, %min3A_316, %dma_start3A_323] : memref<2x80x125xi32, #tpu.memory_space<vmem>> -> memref<1x1x125xi32, #tpu.memory_space<vmem>>
        %dma_start3A_325 = tpu.memref_squeeze %dma_start3A_324 : memref<1x1x125xi32, #tpu.memory_space<vmem>> -> memref<125xi32, #tpu.memory_space<vmem>>
        %dma_start3A_326 = arith.constant 0 : i32
        %dma_start3A_327 = arith.constant 0 : i32
        %dma_start3A_328 = tpu.memref_slice %arg2[%dma_start3A_326, %dma_start3A_327] : memref<10000x128xbf16, #tpu.memory_space<hbm>> -> memref<10000x128xbf16, #tpu.memory_space<hbm>>
        tpu.enqueue_indirect_dma source(%dma_start3A_328 : memref<10000x128xbf16, #tpu.memory_space<hbm>>) target(%dma_start3A_322 : memref<125x128xbf16, #tpu.memory_space<vmem>>) offsets(%dma_start3A_325 : memref<125xi32, #tpu.memory_space<vmem>>) semaphore(%arg10 : memref<!tpu.dma_semaphore, #tpu.memory_space<semaphore_mem>>)
      } else {
      }
      %mul3A_226 = arith.constant 4 : i32
      %mul3A_227 = arith.muli %scan3A_154, %mul3A_226 : i32
      %add3A_228 = arith.constant 2 : i32
      %add3A_229 = arith.addi %mul3A_227, %add3A_228 : i32
      %dma_wait3A_230 = arith.constant 0 : i32
      %dma_wait3A_231 = arith.constant 2 : i32
      %dma_wait3A_232 = arith.constant 0 : i32
      %dma_wait3A_233 = arith.constant 0 : i32
      %dma_wait3A_234 = tpu.memref_slice %arg8[%dma_wait3A_231, %dma_wait3A_232, %dma_wait3A_233] : memref<4x125x128xbf16, #tpu.memory_space<vmem>> -> memref<1x125x128xbf16, #tpu.memory_space<vmem>>
      %dma_wait3A_235 = tpu.memref_squeeze %dma_wait3A_234 : memref<1x125x128xbf16, #tpu.memory_space<vmem>> -> memref<125x128xbf16, #tpu.memory_space<vmem>>
      %dma_wait3A_236 = arith.constant 0 : i32
      %dma_wait3A_237 = tpu.memref_slice %arg7[%dma_wait3A_230, %add3A_229, %dma_wait3A_236] : memref<2x80x125xi32, #tpu.memory_space<vmem>> -> memref<1x1x125xi32, #tpu.memory_space<vmem>>
      %dma_wait3A_238 = tpu.memref_squeeze %dma_wait3A_237 : memref<1x1x125xi32, #tpu.memory_space<vmem>> -> memref<125xi32, #tpu.memory_space<vmem>>
      %dma_wait3A_239 = arith.constant 0 : i32
      %dma_wait3A_240 = arith.constant 0 : i32
      %dma_wait3A_241 = tpu.memref_slice %arg2[%dma_wait3A_239, %dma_wait3A_240] : memref<10000x128xbf16, #tpu.memory_space<hbm>> -> memref<10000x128xbf16, #tpu.memory_space<hbm>>
      tpu.wait_indirect_dma semaphore(%arg10 : memref<!tpu.dma_semaphore, #tpu.memory_space<semaphore_mem>>) src(%dma_wait3A_241 : memref<10000x128xbf16, #tpu.memory_space<hbm>>) dst(%dma_wait3A_235 : memref<125x128xbf16, #tpu.memory_space<vmem>>)
      %dma_start3A_242 = arith.constant 2 : i32
      %dma_start3A_243 = arith.constant 1 : i32
      %dma_start3A_244 = arith.constant 2 : i32
      %dma_start3A_245 = arith.constant 0 : i32
      %dma_start3A_246 = arith.constant 0 : i32
      %dma_start3A_247 = tpu.memref_slice %arg8[%dma_start3A_242, %dma_start3A_245, %dma_start3A_246] : memref<4x125x128xbf16, #tpu.memory_space<vmem>> -> memref<1x125x128xbf16, #tpu.memory_space<vmem>>
      %dma_start3A_248 = tpu.memref_squeeze %dma_start3A_247 : memref<1x125x128xbf16, #tpu.memory_space<vmem>> -> memref<125x128xbf16, #tpu.memory_space<vmem>>
      %dma_start3A_249 = arith.constant 0 : i32
      %dma_start3A_250 = tpu.memref_slice %arg7[%dma_start3A_243, %add3A_229, %dma_start3A_249] : memref<2x80x125xi32, #tpu.memory_space<vmem>> -> memref<1x1x125xi32, #tpu.memory_space<vmem>>
      %dma_start3A_251 = tpu.memref_squeeze %dma_start3A_250 : memref<1x1x125xi32, #tpu.memory_space<vmem>> -> memref<125xi32, #tpu.memory_space<vmem>>
      %dma_start3A_252 = arith.constant 0 : i32
      %dma_start3A_253 = arith.constant 0 : i32
      %dma_start3A_254 = tpu.memref_slice %arg9[%dma_start3A_252, %dma_start3A_253] : memref<10000x128xbf16, #tpu.memory_space<vmem_shared>> -> memref<10000x128xbf16, #tpu.memory_space<vmem_shared>>
      %dma_start3A_255 = tpu.memref_slice %arg11[%dma_start3A_244] : memref<4x!tpu.dma_semaphore, #tpu.memory_space<semaphore_mem>> -> memref<1x!tpu.dma_semaphore, #tpu.memory_space<semaphore_mem>>
      %dma_start3A_256 = tpu.memref_squeeze %dma_start3A_255 : memref<1x!tpu.dma_semaphore, #tpu.memory_space<semaphore_mem>> -> memref<!tpu.dma_semaphore, #tpu.memory_space<semaphore_mem>>
      tpu.enqueue_indirect_dma source(%dma_start3A_248 : memref<125x128xbf16, #tpu.memory_space<vmem>>) target(%dma_start3A_254 : memref<10000x128xbf16, #tpu.memory_space<vmem_shared>>) offsets(%dma_start3A_251 : memref<125xi32, #tpu.memory_space<vmem>>) semaphore(%dma_start3A_256 : memref<!tpu.dma_semaphore, #tpu.memory_space<semaphore_mem>>) {add = true}
      %ge3A_257 = arith.constant 1 : i32
      %ge3A_258 = arith.cmpi sge, %add3A_229, %ge3A_257 : i32
      %convert_element_type3A_259 = arith.extui %ge3A_258 : i1 to i32
      %cond3A_260 = arith.constant 0 : i32
      %cond3A_261 = arith.cmpi ne, %convert_element_type3A_259, %cond3A_260 : i32
      scf.if %cond3A_261 {
        %dma_wait3A_298 = arith.constant 1 : i32
        %dma_wait3A_299 = arith.constant 1 : i32
        %dma_wait3A_300 = arith.constant 1 : i32
        %dma_wait3A_301 = arith.constant 0 : i32
        %dma_wait3A_302 = arith.constant 0 : i32
        %dma_wait3A_303 = tpu.memref_slice %arg8[%dma_wait3A_298, %dma_wait3A_301, %dma_wait3A_302] : memref<4x125x128xbf16, #tpu.memory_space<vmem>> -> memref<1x125x128xbf16, #tpu.memory_space<vmem>>
        %dma_wait3A_304 = tpu.memref_squeeze %dma_wait3A_303 : memref<1x125x128xbf16, #tpu.memory_space<vmem>> -> memref<125x128xbf16, #tpu.memory_space<vmem>>
        %dma_wait3A_305 = arith.constant 0 : i32
        %dma_wait3A_306 = tpu.memref_slice %arg7[%dma_wait3A_299, %add3A_229, %dma_wait3A_305] : memref<2x80x125xi32, #tpu.memory_space<vmem>> -> memref<1x1x125xi32, #tpu.memory_space<vmem>>
        %dma_wait3A_307 = tpu.memref_squeeze %dma_wait3A_306 : memref<1x1x125xi32, #tpu.memory_space<vmem>> -> memref<125xi32, #tpu.memory_space<vmem>>
        %dma_wait3A_308 = arith.constant 0 : i32
        %dma_wait3A_309 = arith.constant 0 : i32
        %dma_wait3A_310 = tpu.memref_slice %arg9[%dma_wait3A_308, %dma_wait3A_309] : memref<10000x128xbf16, #tpu.memory_space<vmem_shared>> -> memref<10000x128xbf16, #tpu.memory_space<vmem_shared>>
        %dma_wait3A_311 = tpu.memref_slice %arg11[%dma_wait3A_300] : memref<4x!tpu.dma_semaphore, #tpu.memory_space<semaphore_mem>> -> memref<1x!tpu.dma_semaphore, #tpu.memory_space<semaphore_mem>>
        %dma_wait3A_312 = tpu.memref_squeeze %dma_wait3A_311 : memref<1x!tpu.dma_semaphore, #tpu.memory_space<semaphore_mem>> -> memref<!tpu.dma_semaphore, #tpu.memory_space<semaphore_mem>>
        tpu.wait_indirect_dma semaphore(%dma_wait3A_312 : memref<!tpu.dma_semaphore, #tpu.memory_space<semaphore_mem>>) src(%dma_wait3A_304 : memref<125x128xbf16, #tpu.memory_space<vmem>>) dst(%dma_wait3A_310 : memref<10000x128xbf16, #tpu.memory_space<vmem_shared>>)
        %sub3A = arith.constant 1 : i32
        %sub3A_313 = arith.subi %add3A_229, %sub3A : i32
        %add3A_314 = arith.constant 4 : i32
        %add3A_315 = arith.addi %sub3A_313, %add3A_314 : i32
        %min3A = arith.constant 79 : i32
        %min3A_316 = arith.minsi %add3A_315, %min3A : i32
        %dma_start3A_317 = arith.constant 0 : i32
        %dma_start3A_318 = arith.constant 1 : i32
        %dma_start3A_319 = arith.constant 0 : i32
        %dma_start3A_320 = arith.constant 0 : i32
        %dma_start3A_321 = tpu.memref_slice %arg8[%dma_start3A_318, %dma_start3A_319, %dma_start3A_320] : memref<4x125x128xbf16, #tpu.memory_space<vmem>> -> memref<1x125x128xbf16, #tpu.memory_space<vmem>>
        %dma_start3A_322 = tpu.memref_squeeze %dma_start3A_321 : memref<1x125x128xbf16, #tpu.memory_space<vmem>> -> memref<125x128xbf16, #tpu.memory_space<vmem>>
        %dma_start3A_323 = arith.constant 0 : i32
        %dma_start3A_324 = tpu.memref_slice %arg7[%dma_start3A_317, %min3A_316, %dma_start3A_323] : memref<2x80x125xi32, #tpu.memory_space<vmem>> -> memref<1x1x125xi32, #tpu.memory_space<vmem>>
        %dma_start3A_325 = tpu.memref_squeeze %dma_start3A_324 : memref<1x1x125xi32, #tpu.memory_space<vmem>> -> memref<125xi32, #tpu.memory_space<vmem>>
        %dma_start3A_326 = arith.constant 0 : i32
        %dma_start3A_327 = arith.constant 0 : i32
        %dma_start3A_328 = tpu.memref_slice %arg2[%dma_start3A_326, %dma_start3A_327] : memref<10000x128xbf16, #tpu.memory_space<hbm>> -> memref<10000x128xbf16, #tpu.memory_space<hbm>>
        tpu.enqueue_indirect_dma source(%dma_start3A_328 : memref<10000x128xbf16, #tpu.memory_space<hbm>>) target(%dma_start3A_322 : memref<125x128xbf16, #tpu.memory_space<vmem>>) offsets(%dma_start3A_325 : memref<125xi32, #tpu.memory_space<vmem>>) semaphore(%arg10 : memref<!tpu.dma_semaphore, #tpu.memory_space<semaphore_mem>>)
      } else {
      }
      %mul3A_262 = arith.constant 4 : i32
      %mul3A_263 = arith.muli %scan3A_154, %mul3A_262 : i32
      %add3A_264 = arith.constant 3 : i32
      %add3A_265 = arith.addi %mul3A_263, %add3A_264 : i32
      %dma_wait3A_266 = arith.constant 0 : i32
      %dma_wait3A_267 = arith.constant 3 : i32
      %dma_wait3A_268 = arith.constant 0 : i32
      %dma_wait3A_269 = arith.constant 0 : i32
      %dma_wait3A_270 = tpu.memref_slice %arg8[%dma_wait3A_267, %dma_wait3A_268, %dma_wait3A_269] : memref<4x125x128xbf16, #tpu.memory_space<vmem>> -> memref<1x125x128xbf16, #tpu.memory_space<vmem>>
      %dma_wait3A_271 = tpu.memref_squeeze %dma_wait3A_270 : memref<1x125x128xbf16, #tpu.memory_space<vmem>> -> memref<125x128xbf16, #tpu.memory_space<vmem>>
      %dma_wait3A_272 = arith.constant 0 : i32
      %dma_wait3A_273 = tpu.memref_slice %arg7[%dma_wait3A_266, %add3A_265, %dma_wait3A_272] : memref<2x80x125xi32, #tpu.memory_space<vmem>> -> memref<1x1x125xi32, #tpu.memory_space<vmem>>
      %dma_wait3A_274 = tpu.memref_squeeze %dma_wait3A_273 : memref<1x1x125xi32, #tpu.memory_space<vmem>> -> memref<125xi32, #tpu.memory_space<vmem>>
      %dma_wait3A_275 = arith.constant 0 : i32
      %dma_wait3A_276 = arith.constant 0 : i32
      %dma_wait3A_277 = tpu.memref_slice %arg2[%dma_wait3A_275, %dma_wait3A_276] : memref<10000x128xbf16, #tpu.memory_space<hbm>> -> memref<10000x128xbf16, #tpu.memory_space<hbm>>
      tpu.wait_indirect_dma semaphore(%arg10 : memref<!tpu.dma_semaphore, #tpu.memory_space<semaphore_mem>>) src(%dma_wait3A_277 : memref<10000x128xbf16, #tpu.memory_space<hbm>>) dst(%dma_wait3A_271 : memref<125x128xbf16, #tpu.memory_space<vmem>>)
      %dma_start3A_278 = arith.constant 3 : i32
      %dma_start3A_279 = arith.constant 1 : i32
      %dma_start3A_280 = arith.constant 3 : i32
      %dma_start3A_281 = arith.constant 0 : i32
      %dma_start3A_282 = arith.constant 0 : i32
      %dma_start3A_283 = tpu.memref_slice %arg8[%dma_start3A_278, %dma_start3A_281, %dma_start3A_282] : memref<4x125x128xbf16, #tpu.memory_space<vmem>> -> memref<1x125x128xbf16, #tpu.memory_space<vmem>>
      %dma_start3A_284 = tpu.memref_squeeze %dma_start3A_283 : memref<1x125x128xbf16, #tpu.memory_space<vmem>> -> memref<125x128xbf16, #tpu.memory_space<vmem>>
      %dma_start3A_285 = arith.constant 0 : i32
      %dma_start3A_286 = tpu.memref_slice %arg7[%dma_start3A_279, %add3A_265, %dma_start3A_285] : memref<2x80x125xi32, #tpu.memory_space<vmem>> -> memref<1x1x125xi32, #tpu.memory_space<vmem>>
      %dma_start3A_287 = tpu.memref_squeeze %dma_start3A_286 : memref<1x1x125xi32, #tpu.memory_space<vmem>> -> memref<125xi32, #tpu.memory_space<vmem>>
      %dma_start3A_288 = arith.constant 0 : i32
      %dma_start3A_289 = arith.constant 0 : i32
      %dma_start3A_290 = tpu.memref_slice %arg9[%dma_start3A_288, %dma_start3A_289] : memref<10000x128xbf16, #tpu.memory_space<vmem_shared>> -> memref<10000x128xbf16, #tpu.memory_space<vmem_shared>>
      %dma_start3A_291 = tpu.memref_slice %arg11[%dma_start3A_280] : memref<4x!tpu.dma_semaphore, #tpu.memory_space<semaphore_mem>> -> memref<1x!tpu.dma_semaphore, #tpu.memory_space<semaphore_mem>>
      %dma_start3A_292 = tpu.memref_squeeze %dma_start3A_291 : memref<1x!tpu.dma_semaphore, #tpu.memory_space<semaphore_mem>> -> memref<!tpu.dma_semaphore, #tpu.memory_space<semaphore_mem>>
      tpu.enqueue_indirect_dma source(%dma_start3A_284 : memref<125x128xbf16, #tpu.memory_space<vmem>>) target(%dma_start3A_290 : memref<10000x128xbf16, #tpu.memory_space<vmem_shared>>) offsets(%dma_start3A_287 : memref<125xi32, #tpu.memory_space<vmem>>) semaphore(%dma_start3A_292 : memref<!tpu.dma_semaphore, #tpu.memory_space<semaphore_mem>>) {add = true}
      %ge3A_293 = arith.constant 1 : i32
      %ge3A_294 = arith.cmpi sge, %add3A_265, %ge3A_293 : i32
      %convert_element_type3A_295 = arith.extui %ge3A_294 : i1 to i32
      %cond3A_296 = arith.constant 0 : i32
      %cond3A_297 = arith.cmpi ne, %convert_element_type3A_295, %cond3A_296 : i32
      scf.if %cond3A_297 {
        %dma_wait3A_298 = arith.constant 2 : i32
        %dma_wait3A_299 = arith.constant 1 : i32
        %dma_wait3A_300 = arith.constant 2 : i32
        %dma_wait3A_301 = arith.constant 0 : i32
        %dma_wait3A_302 = arith.constant 0 : i32
        %dma_wait3A_303 = tpu.memref_slice %arg8[%dma_wait3A_298, %dma_wait3A_301, %dma_wait3A_302] : memref<4x125x128xbf16, #tpu.memory_space<vmem>> -> memref<1x125x128xbf16, #tpu.memory_space<vmem>>
        %dma_wait3A_304 = tpu.memref_squeeze %dma_wait3A_303 : memref<1x125x128xbf16, #tpu.memory_space<vmem>> -> memref<125x128xbf16, #tpu.memory_space<vmem>>
        %dma_wait3A_305 = arith.constant 0 : i32
        %dma_wait3A_306 = tpu.memref_slice %arg7[%dma_wait3A_299, %add3A_265, %dma_wait3A_305] : memref<2x80x125xi32, #tpu.memory_space<vmem>> -> memref<1x1x125xi32, #tpu.memory_space<vmem>>
        %dma_wait3A_307 = tpu.memref_squeeze %dma_wait3A_306 : memref<1x1x125xi32, #tpu.memory_space<vmem>> -> memref<125xi32, #tpu.memory_space<vmem>>
        %dma_wait3A_308 = arith.constant 0 : i32
        %dma_wait3A_309 = arith.constant 0 : i32
        %dma_wait3A_310 = tpu.memref_slice %arg9[%dma_wait3A_308, %dma_wait3A_309] : memref<10000x128xbf16, #tpu.memory_space<vmem_shared>> -> memref<10000x128xbf16, #tpu.memory_space<vmem_shared>>
        %dma_wait3A_311 = tpu.memref_slice %arg11[%dma_wait3A_300] : memref<4x!tpu.dma_semaphore, #tpu.memory_space<semaphore_mem>> -> memref<1x!tpu.dma_semaphore, #tpu.memory_space<semaphore_mem>>
        %dma_wait3A_312 = tpu.memref_squeeze %dma_wait3A_311 : memref<1x!tpu.dma_semaphore, #tpu.memory_space<semaphore_mem>> -> memref<!tpu.dma_semaphore, #tpu.memory_space<semaphore_mem>>
        tpu.wait_indirect_dma semaphore(%dma_wait3A_312 : memref<!tpu.dma_semaphore, #tpu.memory_space<semaphore_mem>>) src(%dma_wait3A_304 : memref<125x128xbf16, #tpu.memory_space<vmem>>) dst(%dma_wait3A_310 : memref<10000x128xbf16, #tpu.memory_space<vmem_shared>>)
        %sub3A = arith.constant 1 : i32
        %sub3A_313 = arith.subi %add3A_265, %sub3A : i32
        %add3A_314 = arith.constant 4 : i32
        %add3A_315 = arith.addi %sub3A_313, %add3A_314 : i32
        %min3A = arith.constant 79 : i32
        %min3A_316 = arith.minsi %add3A_315, %min3A : i32
        %dma_start3A_317 = arith.constant 0 : i32
        %dma_start3A_318 = arith.constant 2 : i32
        %dma_start3A_319 = arith.constant 0 : i32
        %dma_start3A_320 = arith.constant 0 : i32
        %dma_start3A_321 = tpu.memref_slice %arg8[%dma_start3A_318, %dma_start3A_319, %dma_start3A_320] : memref<4x125x128xbf16, #tpu.memory_space<vmem>> -> memref<1x125x128xbf16, #tpu.memory_space<vmem>>
        %dma_start3A_322 = tpu.memref_squeeze %dma_start3A_321 : memref<1x125x128xbf16, #tpu.memory_space<vmem>> -> memref<125x128xbf16, #tpu.memory_space<vmem>>
        %dma_start3A_323 = arith.constant 0 : i32
        %dma_start3A_324 = tpu.memref_slice %arg7[%dma_start3A_317, %min3A_316, %dma_start3A_323] : memref<2x80x125xi32, #tpu.memory_space<vmem>> -> memref<1x1x125xi32, #tpu.memory_space<vmem>>
        %dma_start3A_325 = tpu.memref_squeeze %dma_start3A_324 : memref<1x1x125xi32, #tpu.memory_space<vmem>> -> memref<125xi32, #tpu.memory_space<vmem>>
        %dma_start3A_326 = arith.constant 0 : i32
        %dma_start3A_327 = arith.constant 0 : i32
        %dma_start3A_328 = tpu.memref_slice %arg2[%dma_start3A_326, %dma_start3A_327] : memref<10000x128xbf16, #tpu.memory_space<hbm>> -> memref<10000x128xbf16, #tpu.memory_space<hbm>>
        tpu.enqueue_indirect_dma source(%dma_start3A_328 : memref<10000x128xbf16, #tpu.memory_space<hbm>>) target(%dma_start3A_322 : memref<125x128xbf16, #tpu.memory_space<vmem>>) offsets(%dma_start3A_325 : memref<125xi32, #tpu.memory_space<vmem>>) semaphore(%arg10 : memref<!tpu.dma_semaphore, #tpu.memory_space<semaphore_mem>>)
      } else {
      }
    }
    %scan3A_67 = arith.constant 20 : i32
    %dma_wait3A = arith.constant 3 : i32
    %dma_wait3A_68 = arith.constant 1 : i32
    %dma_wait3A_69 = arith.constant 79 : i32
    %dma_wait3A_70 = arith.constant 3 : i32
    %dma_wait3A_71 = arith.constant 0 : i32
    %dma_wait3A_72 = arith.constant 0 : i32
    %dma_wait3A_73 = tpu.memref_slice %arg8[%dma_wait3A, %dma_wait3A_71, %dma_wait3A_72] : memref<4x125x128xbf16, #tpu.memory_space<vmem>> -> memref<1x125x128xbf16, #tpu.memory_space<vmem>>
    %dma_wait3A_74 = tpu.memref_squeeze %dma_wait3A_73 : memref<1x125x128xbf16, #tpu.memory_space<vmem>> -> memref<125x128xbf16, #tpu.memory_space<vmem>>
    %dma_wait3A_75 = arith.constant 0 : i32
    %dma_wait3A_76 = tpu.memref_slice %arg7[%dma_wait3A_68, %dma_wait3A_69, %dma_wait3A_75] : memref<2x80x125xi32, #tpu.memory_space<vmem>> -> memref<1x1x125xi32, #tpu.memory_space<vmem>>
    %dma_wait3A_77 = tpu.memref_squeeze %dma_wait3A_76 : memref<1x1x125xi32, #tpu.memory_space<vmem>> -> memref<125xi32, #tpu.memory_space<vmem>>
    %dma_wait3A_78 = arith.constant 0 : i32
    %dma_wait3A_79 = arith.constant 0 : i32
    %dma_wait3A_80 = tpu.memref_slice %arg9[%dma_wait3A_78, %dma_wait3A_79] : memref<10000x128xbf16, #tpu.memory_space<vmem_shared>> -> memref<10000x128xbf16, #tpu.memory_space<vmem_shared>>
    %dma_wait3A_81 = tpu.memref_slice %arg11[%dma_wait3A_70] : memref<4x!tpu.dma_semaphore, #tpu.memory_space<semaphore_mem>> -> memref<1x!tpu.dma_semaphore, #tpu.memory_space<semaphore_mem>>
    %dma_wait3A_82 = tpu.memref_squeeze %dma_wait3A_81 : memref<1x!tpu.dma_semaphore, #tpu.memory_space<semaphore_mem>> -> memref<!tpu.dma_semaphore, #tpu.memory_space<semaphore_mem>>
    tpu.wait_indirect_dma semaphore(%dma_wait3A_82 : memref<!tpu.dma_semaphore, #tpu.memory_space<semaphore_mem>>) src(%dma_wait3A_74 : memref<125x128xbf16, #tpu.memory_space<vmem>>) dst(%dma_wait3A_80 : memref<10000x128xbf16, #tpu.memory_space<vmem_shared>>)
    %dma_wait3A_83 = arith.constant 0 : i32
    %dma_wait3A_84 = arith.constant 0 : i32
    %dma_wait3A_85 = arith.constant 0 : i32
    %dma_wait3A_86 = arith.constant 0 : i32
    %dma_wait3A_87 = arith.constant 0 : i32
    %dma_wait3A_88 = tpu.memref_slice %arg8[%dma_wait3A_85, %dma_wait3A_86, %dma_wait3A_87] : memref<4x125x128xbf16, #tpu.memory_space<vmem>> -> memref<1x125x128xbf16, #tpu.memory_space<vmem>>
    %dma_wait3A_89 = tpu.memref_squeeze %dma_wait3A_88 : memref<1x125x128xbf16, #tpu.memory_space<vmem>> -> memref<125x128xbf16, #tpu.memory_space<vmem>>
    %dma_wait3A_90 = arith.constant 0 : i32
    %dma_wait3A_91 = tpu.memref_slice %arg7[%dma_wait3A_83, %dma_wait3A_84, %dma_wait3A_90] : memref<2x80x125xi32, #tpu.memory_space<vmem>> -> memref<1x1x125xi32, #tpu.memory_space<vmem>>
    %dma_wait3A_92 = tpu.memref_squeeze %dma_wait3A_91 : memref<1x1x125xi32, #tpu.memory_space<vmem>> -> memref<125xi32, #tpu.memory_space<vmem>>
    %dma_wait3A_93 = arith.constant 0 : i32
    %dma_wait3A_94 = arith.constant 0 : i32
    %dma_wait3A_95 = tpu.memref_slice %arg2[%dma_wait3A_93, %dma_wait3A_94] : memref<10000x128xbf16, #tpu.memory_space<hbm>> -> memref<10000x128xbf16, #tpu.memory_space<hbm>>
    tpu.wait_indirect_dma semaphore(%arg10 : memref<!tpu.dma_semaphore, #tpu.memory_space<semaphore_mem>>) src(%dma_wait3A_95 : memref<10000x128xbf16, #tpu.memory_space<hbm>>) dst(%dma_wait3A_89 : memref<125x128xbf16, #tpu.memory_space<vmem>>)
    %dma_wait3A_96 = arith.constant 0 : i32
    %dma_wait3A_97 = arith.constant 0 : i32
    %dma_wait3A_98 = arith.constant 1 : i32
    %dma_wait3A_99 = arith.constant 0 : i32
    %dma_wait3A_100 = arith.constant 0 : i32
    %dma_wait3A_101 = tpu.memref_slice %arg8[%dma_wait3A_98, %dma_wait3A_99, %dma_wait3A_100] : memref<4x125x128xbf16, #tpu.memory_space<vmem>> -> memref<1x125x128xbf16, #tpu.memory_space<vmem>>
    %dma_wait3A_102 = tpu.memref_squeeze %dma_wait3A_101 : memref<1x125x128xbf16, #tpu.memory_space<vmem>> -> memref<125x128xbf16, #tpu.memory_space<vmem>>
    %dma_wait3A_103 = arith.constant 0 : i32
    %dma_wait3A_104 = tpu.memref_slice %arg7[%dma_wait3A_96, %dma_wait3A_97, %dma_wait3A_103] : memref<2x80x125xi32, #tpu.memory_space<vmem>> -> memref<1x1x125xi32, #tpu.memory_space<vmem>>
    %dma_wait3A_105 = tpu.memref_squeeze %dma_wait3A_104 : memref<1x1x125xi32, #tpu.memory_space<vmem>> -> memref<125xi32, #tpu.memory_space<vmem>>
    %dma_wait3A_106 = arith.constant 0 : i32
    %dma_wait3A_107 = arith.constant 0 : i32
    %dma_wait3A_108 = tpu.memref_slice %arg2[%dma_wait3A_106, %dma_wait3A_107] : memref<10000x128xbf16, #tpu.memory_space<hbm>> -> memref<10000x128xbf16, #tpu.memory_space<hbm>>
    tpu.wait_indirect_dma semaphore(%arg10 : memref<!tpu.dma_semaphore, #tpu.memory_space<semaphore_mem>>) src(%dma_wait3A_108 : memref<10000x128xbf16, #tpu.memory_space<hbm>>) dst(%dma_wait3A_102 : memref<125x128xbf16, #tpu.memory_space<vmem>>)
    %dma_wait3A_109 = arith.constant 0 : i32
    %dma_wait3A_110 = arith.constant 0 : i32
    %dma_wait3A_111 = arith.constant 2 : i32
    %dma_wait3A_112 = arith.constant 0 : i32
    %dma_wait3A_113 = arith.constant 0 : i32
    %dma_wait3A_114 = tpu.memref_slice %arg8[%dma_wait3A_111, %dma_wait3A_112, %dma_wait3A_113] : memref<4x125x128xbf16, #tpu.memory_space<vmem>> -> memref<1x125x128xbf16, #tpu.memory_space<vmem>>
    %dma_wait3A_115 = tpu.memref_squeeze %dma_wait3A_114 : memref<1x125x128xbf16, #tpu.memory_space<vmem>> -> memref<125x128xbf16, #tpu.memory_space<vmem>>
    %dma_wait3A_116 = arith.constant 0 : i32
    %dma_wait3A_117 = tpu.memref_slice %arg7[%dma_wait3A_109, %dma_wait3A_110, %dma_wait3A_116] : memref<2x80x125xi32, #tpu.memory_space<vmem>> -> memref<1x1x125xi32, #tpu.memory_space<vmem>>
    %dma_wait3A_118 = tpu.memref_squeeze %dma_wait3A_117 : memref<1x1x125xi32, #tpu.memory_space<vmem>> -> memref<125xi32, #tpu.memory_space<vmem>>
    %dma_wait3A_119 = arith.constant 0 : i32
    %dma_wait3A_120 = arith.constant 0 : i32
    %dma_wait3A_121 = tpu.memref_slice %arg2[%dma_wait3A_119, %dma_wait3A_120] : memref<10000x128xbf16, #tpu.memory_space<hbm>> -> memref<10000x128xbf16, #tpu.memory_space<hbm>>
    tpu.wait_indirect_dma semaphore(%arg10 : memref<!tpu.dma_semaphore, #tpu.memory_space<semaphore_mem>>) src(%dma_wait3A_121 : memref<10000x128xbf16, #tpu.memory_space<hbm>>) dst(%dma_wait3A_115 : memref<125x128xbf16, #tpu.memory_space<vmem>>)
    %barrier3A_122 = arith.constant 0 : index
    tpu.barrier barrier_id(%barrier3A_122)
    %eq3A_123 = arith.constant 0 : i32
    %eq3A_124 = arith.cmpi eq, %arg0, %eq3A_123 : i32
    %lt3A_125 = arith.constant 15 : i32
    %lt3A_126 = arith.cmpi slt, %arg1, %lt3A_125 : i32
    %and3A = arith.andi %eq3A_124, %lt3A_126 : i1
    %convert_element_type3A_127 = arith.extui %and3A : i1 to i32
    %cond3A_128 = arith.constant 0 : i32
    %cond3A_129 = arith.cmpi ne, %convert_element_type3A_127, %cond3A_128 : i32
    scf.if %cond3A_129 {
      "tpu.region"() ({
        %run_scoped3A_154 = tpu.sem_alloc : memref<!tpu.dma_semaphore, #tpu.memory_space<semaphore_mem>>
        %dma_start3A_155 = arith.constant 0 : i32
        %dma_start3A_156 = tpu.memref_slice %arg5[%multiple_of3A, %dma_start3A_155] : memref<10000x128xbf16, #tpu.memory_space<hbm>> -> memref<632x128xbf16, #tpu.memory_space<hbm>>
        %dma_start3A_157 = arith.constant 0 : i32
        %dma_start3A_158 = tpu.memref_slice %arg9[%multiple_of3A, %dma_start3A_157] : memref<10000x128xbf16, #tpu.memory_space<vmem_shared>> -> memref<632x128xbf16, #tpu.memory_space<vmem_shared>>
        tpu.enqueue_dma source(%dma_start3A_158 : memref<632x128xbf16, #tpu.memory_space<vmem_shared>>) target(%dma_start3A_156 : memref<632x128xbf16, #tpu.memory_space<hbm>>) target_semaphore(%run_scoped3A_154 : memref<!tpu.dma_semaphore, #tpu.memory_space<semaphore_mem>>)
        %dma_wait3A_159 = arith.constant 0 : i32
        %dma_wait3A_160 = tpu.memref_slice %arg5[%multiple_of3A, %dma_wait3A_159] : memref<10000x128xbf16, #tpu.memory_space<hbm>> -> memref<632x128xbf16, #tpu.memory_space<hbm>>
        %dma_wait3A_161 = arith.constant 0 : i32
        %dma_wait3A_162 = tpu.memref_slice %arg9[%multiple_of3A, %dma_wait3A_161] : memref<10000x128xbf16, #tpu.memory_space<vmem_shared>> -> memref<632x128xbf16, #tpu.memory_space<vmem_shared>>
        tpu.wait_dma2 semaphore(%run_scoped3A_154 : memref<!tpu.dma_semaphore, #tpu.memory_space<semaphore_mem>>) src(%dma_wait3A_162 : memref<632x128xbf16, #tpu.memory_space<vmem_shared>>) dst(%dma_wait3A_160 : memref<632x128xbf16, #tpu.memory_space<hbm>>)
        tpu.yield
      }) : () -> ()
    } else {
    }
    %eq3A_130 = arith.constant 0 : i32
    %eq3A_131 = arith.cmpi eq, %arg0, %eq3A_130 : i32
    %eq3A_132 = arith.constant 15 : i32
    %eq3A_133 = arith.cmpi eq, %arg1, %eq3A_132 : i32
    %and3A_134 = arith.andi %eq3A_131, %eq3A_133 : i1
    %convert_element_type3A_135 = arith.extui %and3A_134 : i1 to i32
    %cond3A_136 = arith.constant 0 : i32
    %cond3A_137 = arith.cmpi ne, %convert_element_type3A_135, %cond3A_136 : i32
    scf.if %cond3A_137 {
      "tpu.region"() ({
        %run_scoped3A_154 = tpu.sem_alloc : memref<!tpu.dma_semaphore, #tpu.memory_space<semaphore_mem>>
        %dma_start3A_155 = arith.constant 9480 : i32
        %dma_start3A_156 = arith.constant 0 : i32
        %dma_start3A_157 = tpu.memref_slice %arg5[%dma_start3A_155, %dma_start3A_156] : memref<10000x128xbf16, #tpu.memory_space<hbm>> -> memref<520x128xbf16, #tpu.memory_space<hbm>>
        %dma_start3A_158 = arith.constant 9480 : i32
        %dma_start3A_159 = arith.constant 0 : i32
        %dma_start3A_160 = tpu.memref_slice %arg9[%dma_start3A_158, %dma_start3A_159] : memref<10000x128xbf16, #tpu.memory_space<vmem_shared>> -> memref<520x128xbf16, #tpu.memory_space<vmem_shared>>
        tpu.enqueue_dma source(%dma_start3A_160 : memref<520x128xbf16, #tpu.memory_space<vmem_shared>>) target(%dma_start3A_157 : memref<520x128xbf16, #tpu.memory_space<hbm>>) target_semaphore(%run_scoped3A_154 : memref<!tpu.dma_semaphore, #tpu.memory_space<semaphore_mem>>)
        %dma_wait3A_161 = arith.constant 9480 : i32
        %dma_wait3A_162 = arith.constant 0 : i32
        %dma_wait3A_163 = tpu.memref_slice %arg5[%dma_wait3A_161, %dma_wait3A_162] : memref<10000x128xbf16, #tpu.memory_space<hbm>> -> memref<520x128xbf16, #tpu.memory_space<hbm>>
        %dma_wait3A_164 = arith.constant 9480 : i32
        %dma_wait3A_165 = arith.constant 0 : i32
        %dma_wait3A_166 = tpu.memref_slice %arg9[%dma_wait3A_164, %dma_wait3A_165] : memref<10000x128xbf16, #tpu.memory_space<vmem_shared>> -> memref<520x128xbf16, #tpu.memory_space<vmem_shared>>
        tpu.wait_dma2 semaphore(%run_scoped3A_154 : memref<!tpu.dma_semaphore, #tpu.memory_space<semaphore_mem>>) src(%dma_wait3A_166 : memref<520x128xbf16, #tpu.memory_space<vmem_shared>>) dst(%dma_wait3A_163 : memref<520x128xbf16, #tpu.memory_space<hbm>>)
        tpu.yield
      }) : () -> ()
    } else {
    }
    %eq3A_138 = arith.constant 1 : i32
    %eq3A_139 = arith.cmpi eq, %arg0, %eq3A_138 : i32
    %lt3A_140 = arith.constant 15 : i32
    %lt3A_141 = arith.cmpi slt, %arg1, %lt3A_140 : i32
    %and3A_142 = arith.andi %eq3A_139, %lt3A_141 : i1
    %convert_element_type3A_143 = arith.extui %and3A_142 : i1 to i32
    %cond3A_144 = arith.constant 0 : i32
    %cond3A_145 = arith.cmpi ne, %convert_element_type3A_143, %cond3A_144 : i32
    scf.if %cond3A_145 {
      "tpu.region"() ({
        %run_scoped3A_154 = tpu.sem_alloc : memref<!tpu.dma_semaphore, #tpu.memory_space<semaphore_mem>>
        %dma_start3A_155 = arith.constant 0 : i32
        %dma_start3A_156 = tpu.memref_slice %arg6[%multiple_of3A, %dma_start3A_155] : memref<10000x128xbf16, #tpu.memory_space<hbm>> -> memref<632x128xbf16, #tpu.memory_space<hbm>>
        %dma_start3A_157 = arith.constant 0 : i32
        %dma_start3A_158 = tpu.memref_slice %arg9[%multiple_of3A, %dma_start3A_157] : memref<10000x128xbf16, #tpu.memory_space<vmem_shared>> -> memref<632x128xbf16, #tpu.memory_space<vmem_shared>>
        tpu.enqueue_dma source(%dma_start3A_158 : memref<632x128xbf16, #tpu.memory_space<vmem_shared>>) target(%dma_start3A_156 : memref<632x128xbf16, #tpu.memory_space<hbm>>) target_semaphore(%run_scoped3A_154 : memref<!tpu.dma_semaphore, #tpu.memory_space<semaphore_mem>>)
        %dma_wait3A_159 = arith.constant 0 : i32
        %dma_wait3A_160 = tpu.memref_slice %arg6[%multiple_of3A, %dma_wait3A_159] : memref<10000x128xbf16, #tpu.memory_space<hbm>> -> memref<632x128xbf16, #tpu.memory_space<hbm>>
        %dma_wait3A_161 = arith.constant 0 : i32
        %dma_wait3A_162 = tpu.memref_slice %arg9[%multiple_of3A, %dma_wait3A_161] : memref<10000x128xbf16, #tpu.memory_space<vmem_shared>> -> memref<632x128xbf16, #tpu.memory_space<vmem_shared>>
        tpu.wait_dma2 semaphore(%run_scoped3A_154 : memref<!tpu.dma_semaphore, #tpu.memory_space<semaphore_mem>>) src(%dma_wait3A_162 : memref<632x128xbf16, #tpu.memory_space<vmem_shared>>) dst(%dma_wait3A_160 : memref<632x128xbf16, #tpu.memory_space<hbm>>)
        tpu.yield
      }) : () -> ()
    } else {
    }
    %eq3A_146 = arith.constant 1 : i32
    %eq3A_147 = arith.cmpi eq, %arg0, %eq3A_146 : i32
    %eq3A_148 = arith.constant 15 : i32
    %eq3A_149 = arith.cmpi eq, %arg1, %eq3A_148 : i32
    %and3A_150 = arith.andi %eq3A_147, %eq3A_149 : i1
    %convert_element_type3A_151 = arith.extui %and3A_150 : i1 to i32
    %cond3A_152 = arith.constant 0 : i32
    %cond3A_153 = arith.cmpi ne, %convert_element_type3A_151, %cond3A_152 : i32
    scf.if %cond3A_153 {
      "tpu.region"() ({
        %run_scoped3A_154 = tpu.sem_alloc : memref<!tpu.dma_semaphore, #tpu.memory_space<semaphore_mem>>
        %dma_start3A_155 = arith.constant 9480 : i32
        %dma_start3A_156 = arith.constant 0 : i32
        %dma_start3A_157 = tpu.memref_slice %arg6[%dma_start3A_155, %dma_start3A_156] : memref<10000x128xbf16, #tpu.memory_space<hbm>> -> memref<520x128xbf16, #tpu.memory_space<hbm>>
        %dma_start3A_158 = arith.constant 9480 : i32
        %dma_start3A_159 = arith.constant 0 : i32
        %dma_start3A_160 = tpu.memref_slice %arg9[%dma_start3A_158, %dma_start3A_159] : memref<10000x128xbf16, #tpu.memory_space<vmem_shared>> -> memref<520x128xbf16, #tpu.memory_space<vmem_shared>>
        tpu.enqueue_dma source(%dma_start3A_160 : memref<520x128xbf16, #tpu.memory_space<vmem_shared>>) target(%dma_start3A_157 : memref<520x128xbf16, #tpu.memory_space<hbm>>) target_semaphore(%run_scoped3A_154 : memref<!tpu.dma_semaphore, #tpu.memory_space<semaphore_mem>>)
        %dma_wait3A_161 = arith.constant 9480 : i32
        %dma_wait3A_162 = arith.constant 0 : i32
        %dma_wait3A_163 = tpu.memref_slice %arg6[%dma_wait3A_161, %dma_wait3A_162] : memref<10000x128xbf16, #tpu.memory_space<hbm>> -> memref<520x128xbf16, #tpu.memory_space<hbm>>
        %dma_wait3A_164 = arith.constant 9480 : i32
        %dma_wait3A_165 = arith.constant 0 : i32
        %dma_wait3A_166 = tpu.memref_slice %arg9[%dma_wait3A_164, %dma_wait3A_165] : memref<10000x128xbf16, #tpu.memory_space<vmem_shared>> -> memref<520x128xbf16, #tpu.memory_space<vmem_shared>>
        tpu.wait_dma2 semaphore(%run_scoped3A_154 : memref<!tpu.dma_semaphore, #tpu.memory_space<semaphore_mem>>) src(%dma_wait3A_166 : memref<520x128xbf16, #tpu.memory_space<vmem_shared>>) dst(%dma_wait3A_163 : memref<520x128xbf16, #tpu.memory_space<hbm>>)
        tpu.yield
      }) : () -> ()
    } else {
    }
    return
  }
}

module attributes {stable_mosaic.version = 14 : i64} {
  func.func @body(%arg0: i32, %arg1: memref<1000x128xf32, #tpu.memory_space<vmem>>, %arg2: memref<1000x128xbf16, #tpu.memory_space<vmem>>, %arg3: memref<1000x128xbf16, #tpu.memory_space<vmem>>, %arg4: memref<128x128xf32, #tpu.memory_space<vmem>>, %arg5: memref<1x128xf32, #tpu.memory_space<vmem>>, %arg6: memref<1000x128xbf16, #tpu.memory_space<vmem>>) attributes {dimension_semantics = [#tpu.dimension_semantics<arbitrary>], iteration_bounds = array<i64: 10>, scalar_prefetch = 0 : i64, scratch_operands = 0 : i64, tpu.core_type = #tpu.core_type<tc>, window_params = [{transform_indices = @transform_0, window_bounds = array<i64: 1000, 128>}, {transform_indices = @transform_1, window_bounds = array<i64: 1000, 128>}, {transform_indices = @transform_2, window_bounds = array<i64: 1000, 128>}, {pipeline_mode = #tpu.pipeline_mode<synchronous>, transform_indices = @transform_3, window_bounds = array<i64: 128, 128>}, {pipeline_mode = #tpu.pipeline_mode<synchronous>, transform_indices = @transform_4, window_bounds = array<i64: 1, 128>}, {transform_indices = @transform_5, window_bounds = array<i64: 1000, 128>}]} {
    %get3A = arith.constant 0 : index
    %get3A_0 = arith.constant 0 : index
    %get3A_1 = vector.load %arg1[%get3A, %get3A_0] : memref<1000x128xf32, #tpu.memory_space<vmem>>, vector<1000x128xf32>
    %get3A_2 = arith.constant 0 : index
    %get3A_3 = arith.constant 0 : index
    %get3A_4 = vector.load %arg2[%get3A_2, %get3A_3] : memref<1000x128xbf16, #tpu.memory_space<vmem>>, vector<1000x128xbf16>
    %convert_element_type3A = arith.extf %get3A_4 : vector<1000x128xbf16> to vector<1000x128xf32>
    %add3A = arith.addf %get3A_1, %convert_element_type3A : vector<1000x128xf32>
    %get3A_5 = arith.constant 0 : index
    %get3A_6 = arith.constant 0 : index
    %get3A_7 = vector.load %arg3[%get3A_5, %get3A_6] : memref<1000x128xbf16, #tpu.memory_space<vmem>>, vector<1000x128xbf16>
    %convert_element_type3A_8 = arith.extf %get3A_7 : vector<1000x128xbf16> to vector<1000x128xf32>
    %add3A_9 = arith.addf %add3A, %convert_element_type3A_8 : vector<1000x128xf32>
    %get3A_10 = arith.constant 0 : index
    %get3A_11 = arith.constant 0 : index
    %get3A_12 = vector.load %arg4[%get3A_10, %get3A_11] : memref<128x128xf32, #tpu.memory_space<vmem>>, vector<128x128xf32>
    %dot_general3A = arith.constant dense<0.000000e+00> : vector<1000x128xf32>
    %dot_general3A_13 = tpu.matmul %add3A_9, %get3A_12, %dot_general3A {dimension_numbers = #tpu.dot_dimension_numbers<[1], [0], [0], [1], [0, 0, 1, 1], [], []>, transpose_lhs_hint = false} : vector<1000x128xf32>, vector<128x128xf32>, vector<1000x128xf32> -> vector<1000x128xf32>
    %get3A_14 = arith.constant 0 : index
    %get3A_15 = arith.constant 0 : index
    %get3A_16 = vector.load %arg5[%get3A_14, %get3A_15] : memref<1x128xf32, #tpu.memory_space<vmem>>, vector<1x128xf32>
    %add3A_17 = vector.broadcast %get3A_16 : vector<1x128xf32> to vector<1000x128xf32>
    %add3A_18 = arith.addf %dot_general3A_13, %add3A_17 : vector<1000x128xf32>
    %max3A = arith.constant 0.000000e+00 : f32
    %max3A_19 = vector.broadcast %max3A : f32 to vector<1000x128xf32>
    %max3A_20 = arith.maximumf %add3A_18, %max3A_19 : vector<1000x128xf32>
    %convert_element_type3A_21 = arith.truncf %max3A_20 : vector<1000x128xf32> to vector<1000x128xbf16>
    %swap3A = arith.constant 0 : index
    %swap3A_22 = arith.constant 0 : index
    %swap3A_23 = vector.load %arg6[%swap3A, %swap3A_22] : memref<1000x128xbf16, #tpu.memory_space<vmem>>, vector<1000x128xbf16>
    tpu.vector_store %arg6[%swap3A, %swap3A_22], %convert_element_type3A_21 {strides = array<i32>} : memref<1000x128xbf16, #tpu.memory_space<vmem>>, vector<1000x128xbf16>,
    return
  }
  func.func @transform_0(%arg0: i32) -> (i32, i32) {
    %c0_i32 = arith.constant 0 : i32
    %c0_i32_0 = arith.constant 0 : i32
    return %arg0, %c0_i32 : i32, i32
  }
  func.func @transform_1(%arg0: i32) -> (i32, i32) {
    %c0_i32 = arith.constant 0 : i32
    %c0_i32_0 = arith.constant 0 : i32
    return %arg0, %c0_i32 : i32, i32
  }
  func.func @transform_2(%arg0: i32) -> (i32, i32) {
    %c0_i32 = arith.constant 0 : i32
    %c0_i32_0 = arith.constant 0 : i32
    return %arg0, %c0_i32 : i32, i32
  }
  func.func @transform_3(%arg0: i32) -> (i32, i32) {
    %c0_i32 = arith.constant 0 : i32
    %c0_i32_0 = arith.constant 0 : i32
    %c0_i32_1 = arith.constant 0 : i32
    return %c0_i32, %c0_i32_0 : i32, i32
  }
  func.func @transform_4(%arg0: i32) -> (i32, i32) {
    %c0_i32 = arith.constant 0 : i32
    %c0_i32_0 = arith.constant 0 : i32
    %c0_i32_1 = arith.constant 0 : i32
    return %c0_i32, %c0_i32_0 : i32, i32
  }
  func.func @transform_5(%arg0: i32) -> (i32, i32) {
    %c0_i32 = arith.constant 0 : i32
    %c0_i32_0 = arith.constant 0 : i32
    return %arg0, %c0_i32 : i32, i32
  }
}

module attributes {stable_mosaic.version = 14 : i64} {
  func.func @body(%arg0: i32, %arg1: memref<1000x128xbf16, #tpu.memory_space<vmem>>, %arg2: memref<1000x128xbf16, #tpu.memory_space<vmem>>, %arg3: memref<1000x128xbf16, #tpu.memory_space<vmem>>, %arg4: memref<128x64xf32, #tpu.memory_space<vmem>>, %arg5: memref<1x64xf32, #tpu.memory_space<vmem>>, %arg6: memref<1000x64xf32, #tpu.memory_space<vmem>>) attributes {dimension_semantics = [#tpu.dimension_semantics<arbitrary>], iteration_bounds = array<i64: 10>, scalar_prefetch = 0 : i64, scratch_operands = 0 : i64, tpu.core_type = #tpu.core_type<tc>, window_params = [{transform_indices = @transform_0, window_bounds = array<i64: 1000, 128>}, {transform_indices = @transform_1, window_bounds = array<i64: 1000, 128>}, {transform_indices = @transform_2, window_bounds = array<i64: 1000, 128>}, {pipeline_mode = #tpu.pipeline_mode<synchronous>, transform_indices = @transform_3, window_bounds = array<i64: 128, 64>}, {pipeline_mode = #tpu.pipeline_mode<synchronous>, transform_indices = @transform_4, window_bounds = array<i64: 1, 64>}, {transform_indices = @transform_5, window_bounds = array<i64: 1000, 64>}]} {
    %get3A = arith.constant 0 : index
    %get3A_0 = arith.constant 0 : index
    %get3A_1 = vector.load %arg1[%get3A, %get3A_0] : memref<1000x128xbf16, #tpu.memory_space<vmem>>, vector<1000x128xbf16>
    %convert_element_type3A = arith.extf %get3A_1 : vector<1000x128xbf16> to vector<1000x128xf32>
    %get3A_2 = arith.constant 0 : index
    %get3A_3 = arith.constant 0 : index
    %get3A_4 = vector.load %arg2[%get3A_2, %get3A_3] : memref<1000x128xbf16, #tpu.memory_space<vmem>>, vector<1000x128xbf16>
    %convert_element_type3A_5 = arith.extf %get3A_4 : vector<1000x128xbf16> to vector<1000x128xf32>
    %add3A = arith.addf %convert_element_type3A, %convert_element_type3A_5 : vector<1000x128xf32>
    %get3A_6 = arith.constant 0 : index
    %get3A_7 = arith.constant 0 : index
    %get3A_8 = vector.load %arg3[%get3A_6, %get3A_7] : memref<1000x128xbf16, #tpu.memory_space<vmem>>, vector<1000x128xbf16>
    %convert_element_type3A_9 = arith.extf %get3A_8 : vector<1000x128xbf16> to vector<1000x128xf32>
    %add3A_10 = arith.addf %add3A, %convert_element_type3A_9 : vector<1000x128xf32>
    %get3A_11 = arith.constant 0 : index
    %get3A_12 = arith.constant 0 : index
    %get3A_13 = vector.load %arg4[%get3A_11, %get3A_12] : memref<128x64xf32, #tpu.memory_space<vmem>>, vector<128x64xf32>
    %dot_general3A = arith.constant dense<0.000000e+00> : vector<1000x64xf32>
    %dot_general3A_14 = tpu.matmul %add3A_10, %get3A_13, %dot_general3A {dimension_numbers = #tpu.dot_dimension_numbers<[1], [0], [0], [1], [0, 0, 1, 1], [], []>, transpose_lhs_hint = false} : vector<1000x128xf32>, vector<128x64xf32>, vector<1000x64xf32> -> vector<1000x64xf32>
    %get3A_15 = arith.constant 0 : index
    %get3A_16 = arith.constant 0 : index
    %get3A_17 = vector.load %arg5[%get3A_15, %get3A_16] : memref<1x64xf32, #tpu.memory_space<vmem>>, vector<1x64xf32>
    %add3A_18 = vector.broadcast %get3A_17 : vector<1x64xf32> to vector<1000x64xf32>
    %add3A_19 = arith.addf %dot_general3A_14, %add3A_18 : vector<1000x64xf32>
    %reduce_max3A = arith.constant dense<0xFF800000> : vector<1000xf32>
    %reduce_max3A_20 = vector.multi_reduction <maximumf>, %add3A_19, %reduce_max3A [1] : vector<1000x64xf32> to vector<1000xf32>
    %broadcast_in_dim3A = vector.shape_cast %reduce_max3A_20 : vector<1000xf32> to vector<1000x1xf32>
    %sub3A = vector.broadcast %broadcast_in_dim3A : vector<1000x1xf32> to vector<1000x64xf32>
    %sub3A_21 = arith.subf %add3A_19, %sub3A : vector<1000x64xf32>
    %exp3A = math.exp %sub3A_21 : vector<1000x64xf32>
    %reduce_sum3A = arith.constant dense<0.000000e+00> : vector<1000xf32>
    %reduce_sum3A_22 = vector.multi_reduction <add>, %exp3A, %reduce_sum3A [1] : vector<1000x64xf32> to vector<1000xf32>
    %broadcast_in_dim3A_23 = vector.shape_cast %reduce_sum3A_22 : vector<1000xf32> to vector<1000x1xf32>
    %log3A = math.log %broadcast_in_dim3A_23 : vector<1000x1xf32>
    %sub3A_24 = vector.broadcast %log3A : vector<1000x1xf32> to vector<1000x64xf32>
    %sub3A_25 = arith.subf %sub3A_21, %sub3A_24 : vector<1000x64xf32>
    %swap3A = arith.constant 0 : index
    %swap3A_26 = arith.constant 0 : index
    %swap3A_27 = vector.load %arg6[%swap3A, %swap3A_26] : memref<1000x64xf32, #tpu.memory_space<vmem>>, vector<1000x64xf32>
    tpu.vector_store %arg6[%swap3A, %swap3A_26], %sub3A_25 {strides = array<i32>} : memref<1000x64xf32, #tpu.memory_space<vmem>>, vector<1000x64xf32>,
    return
  }
  func.func @transform_0(%arg0: i32) -> (i32, i32) {
    %c0_i32 = arith.constant 0 : i32
    %c0_i32_0 = arith.constant 0 : i32
    return %arg0, %c0_i32 : i32, i32
  }
  func.func @transform_1(%arg0: i32) -> (i32, i32) {
    %c0_i32 = arith.constant 0 : i32
    %c0_i32_0 = arith.constant 0 : i32
    return %arg0, %c0_i32 : i32, i32
  }
  func.func @transform_2(%arg0: i32) -> (i32, i32) {
    %c0_i32 = arith.constant 0 : i32
    %c0_i32_0 = arith.constant 0 : i32
    return %arg0, %c0_i32 : i32, i32
  }
  func.func @transform_3(%arg0: i32) -> (i32, i32) {
    %c0_i32 = arith.constant 0 : i32
    %c0_i32_0 = arith.constant 0 : i32
    %c0_i32_1 = arith.constant 0 : i32
    return %c0_i32, %c0_i32_0 : i32, i32
  }
  func.func @transform_4(%arg0: i32) -> (i32, i32) {
    %c0_i32 = arith.constant 0 : i32
    %c0_i32_0 = arith.constant 0 : i32
    %c0_i32_1 = arith.constant 0 : i32
    return %c0_i32, %c0_i32_0 : i32, i32
  }
  func.func @transform_5(%arg0: i32) -> (i32, i32) {
    %c0_i32 = arith.constant 0 : i32
    %c0_i32_0 = arith.constant 0 : i32
    return %arg0, %c0_i32 : i32, i32
  }
}

</mosaic_0001>

<sc_bundles>
// kernel: kernel.6.cloned.1.call-start
scs
__scs_entry_jumppad:
0x0: {  	(pc) =	sbr.rel $0x88, $3  }
0x1: {  	(tag) =	ssettag $0x0;
	lr =	simm.s32 $0x1  }
0x2: {  	[smem:$0x3F9B] =	sst lr;
	_ =	strace $0xD0000000  }
0x3: {  	_ = 	snop  }
0x4: {  	_ = 	snop  }
0x5: {  	_ = 	snop  }
0x6: {  	_ = 	snop  }
0x7: {  	_ = 	snop  }
__scs_overlays_trampoline_lowered:
0x8: {  	[smem:$0x3FAA] =	sst s0  }
0x9: {  	[smem:$0x3FAB] =	sst s1  }
0xa: {  	[smem:$0x3FAC] =	sst s2  }
0xb: {  	[smem:$0x3FAD] =	sst s3  }
0xc: {  	[smem:$0x3FAE] =	sst s4  }
0xd: {  	[smem:$0x3FAF] =	sst s5  }
0xe: {  	[smem:$0x3FB0] =	sst s6  }
0xf: {  	[smem:$0x3FB1] =	sst s7  }
0x10: {  	[smem:$0x3FB2] =	sst s8  }
0x11: {  	[smem:$0x3FB3] =	sst s9;
	s0 =	simm.s32 @!p0 $0x0  }
0x12: {  	s1 =	sld [smem:$0x3F99];
	s0 =	simm.s32 @p0 $0x1  }
0x13: {  	[smem:$0x3FB4] =	sst s0;
	s0 =	simm.s32 @!p1 $0x0  }
0x14: {  	s2 =	sld [smem:$0x3F98];
	s0 =	simm.s32 @p1 $0x1  }
0x15: {  	[smem:$0x3FB5] =	sst s0;
	s0 =	simm.s32 @!p2 $0x0  }
0x16: {  	s3 =	sld [smem:$0x3FDB];
	s0 =	simm.s32 @p2 $0x1  }
0x17: {  	s4 =	simm.s32 $0x1BF5;
	[smem:$0x3FB7] =	sst s0  }
0x18: {  	s0 =	sld [smem:$0x3F9A];
	_ =	swait.ge [sflag:s4], $0x0  }
0x19: {  	s7 =	sld [smem:$0x3F9B]  }
0x1a: {  	s8 =	sadd.s32 $0xFFFFE003, lr  }
0x1b: {  	s9 =	sadd.s32 $0xFFFFFEF7, lr;
	s5 =	simm.s32 $0xFFFFFFFF;
	p2 =	slt.u32 s8, $0xFFFFF086  }
0x1c: {  	p1 =	slt.u32 s9, $0xF7A;
	s5 =	simm.s32 @!p2 $0x0  }
0x1d: {  	s5 =	simm.s32 @p1 $0x1;
	p0 =	seq.s32 s7, s2  }
0x1e: {  	s7 =	smul.u32 @!p0 $0xF7A, s2;
	p2 =	seq.s32 @!p0 s5, $0x0  }
0x1f: {  	s9 =	smul.u32 $0xF7A, s1;
	s8 =	simm.s32 @!p0 $0x1BF5;
	p2 =	por !p2, p0  }
0x20: {  	[sflag:s8] =	ssyncset.s32 @!p0 $0xFFFFF086;
	s6 =	sadd.s32 @!p0 s3, s7;
	s7 =	simm.s32 @!p0 $0x108  }
0x21: {  	s3 =	sadd.s32 s3, s9;
	s6 =	sadd.s32 @!p0 $0x88, s6;
	s7 =	simm.s32 @p2 $0x1082  }
0x22: {  	[simem:s7], [sflag:s8] =	dma.local @!p0 [hbm:s6], $0xF7A  }
0x23: {  	s9 =	sor.u32 $0xD0000000, s2;
	s6 =	simm.s32 $0x108;
	_ =	swait.ge @!p0 [sflag:s8], $0x0  }
0x24: {  	s3 =	sadd.s32 $0x88, s3;
	s6 =	simm.s32 @!p1 $0x1082;
	[sflag:s4] =	ssyncset.s32 $0xFFFFF086  }
0x25: {  	[simem:s6], [sflag:s4] =	dma.local [hbm:s3], $0xF7A  }
0x26: {  	[smem:$0x3F9B] =	sst s1;
	(tag) =	ssettag s2;
	_ =	strace s9  }
0x27: {  	s1 =	sld [smem:$0x3FAB]  }
0x28: {  	s2 =	sld [smem:$0x3FAC]  }
0x29: {  	s4 =	sld [smem:$0x3FAE]  }
0x2a: {  	p0 =	seq.s32 s5, $0x0;
	s5 =	sld [smem:$0x3FAF]  }
0x2b: {  	s6 =	sld [smem:$0x3FB0]  }
0x2c: {  	s7 =	sld [smem:$0x3FB1]  }
0x2d: {  	s3 =	simm.s32 $0x108;
	s8 =	sld [smem:$0x3FB2]  }
0x2e: {  	s3 =	simm.s32 @!p0 $0x1082;
	s9 =	sld [smem:$0x3FB3]  }
0x2f: {  	lr =	sadd.s32 s0, s3;
	s0 =	sld [smem:$0x3FAA]  }
0x30: {  	s3 =	sld [smem:$0x3FAD]  }
0x31: {  	[smem:$0x3FB6] =	sst s10  }
0x32: {  	s10 =	sld [smem:$0x3FB4];
	_ =	sdelay $0x3  }
0x33: {  	p0 =	seq.s32 s10, $0x1;
	s10 =	sld [smem:$0x3FB6];
	_ =	sdelay $0x3  }
0x34: {  	[smem:$0x3FB6] =	sst s10  }
0x35: {  	s10 =	sld [smem:$0x3FB5];
	_ =	sdelay $0x3  }
0x36: {  	p1 =	seq.s32 s10, $0x1;
	s10 =	sld [smem:$0x3FB6];
	_ =	sdelay $0x3  }
0x37: {  	[smem:$0x3FB6] =	sst s10  }
0x38: {  	s10 =	sld [smem:$0x3FB7]  }
0x39: {  	_ = 	snop;
	(pc) =	sbr.ind lr, $3  }
0x3a: {  	_ = 	snop  }
0x3b: {  	_ = 	snop  }
0x3c: {  	p2 =	seq.s32 s10, $0x1;
	s10 =	sld [smem:$0x3FB6]  }
0x3d: {  	_ =	shalt  }
0x3e: {  	_ =	shalt  }
0x3f: {  	_ =	shalt  }
0x40: {  	_ =	shalt  }
0x41: {  	_ =	shalt  }
0x42: {  	_ =	shalt  }
0x43: {  	_ =	shalt  }
0x44: {  	_ =	shalt  }
0x45: {  	_ =	shalt  }
0x46: {  	_ =	shalt  }
0x47: {  	_ =	shalt  }
0x48: {  	_ =	shalt  }
0x49: {  	_ =	shalt  }
0x4a: {  	_ =	shalt  }
0x4b: {  	_ =	shalt  }
0x4c: {  	_ =	shalt  }
0x4d: {  	_ =	shalt  }
0x4e: {  	_ =	shalt  }
0x4f: {  	_ =	shalt  }
0x50: {  	_ =	shalt  }
0x51: {  	_ =	shalt  }
0x52: {  	_ =	shalt  }
0x53: {  	_ =	shalt  }
0x54: {  	_ =	shalt  }
0x55: {  	_ =	shalt  }
0x56: {  	_ =	shalt  }
0x57: {  	_ =	shalt  }
0x58: {  	_ =	shalt  }
0x59: {  	_ =	shalt  }
0x5a: {  	_ =	shalt  }
0x5b: {  	_ =	shalt  }
0x5c: {  	_ =	shalt  }
0x5d: {  	_ =	shalt  }
0x5e: {  	_ =	shalt  }
0x5f: {  	_ =	shalt  }
0x60: {  	_ =	shalt  }
0x61: {  	_ =	shalt  }
0x62: {  	_ =	shalt  }
0x63: {  	_ =	shalt  }
0x64: {  	_ =	shalt  }
0x65: {  	_ =	shalt  }
0x66: {  	_ =	shalt  }
0x67: {  	_ =	shalt  }
0x68: {  	_ =	shalt  }
0x69: {  	_ =	shalt  }
0x6a: {  	_ =	shalt  }
0x6b: {  	_ =	shalt  }
0x6c: {  	_ =	shalt  }
0x6d: {  	_ =	shalt  }
0x6e: {  	_ =	shalt  }
0x6f: {  	_ =	shalt  }
0x70: {  	_ =	shalt  }
0x71: {  	_ =	shalt  }
0x72: {  	_ =	shalt  }
0x73: {  	_ =	shalt  }
0x74: {  	_ =	shalt  }
0x75: {  	_ =	shalt  }
0x76: {  	_ =	shalt  }
0x77: {  	_ =	shalt  }
0x78: {  	_ =	shalt  }
0x79: {  	_ =	shalt  }
0x7a: {  	_ =	shalt  }
0x7b: {  	_ =	shalt  }
0x7c: {  	_ =	shalt  }
0x7d: {  	_ =	shalt  }
0x7e: {  	_ =	shalt  }
0x7f: {  	_ =	shalt  }
0x80: {  	_ =	shalt  }
0x81: {  	_ =	shalt  }
0x82: {  	_ =	shalt  }
0x83: {  	_ =	shalt  }
0x84: {  	_ =	shalt  }
0x85: {  	_ =	shalt  }
0x86: {  	_ =	shalt  }
0x87: {  	_ =	shalt  }
.Lfunc_end0:
.L_simem_size_0:
called_computation_lowered:
.L_overlay_start_0:
0x88: {  	s2 =	sld [smem:$0x3FD9]  }
0x89: {  	s3 =	sld [smem:$0x3FFE];
	_ =	sdelay $0x1  }
0x8a: {  	s1 =	srdreg.scid  }
0x8b: {  	s0 =	sand.u32 $0x1, s1  }
0x8c: {  	s17 =	sshll.u32 s0, $0xA;
	s2 =	sadd.s32 s3, s2  }
0x8d: {  	s2 =	sadd.s32 s2, s17  }
0x8e: {  	[smem:$0x3FC2] =	sst s2  }
0x8f: {  	_ = 	snop  }
0x90: {  	s2 =	sld [smem:$0x3FD0];
	(tm) =	ssettm $0x1  }
0x91: {  	s18 =	sld [smem:$0x3FFB];
	_ =	sdelay $0x3  }
0x92: {  	_ =	strace s18  }
0x93: {  	s3 =	sld [smem:$0x3FFC];
	_ =	sdelay $0x3  }
0x94: {  	_ =	strace s3  }
0x95: {  	s3 =	sld [smem:$0x3FFD];
	_ =	sdelay $0x3  }
0x96: {  	_ =	strace s3  }
0x97: {  	_ =	strace $0x8FFFFFFF  }
0x98: {  	s19 =	sld [smem:$0x3FDB];
	_ =	sdelay $0x1  }
0x99: {  	s4 =	simm.s32 $_scs_section_size  }
0x9a: {  	s5 =	simm.s32 $_size__tile_overlayer_lowered;
	s6 =	simm.s32 $_tile_overlayer_lowered  }
0x9b: {  	s22 =	simm.s32 $0x1BFF;
	s21 =	sshll.u32 s6, $0x1;
	s3 =	sadd.s32 s4, s19  }
0x9c: {  	s7 =	simm.s32 $0x0;
	s20 =	sshll.u32 s5, $0x1;
	s5 =	sadd.s32 s21, s3  }
0x9d: {  	[timem:s7], [sflag:s22] =	dma.local [hbm:s5], s20  }
0x9e: {  	_ =	swait.ge [sflag:s22], s20  }
0x9f: {  	s4 =	ssub.s32 $0x0, s20;
	[sflag:s22] =	ssyncset.done $0x0  }
0xa0: {  	[sflag:s22] =	ssyncadd.s32 s4;
	_ =	sdelay $0x1  }
0xa1: {  	s23 =	simm.s32 $0x1B8B  }
0xa2: {  	_ =	swait.ge [sflag:s23], $0x1  }
0xa3: {  	[sflag:s23] =	ssyncset.done $0x0  }
0xa4: {  	s25 =	simm.s32 $0x1B8E;
	s24 =	sld [smem:$0x3FFE];
	[sflag:s23] =	ssyncadd.s32 $0xFFFFFFFF  }
0xa5: {  	s26 =	simm.s32 $execute0_lowered;
	[smem:$0x3FD2] =	sst s25  }
0xa6: {  	s5 =	sshll.u32 s26, $0x1;
	_ =	strace $0x80000046;
	[dreg:$0x1] =	wrdreg $0xFFFFFFFF  }
0xa7: {  	s28 =	simm.s32 $_size_execute0_lowered;
	s3 =	sadd.s32 s3, s5;
	[dreg:$0x0] =	wrdreg $0x0  }
0xa8: {  	s5 =	sshll.u32 s28, $0x1;
	[dreg:$0x2] =	wrdreg s3  }
0xa9: {  	[dreg:$0x3] =	wrdreg s5  }
0xaa: {  	[dreg:$0x4] =	wrdreg $0xC0  }
0xab: {  	_ =	task [dreg:s7], $0x5FFFF  }
0xac: {  	[dreg:$0x1] =	wrdreg $0xFFFFFFFF  }
0xad: {  	[dreg:$0x0] =	wrdreg $0x60  }
0xae: {  	[dreg:$0x2] =	wrdreg s2  }
0xaf: {  	[dreg:$0x3] =	wrdreg s24  }
0xb0: {  	[dreg:$0x4] =	wrdreg $0xCD000  }
0xb1: {  	[dreg:$0x5] =	wrdreg $0x9  }
0xb2: {  	_ =	task.clear_ibuf [dreg:s7], $0x6FFFF;
	_ =	strace $0x90000046  }
0xb3: {  	s29 =	simm.s32 $0x9;
	_ =	strace $0x80000048  }
0xb4: {  	_ =	swait.ge [sflag:s29], $0x1  }
0xb5: {  	[sflag:s29] =	ssyncadd.s32 $0xFFFFFFFF  }
0xb6: {  	_ =	strace $0x90000048  }
0xb7: {  	_ =	sfence  }
0xb8: {  	s30 =	sld [smem:$0x0];
	_ =	sdelay $0x2  }
0xb9: {  	s31 =	sshll.u32 s1, $0xD;
	s1 =	sshrl.u32 s1, $0x2  }
0xba: {  	s3 =	sand.u32 $0x4000, s31;
	s1 =	sadd.s32 s1, s30  }
0xbb: {  	s0 =	sor.u32 s3, s0;
	s1 =	sshll.u32 s1, $0x11  }
0xbc: {  	s0 =	sor.u32 s1, s0  }
0xbd: {  	s0 =	sadd.s32 $0x8F2B, s0  }
0xbe: {  	[sflag:s0] =	ssyncadd.remote.s32 $0x1  }
0xbf: {  	_ =	sfence.sel $0xFFFF  }
0xc0: {  	[dreg:$0x0] =	wrdreg $0xFFFFFFFF;
	(pc) =	sbr.abs _section_cstart, $3  }
0xc1: {  	[dreg:$0x1] =	wrdreg $0xFFFFFFFF  }
0xc2: {  	_ =	task.clear_ibuf [dreg:s7], $0x2FFFF;
	_ =	strace $0x9FFFFFFF  }
0xc3: {  	(tm) =	ssettm $0x7FFFFFFF  }
tec
execute0_lowered:
.L_overlay_start_1:
0x0: {  	(tag) =	ssettag $0x1  }
0x1: {  	s1 =	rddreg [dreg:$0x0]  }
0x2: {  	s2 =	srdreg.scid;
	s6 =	rddreg [dreg:$0x1]  }
0x3: {  	s0 =	stileid.u32;
	s3 =	rddreg [dreg:$0x2];
	s15 =	simm.s32 $0x6  }
0x4: {  	s16 =	simm.s32 $0x2800;
	s20 =	simm.s32 $0x7D;
	s21 =	simm.s32 $0x5000  }
0x5: {  	s23 =	simm.s32 $0x6F40;
	s28 =	simm.s32 $0xADC0;
	s29 =	simm.s32 $0x1  }
0x6: {  	s31 =	simm.s32 $0x2;
	s30 =	simm.s32 $0x5;
	s2 =	sand.u32 $0x1, s2  }
0x7: {  	s4 =	sshll.u32 s0, $0x1;
	s11 =	sadd.s32 $0x2AC00, s6;
	s10 =	smul.u32 $0x27800, s0  }
0x8: {  	s14 =	sadd.s32 $0x17200, s6;
	p0 =	seq.s32 s0, $0xF;
	s26 =	smul.u32 $0x13C00, s0  }
0x9: {  	p4 =	sne.s32 s0, $0xF;
	s17 =	sadd.s32 $0x94200, s3;
	s5 =	sor.u32 s2, s4  }
0xa: {  	s4 =	simm.s32 $0x0;
	s8 =	ssub.s32 $0x2, s2;
	p2 =	seq.s32 s2, $0x0  }
0xb: {  	s5 =	smul.u32 $0x2800, s5;
	[smem:$0x7FF] =	sst s4;
	s25 =	sshrl.u32 s8, $0x1  }
0xc: {  	s10 =	sshrl.u32 s10, $0x2;
	p1 =	por !p2, !p4;
	s13 =	sshrl.u32 s26, $0x4  }
0xd: {  	p3 =	por !p2, !p0;
	p2 =	seq.s32 s2, $0x1;
	s2 =	sshll.u32 @!p0 s0, $0x6  }
0xe: {  	_ =	strace $0x80000047;
	s10 =	sadd.s32 s10, s3;
	p1 =	por !p1, !p1  }
0xf: {  	[dreg:$0x4] =	wrdreg s11;
	s11 =	sadd.s32 s11, s13;
	p3 =	por !p3, !p3  }
0x10: {  	p4 =	por !p4, !p2;
	[dreg:$0x5] =	wrdreg s14;
	s13 =	sadd.s32 s14, s13  }
0x11: {  	[dreg:$0x6] =	wrdreg s17;
	s17 =	sshrl.u32 @p0 s17, $0x3;
	s18 =	sor.u32 @!p0 $0x1C06, s2  }
0x12: {  	s2 =	simm.s32 $0x0;
	s5 =	sshrl.u32 s5, $0x3;
	p4 =	por !p4, !p4  }
.Ltmp0:
0x13: {  	s19 =	sshrl.u32 @!p0 s10, $0x3;
	s10 =	simm.s32 $0x4;
	(pc) =	sbr.rel .LBB2_1-.Ltmp0, $4  }
0x14: {  	s7 =	sadd.s32 s5, s6;
	s5 =	sadd.s32 $0x1E00, s6;
	s6 =	ssub.s32 s8, s25  }
0x15: {  	s25 =	simm.s32 $0x8E80;
	p4 =	por !p4, p3;
	s8 =	sadd.s32 $0x3200, s7  }
0x16: {  	s9 =	sadd.s32 $0xD200, s7;
	s7 =	sshrl.u32 s26, $0x1;
	s14 =	smax.u32 s6, $0x1  }
0x17: {  	s6 =	simm.s32 $0x2780;
	s12 =	sadd.s32 s7, s3;
	s7 =	simm.s32 $0x3  }
.LBB2_5:
0x18: {  	s2 =	sadd.s32 $0x1, s2  }
0x19: {  	p5 =	sne.s32 s2, s14  }
.Ltmp1:
0x1a: {  	_ = 	snop;
	(pc) =	sbr.rel @!p5 .LBB2_6-.Ltmp1, $1  }
0x1b: {  	_ =	sdelay $0x3  }
.LBB2_1:
0x1c: {  	[tilespmem:s4], [sflag:$0x6] =	stream.linear.gather [hbm4b:s8+s4], $0x2800, $0x38;
	[tilespmem:$0x16940] =	vst v63  }
0x1d: {  	_ =	swait.ge [sflag:s15], $0x2800  }
0x1e: {  	[sflag:s15] =	ssyncset.done $0x0  }
0x1f: {  	[sflag:s15] =	ssyncadd.s32 $0xFFFFD800  }
0x20: {  	[tilespmem:s16], [sflag:$0x6] =	stream.linear.gather [hbm4b:s9+s4], $0x2800, $0x38;
	[tilespmem:$0x16940] =	vst v63  }
0x21: {  	_ =	swait.ge [sflag:s15], $0x2800  }
0x22: {  	[sflag:s15] =	ssyncset.done $0x0  }
0x23: {  	s22 =	simm.s32 @p0 $0x1FC6;
	[sflag:s15] =	ssyncadd.s32 $0xFFFFD800  }
0x24: {  	[spmem:s17], [sflag:s22] =	dma.local @p0 [hbm:s5], $0x1040  }
0x25: {  	s22 =	simm.s32 @p0 $0x6  }
0x26: {  	_ =	swait.ge @p0 [sflag:s22], $0x1040  }
0x27: {  	[sflag:s22] =	ssyncset.done @p0 $0x0  }
0x28: {  	[sflag:s22] =	ssyncadd.s32 @p0 $0xFFFFEFC0;
	s22 =	simm.s32 @!p0 $0x6  }
0x29: {  	[spmem:s19], [sflag:s18] =	dma.local @!p0 [hbm:s5], $0x13C0  }
0x2a: {  	_ =	swait.ge @!p0 [sflag:s22], $0x13C0  }
0x2b: {  	[sflag:s22] =	ssyncset.done @!p0 $0x0  }
0x2c: {  	[sflag:s22] =	ssyncadd.s32 @!p0 $0xFFFFEC40  }
0x2d: {  	[tilespmem:s21], [sflag:$0x1] =	stream.indirect.gather [hbm4b:s1+s20], $0x40, s4, s20, $0xb8;
	[tilespmem:$0x16940] =	vst v63  }
0x2e: {  	s24 =	simm.s32 $0x80  }
0x2f: {  	[tilespmem:s23], [sflag:$0x1] =	stream.indirect.gather [hbm4b:s1+s20], $0x40, s24, s20, $0xb8;
	[tilespmem:$0x16940] =	vst v63  }
0x30: {  	s26 =	simm.s32 $0x100  }
0x31: {  	[tilespmem:s25], [sflag:$0x1] =	stream.indirect.gather [hbm4b:s1+s20], $0x40, s26, s20, $0xb8;
	[tilespmem:$0x16940] =	vst v63  }
0x32: {  	s24 =	simm.s32 $0x180  }
0x33: {  	[tilespmem:s28], [sflag:$0x1] =	stream.indirect.gather [hbm4b:s1+s20], $0x40, s24, s20, $0xb8;
	[tilespmem:$0x16940] =	vst v63  }
0x34: {  	[bflag:$0x0] =	sbarrier.arrive $0xFFFF  }
0x35: {  	_ =	swait.ge [sflag:s29], $0x1F40  }
0x36: {  	[sflag:s29] =	ssyncset.done $0x0  }
0x37: {  	[sflag:s29] =	ssyncadd.s32 $0xFFFFE0C0  }
0x38: {  	[spmem:s3] =	stream.indirect.scatter.add.bf16 [tilespmem:s21], [sflag:$0x2], $0x40, s16, s20, $0xb8;
	[tilespmem:$0x16940] =	vst v63  }
0x39: {  	_ =	swait.ge [sflag:s29], $0x1F40  }
0x3a: {  	[sflag:s29] =	ssyncset.done $0x0  }
0x3b: {  	s26 =	simm.s32 $0x2880;
	[sflag:s29] =	ssyncadd.s32 $0xFFFFE0C0  }
0x3c: {  	[spmem:s3] =	stream.indirect.scatter.add.bf16 [tilespmem:s23], [sflag:$0x3], $0x40, s26, s20, $0xb8;
	[tilespmem:$0x16940] =	vst v63  }
0x3d: {  	_ =	swait.ge [sflag:s31], $0x1F40  }
0x3e: {  	[sflag:s31] =	ssyncset.done $0x0  }
0x3f: {  	s24 =	simm.s32 $0x200;
	[sflag:s31] =	ssyncadd.s32 $0xFFFFE0C0  }
0x40: {  	[tilespmem:s21], [sflag:$0x1] =	stream.indirect.gather [hbm4b:s1+s20], $0x40, s24, s20, $0xb8;
	[tilespmem:$0x16940] =	vst v63  }
0x41: {  	_ =	swait.ge [sflag:s29], $0x1F40  }
0x42: {  	[sflag:s29] =	ssyncset.done $0x0  }
0x43: {  	s26 =	simm.s32 $0x2900;
	[sflag:s29] =	ssyncadd.s32 $0xFFFFE0C0  }
0x44: {  	[spmem:s3] =	stream.indirect.scatter.add.bf16 [tilespmem:s25], [sflag:$0x4], $0x40, s26, s20, $0xb8;
	[tilespmem:$0x16940] =	vst v63  }
0x45: {  	_ =	swait.ge [sflag:s7], $0x1F40  }
0x46: {  	[sflag:s7] =	ssyncset.done $0x0  }
0x47: {  	s24 =	simm.s32 $0x280;
	[sflag:s7] =	ssyncadd.s32 $0xFFFFE0C0  }
0x48: {  	[tilespmem:s23], [sflag:$0x1] =	stream.indirect.gather [hbm4b:s1+s20], $0x40, s24, s20, $0xb8;
	[tilespmem:$0x16940] =	vst v63  }
0x49: {  	_ =	swait.ge [sflag:s29], $0x1F40  }
0x4a: {  	[sflag:s29] =	ssyncset.done $0x0  }
0x4b: {  	s26 =	simm.s32 $0x2980;
	[sflag:s29] =	ssyncadd.s32 $0xFFFFE0C0  }
0x4c: {  	[spmem:s3] =	stream.indirect.scatter.add.bf16 [tilespmem:s28], [sflag:$0x5], $0x40, s26, s20, $0xb8;
	[tilespmem:$0x16940] =	vst v63  }
0x4d: {  	_ =	swait.ge [sflag:s10], $0x1F40  }
0x4e: {  	[sflag:s10] =	ssyncset.done $0x0  }
0x4f: {  	s24 =	simm.s32 $0x300;
	[sflag:s10] =	ssyncadd.s32 $0xFFFFE0C0  }
0x50: {  	[tilespmem:s25], [sflag:$0x1] =	stream.indirect.gather [hbm4b:s1+s20], $0x40, s24, s20, $0xb8;
	[tilespmem:$0x16940] =	vst v63  }
0x51: {  	_ =	swait.ge [sflag:s29], $0x1F40  }
0x52: {  	[sflag:s29] =	ssyncset.done $0x0  }
0x53: {  	s26 =	simm.s32 $0x2A00;
	[sflag:s29] =	ssyncadd.s32 $0xFFFFE0C0  }
0x54: {  	[spmem:s3] =	stream.indirect.scatter.add.bf16 [tilespmem:s21], [sflag:$0x2], $0x40, s26, s20, $0xb8;
	[tilespmem:$0x16940] =	vst v63  }
0x55: {  	_ =	swait.ge [sflag:s30], $0x1F40  }
0x56: {  	[sflag:s30] =	ssyncset.done $0x0  }
0x57: {  	s24 =	simm.s32 $0x380;
	[sflag:s30] =	ssyncadd.s32 $0xFFFFE0C0  }
0x58: {  	[tilespmem:s28], [sflag:$0x1] =	stream.indirect.gather [hbm4b:s1+s20], $0x40, s24, s20, $0xb8;
	[tilespmem:$0x16940] =	vst v63  }
0x59: {  	_ =	swait.ge [sflag:s29], $0x1F40  }
0x5a: {  	[sflag:s29] =	ssyncset.done $0x0  }
0x5b: {  	s26 =	simm.s32 $0x2A80;
	[sflag:s29] =	ssyncadd.s32 $0xFFFFE0C0  }
0x5c: {  	[spmem:s3] =	stream.indirect.scatter.add.bf16 [tilespmem:s23], [sflag:$0x3], $0x40, s26, s20, $0xb8;
	[tilespmem:$0x16940] =	vst v63  }
0x5d: {  	_ =	swait.ge [sflag:s31], $0x1F40  }
0x5e: {  	[sflag:s31] =	ssyncset.done $0x0  }
0x5f: {  	s24 =	simm.s32 $0x400;
	[sflag:s31] =	ssyncadd.s32 $0xFFFFE0C0  }
0x60: {  	[tilespmem:s21], [sflag:$0x1] =	stream.indirect.gather [hbm4b:s1+s20], $0x40, s24, s20, $0xb8;
	[tilespmem:$0x16940] =	vst v63  }
0x61: {  	_ =	swait.ge [sflag:s29], $0x1F40  }
0x62: {  	[sflag:s29] =	ssyncset.done $0x0  }
0x63: {  	s26 =	simm.s32 $0x2B00;
	[sflag:s29] =	ssyncadd.s32 $0xFFFFE0C0  }
0x64: {  	[spmem:s3] =	stream.indirect.scatter.add.bf16 [tilespmem:s25], [sflag:$0x4], $0x40, s26, s20, $0xb8;
	[tilespmem:$0x16940] =	vst v63  }
0x65: {  	_ =	swait.ge [sflag:s7], $0x1F40  }
0x66: {  	[sflag:s7] =	ssyncset.done $0x0  }
0x67: {  	s24 =	simm.s32 $0x480;
	[sflag:s7] =	ssyncadd.s32 $0xFFFFE0C0  }
0x68: {  	[tilespmem:s23], [sflag:$0x1] =	stream.indirect.gather [hbm4b:s1+s20], $0x40, s24, s20, $0xb8;
	[tilespmem:$0x16940] =	vst v63  }
0x69: {  	_ =	swait.ge [sflag:s29], $0x1F40  }
0x6a: {  	[sflag:s29] =	ssyncset.done $0x0  }
0x6b: {  	s26 =	simm.s32 $0x2B80;
	[sflag:s29] =	ssyncadd.s32 $0xFFFFE0C0  }
0x6c: {  	[spmem:s3] =	stream.indirect.scatter.add.bf16 [tilespmem:s28], [sflag:$0x5], $0x40, s26, s20, $0xb8;
	[tilespmem:$0x16940] =	vst v63  }
0x6d: {  	_ =	swait.ge [sflag:s10], $0x1F40  }
0x6e: {  	[sflag:s10] =	ssyncset.done $0x0  }
0x6f: {  	s22 =	simm.s32 $0x800;
	s24 =	simm.s32 $0x500;
	[sflag:s10] =	ssyncadd.s32 $0xFFFFE0C0  }
.LBB2_2:
0x70: {  	[tilespmem:s25], [sflag:$0x1] =	stream.indirect.gather [hbm4b:s1+s20], $0x40, s24, s20, $0xb8;
	[tilespmem:$0x16940] =	vst v63  }
0x71: {  	s24 =	smov.u32 s22  }
0x72: {  	p5 =	sne.s32 s22, $0x8800;
	s22 =	sadd.s32 $0x800, s22;
	_ =	swait.ge [sflag:s29], $0x1F40  }
0x73: {  	s24 =	sshra.s32 s24, $0x2;
	[sflag:s29] =	ssyncset.done $0x0  }
0x74: {  	s26 =	sadd.s32 $0x2A00, s24;
	[sflag:s29] =	ssyncadd.s32 $0xFFFFE0C0  }
0x75: {  	[spmem:s3] =	stream.indirect.scatter.add.bf16 [tilespmem:s21], [sflag:$0x2], $0x40, s26, s20, $0xb8;
	[tilespmem:$0x16940] =	vst v63  }
0x76: {  	_ =	swait.ge [sflag:s30], $0x1F40  }
0x77: {  	[sflag:s30] =	ssyncset.done $0x0  }
0x78: {  	s26 =	sadd.s32 $0x380, s24;
	[sflag:s30] =	ssyncadd.s32 $0xFFFFE0C0  }
0x79: {  	[tilespmem:s28], [sflag:$0x1] =	stream.indirect.gather [hbm4b:s1+s20], $0x40, s26, s20, $0xb8;
	[tilespmem:$0x16940] =	vst v63  }
0x7a: {  	_ =	swait.ge [sflag:s29], $0x1F40  }
0x7b: {  	[sflag:s29] =	ssyncset.done $0x0  }
0x7c: {  	s26 =	sadd.s32 $0x2A80, s24;
	[sflag:s29] =	ssyncadd.s32 $0xFFFFE0C0  }
0x7d: {  	[spmem:s3] =	stream.indirect.scatter.add.bf16 [tilespmem:s23], [sflag:$0x3], $0x40, s26, s20, $0xb8;
	[tilespmem:$0x16940] =	vst v63  }
0x7e: {  	_ =	swait.ge [sflag:s31], $0x1F40  }
0x7f: {  	[sflag:s31] =	ssyncset.done $0x0  }
0x80: {  	s26 =	sadd.s32 $0x400, s24;
	[sflag:s31] =	ssyncadd.s32 $0xFFFFE0C0  }
0x81: {  	[tilespmem:s21], [sflag:$0x1] =	stream.indirect.gather [hbm4b:s1+s20], $0x40, s26, s20, $0xb8;
	[tilespmem:$0x16940] =	vst v63  }
0x82: {  	_ =	swait.ge [sflag:s29], $0x1F40  }
0x83: {  	[sflag:s29] =	ssyncset.done $0x0  }
0x84: {  	s26 =	sadd.s32 $0x2B00, s24;
	[sflag:s29] =	ssyncadd.s32 $0xFFFFE0C0  }
0x85: {  	[spmem:s3] =	stream.indirect.scatter.add.bf16 [tilespmem:s25], [sflag:$0x4], $0x40, s26, s20, $0xb8;
	[tilespmem:$0x16940] =	vst v63  }
0x86: {  	_ =	swait.ge [sflag:s7], $0x1F40  }
0x87: {  	[sflag:s7] =	ssyncset.done $0x0  }
0x88: {  	s26 =	sadd.s32 $0x480, s24;
	[sflag:s7] =	ssyncadd.s32 $0xFFFFE0C0  }
0x89: {  	[tilespmem:s23], [sflag:$0x1] =	stream.indirect.gather [hbm4b:s1+s20], $0x40, s26, s20, $0xb8;
	[tilespmem:$0x16940] =	vst v63  }
0x8a: {  	_ =	swait.ge [sflag:s29], $0x1F40  }
0x8b: {  	[sflag:s29] =	ssyncset.done $0x0  }
.Ltmp2:
0x8c: {  	s26 =	sadd.s32 $0x2B80, s24;
	[sflag:s29] =	ssyncadd.s32 $0xFFFFE0C0;
	(pc) =	sbr.rel @p5 .LBB2_2-.Ltmp2, $4  }
0x8d: {  	[spmem:s3] =	stream.indirect.scatter.add.bf16 [tilespmem:s28], [sflag:$0x5], $0x40, s26, s20, $0xb8;
	[tilespmem:$0x16940] =	vst v63  }
0x8e: {  	_ =	swait.ge [sflag:s10], $0x1F40  }
0x8f: {  	[sflag:s10] =	ssyncset.done $0x0  }
0x90: {  	s24 =	sadd.s32 $0x500, s24;
	[sflag:s10] =	ssyncadd.s32 $0xFFFFE0C0  }
0x91: {  	[tilespmem:s25], [sflag:$0x1] =	stream.indirect.gather [hbm4b:s1+s20], $0x40, s24, s20, $0xb8;
	[tilespmem:$0x16940] =	vst v63  }
0x92: {  	_ =	swait.ge [sflag:s29], $0x1F40  }
0x93: {  	[sflag:s29] =	ssyncset.done $0x0  }
0x94: {  	s22 =	simm.s32 $0x4E00;
	[sflag:s29] =	ssyncadd.s32 $0xFFFFE0C0  }
0x95: {  	[spmem:s3] =	stream.indirect.scatter.add.bf16 [tilespmem:s21], [sflag:$0x2], $0x40, s22, s20, $0xb8;
	[tilespmem:$0x16940] =	vst v63  }
0x96: {  	_ =	swait.ge [sflag:s30], $0x1F40  }
0x97: {  	[sflag:s30] =	ssyncset.done $0x0  }
0x98: {  	[sflag:s30] =	ssyncadd.s32 $0xFFFFE0C0  }
0x99: {  	[tilespmem:s28], [sflag:$0x1] =	stream.indirect.gather [hbm4b:s1+s20], $0x40, s6, s20, $0xb8;
	[tilespmem:$0x16940] =	vst v63  }
0x9a: {  	_ =	swait.ge [sflag:s29], $0x1F40  }
0x9b: {  	[sflag:s29] =	ssyncset.done $0x0  }
0x9c: {  	s26 =	simm.s32 $0x4E80;
	[sflag:s29] =	ssyncadd.s32 $0xFFFFE0C0  }
0x9d: {  	[spmem:s3] =	stream.indirect.scatter.add.bf16 [tilespmem:s23], [sflag:$0x3], $0x40, s26, s20, $0xb8;
	[tilespmem:$0x16940] =	vst v63  }
0x9e: {  	_ =	swait.ge [sflag:s31], $0x1F40  }
0x9f: {  	[sflag:s31] =	ssyncset.done $0x0  }
0xa0: {  	[sflag:s31] =	ssyncadd.s32 $0xFFFFE0C0  }
0xa1: {  	[tilespmem:s21], [sflag:$0x1] =	stream.indirect.gather [hbm4b:s1+s20], $0x40, s6, s20, $0xb8;
	[tilespmem:$0x16940] =	vst v63  }
0xa2: {  	_ =	swait.ge [sflag:s29], $0x1F40  }
0xa3: {  	[sflag:s29] =	ssyncset.done $0x0  }
0xa4: {  	s24 =	simm.s32 $0x4F00;
	[sflag:s29] =	ssyncadd.s32 $0xFFFFE0C0  }
0xa5: {  	[spmem:s3] =	stream.indirect.scatter.add.bf16 [tilespmem:s25], [sflag:$0x4], $0x40, s24, s20, $0xb8;
	[tilespmem:$0x16940] =	vst v63  }
0xa6: {  	_ =	swait.ge [sflag:s7], $0x1F40  }
0xa7: {  	[sflag:s7] =	ssyncset.done $0x0  }
0xa8: {  	[sflag:s7] =	ssyncadd.s32 $0xFFFFE0C0  }
0xa9: {  	[tilespmem:s23], [sflag:$0x1] =	stream.indirect.gather [hbm4b:s1+s20], $0x40, s6, s20, $0xb8;
	[tilespmem:$0x16940] =	vst v63  }
0xaa: {  	_ =	swait.ge [sflag:s29], $0x1F40  }
0xab: {  	[sflag:s29] =	ssyncset.done $0x0  }
0xac: {  	s26 =	simm.s32 $0x4F80;
	[sflag:s29] =	ssyncadd.s32 $0xFFFFE0C0  }
0xad: {  	[spmem:s3] =	stream.indirect.scatter.add.bf16 [tilespmem:s28], [sflag:$0x5], $0x40, s26, s20, $0xb8;
	[tilespmem:$0x16940] =	vst v63  }
0xae: {  	_ =	swait.ge [sflag:s10], $0x1F40  }
0xaf: {  	[sflag:s10] =	ssyncset.done $0x0  }
0xb0: {  	[sflag:s10] =	ssyncadd.s32 $0xFFFFE0C0  }
0xb1: {  	[tilespmem:s25], [sflag:$0x1] =	stream.indirect.gather [hbm4b:s1+s20], $0x40, s6, s20, $0xb8;
	[tilespmem:$0x16940] =	vst v63  }
0xb2: {  	_ =	swait.ge [sflag:s30], $0x1F40  }
0xb3: {  	[sflag:s30] =	ssyncset.done $0x0  }
0xb4: {  	[sflag:s30] =	ssyncadd.s32 $0xFFFFE0C0  }
0xb5: {  	_ =	swait.ge [sflag:s29], $0x1F40  }
0xb6: {  	[sflag:s29] =	ssyncset.done $0x0  }
0xb7: {  	[sflag:s29] =	ssyncadd.s32 $0xFFFFE0C0  }
0xb8: {  	_ =	swait.ge [sflag:s29], $0x1F40  }
0xb9: {  	[sflag:s29] =	ssyncset.done $0x0  }
0xba: {  	[sflag:s29] =	ssyncadd.s32 $0xFFFFE0C0  }
0xbb: {  	_ =	swait.ge [sflag:s29], $0x1F40  }
0xbc: {  	p5 =	por @!p4 $0x1, $0x1;
	p6 =	por p2, p2;
	[sflag:s29] =	ssyncset.done $0x0  }
0xbd: {  	p6 =	por @!p4 p5, p5;
	s22 =	sshll.u32 @p1 s0, $0x6;
	[sflag:s29] =	ssyncadd.s32 $0xFFFFE0C0  }
0xbe: {  	s22 =	sor.u32 @p1 $0x1C06, s22;
	s24 =	sshrl.u32 @p1 s12, $0x3;
	[bflag:$0x0] =	sbarrier.arrive $0xFFFF  }
0xbf: {  	[hbm:s11], [sflag:s22] =	dma.local @p1 [spmem:s24], $0x13C0  }
0xc0: {  	p5 =	por @!p3 !p6, !p0;
	s22 =	simm.s32 @p1 $0x6  }
0xc1: {  	p5 =	por @!p3 !p5, !p5;
	_ =	swait.ge @p1 [sflag:s22], $0x13C0  }
0xc2: {  	p5 =	por p3, p5;
	s24 =	sshll.u32 @!p4 s0, $0x6;
	[sflag:s22] =	ssyncset.done @p1 $0x0  }
0xc3: {  	[sflag:s22] =	ssyncadd.s32 @p1 $0xFFFFEC40;
	s22 =	sor.u32 @!p4 $0x1C06, s24;
	s24 =	sshrl.u32 @!p4 s12, $0x3  }
0xc4: {  	[hbm:s13], [sflag:s22] =	dma.local @!p4 [spmem:s24], $0x13C0  }
.Ltmp3:
0xc5: {  	_ = 	snop;
	(pc) =	sbr.rel @!p5 .LBB2_5-.Ltmp3, $4  }
0xc6: {  	s22 =	simm.s32 @!p4 $0x6  }
0xc7: {  	_ =	swait.ge @!p4 [sflag:s22], $0x13C0  }
0xc8: {  	[sflag:s22] =	ssyncset.done @!p4 $0x0  }
0xc9: {  	[sflag:s22] =	ssyncadd.s32 @!p4 $0xFFFFEC40  }
0xca: {  	s22 =	rddreg [dreg:$0x5]  }
0xcb: {  	s24 =	rddreg [dreg:$0x4]  }
0xcc: {  	s26 =	rddreg [dreg:$0x6]  }
0xcd: {  	s22 =	smov.u32 @p3 s24;
	s24 =	sshrl.u32 s26, $0x3  }
.Ltmp4:
0xce: {  	s26 =	simm.s32 $0x1FC6;
	s22 =	sadd.s32 $0x12840, s22;
	(pc) =	sbr.rel .LBB2_5-.Ltmp4, $4  }
0xcf: {  	[hbm:s22], [sflag:s26] =	dma.local [spmem:s24], $0x1040  }
0xd0: {  	_ =	swait.ge [sflag:s15], $0x1040  }
0xd1: {  	[sflag:s15] =	ssyncset.done $0x0  }
0xd2: {  	[sflag:s15] =	ssyncadd.s32 $0xFFFFEFC0  }
.LBB2_6:
0xd3: {  	_ =	sfence.sel $0x180000  }
0xd4: {  	[bflag:$0x0] =	sbarrier.arrive $0xFFFF  }
0xd5: {  	_ =	strace $0x90000047  }
0xd6: {  	[bflag:$0x2] =	sbarrier.arrive $0xFFFF  }
0xd7: {  	p0 =	sne.s32 s0, $0x0;
	s0 =	rddreg [dreg:$0x3]  }
0xd8: {  	s0 =	sadd.s32 @!p0 $0x100000, s0  }
0xd9: {  	[sflag:s0] =	ssyncadd.tile.s32 @!p0 $0x1;
	_ =	shalt  }
.Lfunc_end2:
_tile_overlayer_lowered:
.L_overlay_start_2:
0xda: {  	(tag) =	ssettag $0x2  }
0xdb: {  	s0 =	rddreg [dreg:$0x0];
	s2 =	stileid.u32  }
0xdc: {  	s1 =	rddreg [dreg:$0x1];
	p0 =	sne.s32 s2, $0x0  }
0xdd: {  	s3 =	rddreg [dreg:$0x2];
	[bflag:$0x3] =	sbarrier.arrive $0xFFFF;
	s2 =	simm.s32 @!p0 $0x1C06  }
0xde: {  	[timem:s3], [sflag:s2] =	dma.local @!p0 [hbm:s0], s1  }
0xdf: {  	s0 =	simm.s32 @!p0 $0x6  }
0xe0: {  	_ =	swait.ge @!p0 [sflag:s0], s1  }
0xe1: {  	s1 =	ssub.s32 @!p0 $0x0, s1;
	[sflag:s0] =	ssyncset.done @!p0 $0x0  }
0xe2: {  	[sflag:s0] =	ssyncadd.s32 @!p0 s1  }
0xe3: {  	[bflag:$0x3] =	sbarrier.arrive $0xFFFF  }
0xe4: {  	_ =	shalt  }

// kernel: kernel.9.cloned.1.call-start
scs
__scs_entry_jumppad:
0x0: {  	(pc) =	sbr.rel $0x88, $3  }
0x1: {  	(tag) =	ssettag $0x0;
	lr =	simm.s32 $0x1  }
0x2: {  	[smem:$0x3F9B] =	sst lr;
	_ =	strace $0xD0000000  }
0x3: {  	_ = 	snop  }
0x4: {  	_ = 	snop  }
0x5: {  	_ = 	snop  }
0x6: {  	_ = 	snop  }
0x7: {  	_ = 	snop  }
__scs_overlays_trampoline_lowered:
0x8: {  	[smem:$0x3FAA] =	sst s0  }
0x9: {  	[smem:$0x3FAB] =	sst s1  }
0xa: {  	[smem:$0x3FAC] =	sst s2  }
0xb: {  	[smem:$0x3FAD] =	sst s3  }
0xc: {  	[smem:$0x3FAE] =	sst s4  }
0xd: {  	[smem:$0x3FAF] =	sst s5  }
0xe: {  	[smem:$0x3FB0] =	sst s6  }
0xf: {  	[smem:$0x3FB1] =	sst s7  }
0x10: {  	[smem:$0x3FB2] =	sst s8  }
0x11: {  	[smem:$0x3FB3] =	sst s9;
	s0 =	simm.s32 @!p0 $0x0  }
0x12: {  	s1 =	sld [smem:$0x3F99];
	s0 =	simm.s32 @p0 $0x1  }
0x13: {  	[smem:$0x3FB4] =	sst s0;
	s0 =	simm.s32 @!p1 $0x0  }
0x14: {  	s2 =	sld [smem:$0x3F98];
	s0 =	simm.s32 @p1 $0x1  }
0x15: {  	[smem:$0x3FB5] =	sst s0;
	s0 =	simm.s32 @!p2 $0x0  }
0x16: {  	s3 =	sld [smem:$0x3FDB];
	s0 =	simm.s32 @p2 $0x1  }
0x17: {  	s4 =	simm.s32 $0x1BF5;
	[smem:$0x3FB7] =	sst s0  }
0x18: {  	s0 =	sld [smem:$0x3F9A];
	_ =	swait.ge [sflag:s4], $0x0  }
0x19: {  	s7 =	sld [smem:$0x3F9B]  }
0x1a: {  	s8 =	sadd.s32 $0xFFFFE003, lr  }
0x1b: {  	s9 =	sadd.s32 $0xFFFFFEF7, lr;
	s5 =	simm.s32 $0xFFFFFFFF;
	p2 =	slt.u32 s8, $0xFFFFF086  }
0x1c: {  	p1 =	slt.u32 s9, $0xF7A;
	s5 =	simm.s32 @!p2 $0x0  }
0x1d: {  	s5 =	simm.s32 @p1 $0x1;
	p0 =	seq.s32 s7, s2  }
0x1e: {  	s7 =	smul.u32 @!p0 $0xF7A, s2;
	p2 =	seq.s32 @!p0 s5, $0x0  }
0x1f: {  	s9 =	smul.u32 $0xF7A, s1;
	s8 =	simm.s32 @!p0 $0x1BF5;
	p2 =	por !p2, p0  }
0x20: {  	[sflag:s8] =	ssyncset.s32 @!p0 $0xFFFFF086;
	s6 =	sadd.s32 @!p0 s3, s7;
	s7 =	simm.s32 @!p0 $0x108  }
0x21: {  	s3 =	sadd.s32 s3, s9;
	s6 =	sadd.s32 @!p0 $0x88, s6;
	s7 =	simm.s32 @p2 $0x1082  }
0x22: {  	[simem:s7], [sflag:s8] =	dma.local @!p0 [hbm:s6], $0xF7A  }
0x23: {  	s9 =	sor.u32 $0xD0000000, s2;
	s6 =	simm.s32 $0x108;
	_ =	swait.ge @!p0 [sflag:s8], $0x0  }
0x24: {  	s3 =	sadd.s32 $0x88, s3;
	s6 =	simm.s32 @!p1 $0x1082;
	[sflag:s4] =	ssyncset.s32 $0xFFFFF086  }
0x25: {  	[simem:s6], [sflag:s4] =	dma.local [hbm:s3], $0xF7A  }
0x26: {  	[smem:$0x3F9B] =	sst s1;
	(tag) =	ssettag s2;
	_ =	strace s9  }
0x27: {  	s1 =	sld [smem:$0x3FAB]  }
0x28: {  	s2 =	sld [smem:$0x3FAC]  }
0x29: {  	s4 =	sld [smem:$0x3FAE]  }
0x2a: {  	p0 =	seq.s32 s5, $0x0;
	s5 =	sld [smem:$0x3FAF]  }
0x2b: {  	s6 =	sld [smem:$0x3FB0]  }
0x2c: {  	s7 =	sld [smem:$0x3FB1]  }
0x2d: {  	s3 =	simm.s32 $0x108;
	s8 =	sld [smem:$0x3FB2]  }
0x2e: {  	s3 =	simm.s32 @!p0 $0x1082;
	s9 =	sld [smem:$0x3FB3]  }
0x2f: {  	lr =	sadd.s32 s0, s3;
	s0 =	sld [smem:$0x3FAA]  }
0x30: {  	s3 =	sld [smem:$0x3FAD]  }
0x31: {  	[smem:$0x3FB6] =	sst s10  }
0x32: {  	s10 =	sld [smem:$0x3FB4];
	_ =	sdelay $0x3  }
0x33: {  	p0 =	seq.s32 s10, $0x1;
	s10 =	sld [smem:$0x3FB6];
	_ =	sdelay $0x3  }
0x34: {  	[smem:$0x3FB6] =	sst s10  }
0x35: {  	s10 =	sld [smem:$0x3FB5];
	_ =	sdelay $0x3  }
0x36: {  	p1 =	seq.s32 s10, $0x1;
	s10 =	sld [smem:$0x3FB6];
	_ =	sdelay $0x3  }
0x37: {  	[smem:$0x3FB6] =	sst s10  }
0x38: {  	s10 =	sld [smem:$0x3FB7]  }
0x39: {  	_ = 	snop;
	(pc) =	sbr.ind lr, $3  }
0x3a: {  	_ = 	snop  }
0x3b: {  	_ = 	snop  }
0x3c: {  	p2 =	seq.s32 s10, $0x1;
	s10 =	sld [smem:$0x3FB6]  }
0x3d: {  	_ =	shalt  }
0x3e: {  	_ =	shalt  }
0x3f: {  	_ =	shalt  }
0x40: {  	_ =	shalt  }
0x41: {  	_ =	shalt  }
0x42: {  	_ =	shalt  }
0x43: {  	_ =	shalt  }
0x44: {  	_ =	shalt  }
0x45: {  	_ =	shalt  }
0x46: {  	_ =	shalt  }
0x47: {  	_ =	shalt  }
0x48: {  	_ =	shalt  }
0x49: {  	_ =	shalt  }
0x4a: {  	_ =	shalt  }
0x4b: {  	_ =	shalt  }
0x4c: {  	_ =	shalt  }
0x4d: {  	_ =	shalt  }
0x4e: {  	_ =	shalt  }
0x4f: {  	_ =	shalt  }
0x50: {  	_ =	shalt  }
0x51: {  	_ =	shalt  }
0x52: {  	_ =	shalt  }
0x53: {  	_ =	shalt  }
0x54: {  	_ =	shalt  }
0x55: {  	_ =	shalt  }
0x56: {  	_ =	shalt  }
0x57: {  	_ =	shalt  }
0x58: {  	_ =	shalt  }
0x59: {  	_ =	shalt  }
0x5a: {  	_ =	shalt  }
0x5b: {  	_ =	shalt  }
0x5c: {  	_ =	shalt  }
0x5d: {  	_ =	shalt  }
0x5e: {  	_ =	shalt  }
0x5f: {  	_ =	shalt  }
0x60: {  	_ =	shalt  }
0x61: {  	_ =	shalt  }
0x62: {  	_ =	shalt  }
0x63: {  	_ =	shalt  }
0x64: {  	_ =	shalt  }
0x65: {  	_ =	shalt  }
0x66: {  	_ =	shalt  }
0x67: {  	_ =	shalt  }
0x68: {  	_ =	shalt  }
0x69: {  	_ =	shalt  }
0x6a: {  	_ =	shalt  }
0x6b: {  	_ =	shalt  }
0x6c: {  	_ =	shalt  }
0x6d: {  	_ =	shalt  }
0x6e: {  	_ =	shalt  }
0x6f: {  	_ =	shalt  }
0x70: {  	_ =	shalt  }
0x71: {  	_ =	shalt  }
0x72: {  	_ =	shalt  }
0x73: {  	_ =	shalt  }
0x74: {  	_ =	shalt  }
0x75: {  	_ =	shalt  }
0x76: {  	_ =	shalt  }
0x77: {  	_ =	shalt  }
0x78: {  	_ =	shalt  }
0x79: {  	_ =	shalt  }
0x7a: {  	_ =	shalt  }
0x7b: {  	_ =	shalt  }
0x7c: {  	_ =	shalt  }
0x7d: {  	_ =	shalt  }
0x7e: {  	_ =	shalt  }
0x7f: {  	_ =	shalt  }
0x80: {  	_ =	shalt  }
0x81: {  	_ =	shalt  }
0x82: {  	_ =	shalt  }
0x83: {  	_ =	shalt  }
0x84: {  	_ =	shalt  }
0x85: {  	_ =	shalt  }
0x86: {  	_ =	shalt  }
0x87: {  	_ =	shalt  }
.Lfunc_end0:
.L_simem_size_0:
called_computation.1_lowered:
.L_overlay_start_0:
0x88: {  	s2 =	sld [smem:$0x3FD9]  }
0x89: {  	s3 =	sld [smem:$0x3FFE];
	_ =	sdelay $0x1  }
0x8a: {  	s1 =	srdreg.scid  }
0x8b: {  	s0 =	sand.u32 $0x1, s1  }
0x8c: {  	s17 =	sshll.u32 s0, $0xA;
	s2 =	sadd.s32 s3, s2  }
0x8d: {  	s2 =	sadd.s32 s2, s17  }
0x8e: {  	[smem:$0x3FC2] =	sst s2  }
0x8f: {  	_ = 	snop  }
0x90: {  	s2 =	sld [smem:$0x3FD0];
	(tm) =	ssettm $0x1  }
0x91: {  	s18 =	sld [smem:$0x3FFB];
	_ =	sdelay $0x3  }
0x92: {  	_ =	strace s18  }
0x93: {  	s3 =	sld [smem:$0x3FFC];
	_ =	sdelay $0x3  }
0x94: {  	_ =	strace s3  }
0x95: {  	s3 =	sld [smem:$0x3FFD];
	_ =	sdelay $0x3  }
0x96: {  	_ =	strace s3  }
0x97: {  	_ =	strace $0x8FFFFFFF  }
0x98: {  	s19 =	sld [smem:$0x3FDB];
	_ =	sdelay $0x1  }
0x99: {  	s4 =	simm.s32 $_scs_section_size  }
0x9a: {  	s5 =	simm.s32 $_size__tile_overlayer_lowered;
	s6 =	simm.s32 $_tile_overlayer_lowered  }
0x9b: {  	s22 =	simm.s32 $0x1BFF;
	s21 =	sshll.u32 s6, $0x1;
	s3 =	sadd.s32 s4, s19  }
0x9c: {  	s7 =	simm.s32 $0x0;
	s20 =	sshll.u32 s5, $0x1;
	s5 =	sadd.s32 s21, s3  }
0x9d: {  	[timem:s7], [sflag:s22] =	dma.local [hbm:s5], s20  }
0x9e: {  	_ =	swait.ge [sflag:s22], s20  }
0x9f: {  	s4 =	ssub.s32 $0x0, s20;
	[sflag:s22] =	ssyncset.done $0x0  }
0xa0: {  	[sflag:s22] =	ssyncadd.s32 s4;
	_ =	sdelay $0x1  }
0xa1: {  	s23 =	simm.s32 $0x1B8B  }
0xa2: {  	_ =	swait.ge [sflag:s23], $0x1  }
0xa3: {  	[sflag:s23] =	ssyncset.done $0x0  }
0xa4: {  	s25 =	simm.s32 $0x1B8E;
	s24 =	sld [smem:$0x3FFE];
	[sflag:s23] =	ssyncadd.s32 $0xFFFFFFFF  }
0xa5: {  	s26 =	simm.s32 $execute0_lowered;
	[smem:$0x3FD2] =	sst s25  }
0xa6: {  	s5 =	sshll.u32 s26, $0x1;
	_ =	strace $0x80000049;
	[dreg:$0x1] =	wrdreg $0xFFFFFFFF  }
0xa7: {  	s28 =	simm.s32 $_size_execute0_lowered;
	s3 =	sadd.s32 s3, s5;
	[dreg:$0x0] =	wrdreg $0x0  }
0xa8: {  	s5 =	sshll.u32 s28, $0x1;
	[dreg:$0x2] =	wrdreg s3  }
0xa9: {  	[dreg:$0x3] =	wrdreg s5  }
0xaa: {  	[dreg:$0x4] =	wrdreg $0xC0  }
0xab: {  	_ =	task [dreg:s7], $0x5FFFF  }
0xac: {  	[dreg:$0x1] =	wrdreg $0xFFFFFFFF  }
0xad: {  	[dreg:$0x0] =	wrdreg $0x60  }
0xae: {  	[dreg:$0x2] =	wrdreg s2  }
0xaf: {  	[dreg:$0x3] =	wrdreg s24  }
0xb0: {  	[dreg:$0x4] =	wrdreg $0xCD000  }
0xb1: {  	[dreg:$0x5] =	wrdreg $0x9  }
0xb2: {  	_ =	task.clear_ibuf [dreg:s7], $0x6FFFF;
	_ =	strace $0x90000049  }
0xb3: {  	s29 =	simm.s32 $0x9;
	_ =	strace $0x8000004B  }
0xb4: {  	_ =	swait.ge [sflag:s29], $0x1  }
0xb5: {  	[sflag:s29] =	ssyncadd.s32 $0xFFFFFFFF  }
0xb6: {  	_ =	strace $0x9000004B  }
0xb7: {  	_ =	sfence  }
0xb8: {  	s30 =	sld [smem:$0x0];
	_ =	sdelay $0x2  }
0xb9: {  	s31 =	sshll.u32 s1, $0xD;
	s1 =	sshrl.u32 s1, $0x2  }
0xba: {  	s3 =	sand.u32 $0x4000, s31;
	s1 =	sadd.s32 s1, s30  }
0xbb: {  	s0 =	sor.u32 s3, s0;
	s1 =	sshll.u32 s1, $0x11  }
0xbc: {  	s0 =	sor.u32 s1, s0  }
0xbd: {  	s0 =	sadd.s32 $0x8F2B, s0  }
0xbe: {  	[sflag:s0] =	ssyncadd.remote.s32 $0x1  }
0xbf: {  	_ =	sfence.sel $0xFFFF  }
0xc0: {  	[dreg:$0x0] =	wrdreg $0xFFFFFFFF;
	(pc) =	sbr.abs _section_cstart, $3  }
0xc1: {  	[dreg:$0x1] =	wrdreg $0xFFFFFFFF  }
0xc2: {  	_ =	task.clear_ibuf [dreg:s7], $0x2FFFF;
	_ =	strace $0x9FFFFFFF  }
0xc3: {  	(tm) =	ssettm $0x7FFFFFFF  }
tec
execute0_lowered:
.L_overlay_start_1:
0x0: {  	(tag) =	ssettag $0x1  }
0x1: {  	s1 =	rddreg [dreg:$0x0]  }
0x2: {  	s2 =	srdreg.scid;
	s6 =	rddreg [dreg:$0x1]  }
0x3: {  	s0 =	stileid.u32;
	s3 =	rddreg [dreg:$0x2];
	s15 =	simm.s32 $0x6  }
0x4: {  	s16 =	simm.s32 $0x2800;
	s20 =	simm.s32 $0x7D;
	s21 =	simm.s32 $0x5000  }
0x5: {  	s23 =	simm.s32 $0x6F40;
	s28 =	simm.s32 $0xADC0;
	s29 =	simm.s32 $0x1  }
0x6: {  	s31 =	simm.s32 $0x2;
	s30 =	simm.s32 $0x5;
	s2 =	sand.u32 $0x1, s2  }
0x7: {  	s4 =	sshll.u32 s0, $0x1;
	s11 =	sadd.s32 $0x2AC00, s6;
	s10 =	smul.u32 $0x27800, s0  }
0x8: {  	s14 =	sadd.s32 $0x17200, s6;
	p0 =	seq.s32 s0, $0xF;
	s26 =	smul.u32 $0x13C00, s0  }
0x9: {  	p4 =	sne.s32 s0, $0xF;
	s17 =	sadd.s32 $0x94200, s3;
	s5 =	sor.u32 s2, s4  }
0xa: {  	s4 =	simm.s32 $0x0;
	s8 =	ssub.s32 $0x2, s2;
	p2 =	seq.s32 s2, $0x0  }
0xb: {  	s5 =	smul.u32 $0x2800, s5;
	[smem:$0x7FF] =	sst s4;
	s25 =	sshrl.u32 s8, $0x1  }
0xc: {  	s10 =	sshrl.u32 s10, $0x2;
	p1 =	por !p2, !p4;
	s13 =	sshrl.u32 s26, $0x4  }
0xd: {  	p3 =	por !p2, !p0;
	p2 =	seq.s32 s2, $0x1;
	s2 =	sshll.u32 @!p0 s0, $0x6  }
0xe: {  	_ =	strace $0x8000004A;
	s10 =	sadd.s32 s10, s3;
	p1 =	por !p1, !p1  }
0xf: {  	[dreg:$0x4] =	wrdreg s11;
	s11 =	sadd.s32 s11, s13;
	p3 =	por !p3, !p3  }
0x10: {  	p4 =	por !p4, !p2;
	[dreg:$0x5] =	wrdreg s14;
	s13 =	sadd.s32 s14, s13  }
0x11: {  	[dreg:$0x6] =	wrdreg s17;
	s17 =	sshrl.u32 @p0 s17, $0x3;
	s18 =	sor.u32 @!p0 $0x1C06, s2  }
0x12: {  	s2 =	simm.s32 $0x0;
	s5 =	sshrl.u32 s5, $0x3;
	p4 =	por !p4, !p4  }
.Ltmp0:
0x13: {  	s19 =	sshrl.u32 @!p0 s10, $0x3;
	s10 =	simm.s32 $0x4;
	(pc) =	sbr.rel .LBB2_1-.Ltmp0, $4  }
0x14: {  	s7 =	sadd.s32 s5, s6;
	s5 =	sadd.s32 $0x1E00, s6;
	s6 =	ssub.s32 s8, s25  }
0x15: {  	s25 =	simm.s32 $0x8E80;
	p4 =	por !p4, p3;
	s8 =	sadd.s32 $0x3200, s7  }
0x16: {  	s9 =	sadd.s32 $0xD200, s7;
	s7 =	sshrl.u32 s26, $0x1;
	s14 =	smax.u32 s6, $0x1  }
0x17: {  	s6 =	simm.s32 $0x2780;
	s12 =	sadd.s32 s7, s3;
	s7 =	simm.s32 $0x3  }
.LBB2_5:
0x18: {  	s2 =	sadd.s32 $0x1, s2  }
0x19: {  	p5 =	sne.s32 s2, s14  }
.Ltmp1:
0x1a: {  	_ = 	snop;
	(pc) =	sbr.rel @!p5 .LBB2_6-.Ltmp1, $1  }
0x1b: {  	_ =	sdelay $0x3  }
.LBB2_1:
0x1c: {  	[tilespmem:s4], [sflag:$0x6] =	stream.linear.gather [hbm4b:s8+s4], $0x2800, $0x38;
	[tilespmem:$0x16940] =	vst v63  }
0x1d: {  	_ =	swait.ge [sflag:s15], $0x2800  }
0x1e: {  	[sflag:s15] =	ssyncset.done $0x0  }
0x1f: {  	[sflag:s15] =	ssyncadd.s32 $0xFFFFD800  }
0x20: {  	[tilespmem:s16], [sflag:$0x6] =	stream.linear.gather [hbm4b:s9+s4], $0x2800, $0x38;
	[tilespmem:$0x16940] =	vst v63  }
0x21: {  	_ =	swait.ge [sflag:s15], $0x2800  }
0x22: {  	[sflag:s15] =	ssyncset.done $0x0  }
0x23: {  	s22 =	simm.s32 @p0 $0x1FC6;
	[sflag:s15] =	ssyncadd.s32 $0xFFFFD800  }
0x24: {  	[spmem:s17], [sflag:s22] =	dma.local @p0 [hbm:s5], $0x1040  }
0x25: {  	s22 =	simm.s32 @p0 $0x6  }
0x26: {  	_ =	swait.ge @p0 [sflag:s22], $0x1040  }
0x27: {  	[sflag:s22] =	ssyncset.done @p0 $0x0  }
0x28: {  	[sflag:s22] =	ssyncadd.s32 @p0 $0xFFFFEFC0;
	s22 =	simm.s32 @!p0 $0x6  }
0x29: {  	[spmem:s19], [sflag:s18] =	dma.local @!p0 [hbm:s5], $0x13C0  }
0x2a: {  	_ =	swait.ge @!p0 [sflag:s22], $0x13C0  }
0x2b: {  	[sflag:s22] =	ssyncset.done @!p0 $0x0  }
0x2c: {  	[sflag:s22] =	ssyncadd.s32 @!p0 $0xFFFFEC40  }
0x2d: {  	[tilespmem:s21], [sflag:$0x1] =	stream.indirect.gather [hbm4b:s1+s20], $0x40, s4, s20, $0xb8;
	[tilespmem:$0x16940] =	vst v63  }
0x2e: {  	s24 =	simm.s32 $0x80  }
0x2f: {  	[tilespmem:s23], [sflag:$0x1] =	stream.indirect.gather [hbm4b:s1+s20], $0x40, s24, s20, $0xb8;
	[tilespmem:$0x16940] =	vst v63  }
0x30: {  	s26 =	simm.s32 $0x100  }
0x31: {  	[tilespmem:s25], [sflag:$0x1] =	stream.indirect.gather [hbm4b:s1+s20], $0x40, s26, s20, $0xb8;
	[tilespmem:$0x16940] =	vst v63  }
0x32: {  	s24 =	simm.s32 $0x180  }
0x33: {  	[tilespmem:s28], [sflag:$0x1] =	stream.indirect.gather [hbm4b:s1+s20], $0x40, s24, s20, $0xb8;
	[tilespmem:$0x16940] =	vst v63  }
0x34: {  	[bflag:$0x0] =	sbarrier.arrive $0xFFFF  }
0x35: {  	_ =	swait.ge [sflag:s29], $0x1F40  }
0x36: {  	[sflag:s29] =	ssyncset.done $0x0  }
0x37: {  	[sflag:s29] =	ssyncadd.s32 $0xFFFFE0C0  }
0x38: {  	[spmem:s3] =	stream.indirect.scatter.add.bf16 [tilespmem:s21], [sflag:$0x2], $0x40, s16, s20, $0xb8;
	[tilespmem:$0x16940] =	vst v63  }
0x39: {  	_ =	swait.ge [sflag:s29], $0x1F40  }
0x3a: {  	[sflag:s29] =	ssyncset.done $0x0  }
0x3b: {  	s26 =	simm.s32 $0x2880;
	[sflag:s29] =	ssyncadd.s32 $0xFFFFE0C0  }
0x3c: {  	[spmem:s3] =	stream.indirect.scatter.add.bf16 [tilespmem:s23], [sflag:$0x3], $0x40, s26, s20, $0xb8;
	[tilespmem:$0x16940] =	vst v63  }
0x3d: {  	_ =	swait.ge [sflag:s31], $0x1F40  }
0x3e: {  	[sflag:s31] =	ssyncset.done $0x0  }
0x3f: {  	s24 =	simm.s32 $0x200;
	[sflag:s31] =	ssyncadd.s32 $0xFFFFE0C0  }
0x40: {  	[tilespmem:s21], [sflag:$0x1] =	stream.indirect.gather [hbm4b:s1+s20], $0x40, s24, s20, $0xb8;
	[tilespmem:$0x16940] =	vst v63  }
0x41: {  	_ =	swait.ge [sflag:s29], $0x1F40  }
0x42: {  	[sflag:s29] =	ssyncset.done $0x0  }
0x43: {  	s26 =	simm.s32 $0x2900;
	[sflag:s29] =	ssyncadd.s32 $0xFFFFE0C0  }
0x44: {  	[spmem:s3] =	stream.indirect.scatter.add.bf16 [tilespmem:s25], [sflag:$0x4], $0x40, s26, s20, $0xb8;
	[tilespmem:$0x16940] =	vst v63  }
0x45: {  	_ =	swait.ge [sflag:s7], $0x1F40  }
0x46: {  	[sflag:s7] =	ssyncset.done $0x0  }
0x47: {  	s24 =	simm.s32 $0x280;
	[sflag:s7] =	ssyncadd.s32 $0xFFFFE0C0  }
0x48: {  	[tilespmem:s23], [sflag:$0x1] =	stream.indirect.gather [hbm4b:s1+s20], $0x40, s24, s20, $0xb8;
	[tilespmem:$0x16940] =	vst v63  }
0x49: {  	_ =	swait.ge [sflag:s29], $0x1F40  }
0x4a: {  	[sflag:s29] =	ssyncset.done $0x0  }
0x4b: {  	s26 =	simm.s32 $0x2980;
	[sflag:s29] =	ssyncadd.s32 $0xFFFFE0C0  }
0x4c: {  	[spmem:s3] =	stream.indirect.scatter.add.bf16 [tilespmem:s28], [sflag:$0x5], $0x40, s26, s20, $0xb8;
	[tilespmem:$0x16940] =	vst v63  }
0x4d: {  	_ =	swait.ge [sflag:s10], $0x1F40  }
0x4e: {  	[sflag:s10] =	ssyncset.done $0x0  }
0x4f: {  	s24 =	simm.s32 $0x300;
	[sflag:s10] =	ssyncadd.s32 $0xFFFFE0C0  }
0x50: {  	[tilespmem:s25], [sflag:$0x1] =	stream.indirect.gather [hbm4b:s1+s20], $0x40, s24, s20, $0xb8;
	[tilespmem:$0x16940] =	vst v63  }
0x51: {  	_ =	swait.ge [sflag:s29], $0x1F40  }
0x52: {  	[sflag:s29] =	ssyncset.done $0x0  }
0x53: {  	s26 =	simm.s32 $0x2A00;
	[sflag:s29] =	ssyncadd.s32 $0xFFFFE0C0  }
0x54: {  	[spmem:s3] =	stream.indirect.scatter.add.bf16 [tilespmem:s21], [sflag:$0x2], $0x40, s26, s20, $0xb8;
	[tilespmem:$0x16940] =	vst v63  }
0x55: {  	_ =	swait.ge [sflag:s30], $0x1F40  }
0x56: {  	[sflag:s30] =	ssyncset.done $0x0  }
0x57: {  	s24 =	simm.s32 $0x380;
	[sflag:s30] =	ssyncadd.s32 $0xFFFFE0C0  }
0x58: {  	[tilespmem:s28], [sflag:$0x1] =	stream.indirect.gather [hbm4b:s1+s20], $0x40, s24, s20, $0xb8;
	[tilespmem:$0x16940] =	vst v63  }
0x59: {  	_ =	swait.ge [sflag:s29], $0x1F40  }
0x5a: {  	[sflag:s29] =	ssyncset.done $0x0  }
0x5b: {  	s26 =	simm.s32 $0x2A80;
	[sflag:s29] =	ssyncadd.s32 $0xFFFFE0C0  }
0x5c: {  	[spmem:s3] =	stream.indirect.scatter.add.bf16 [tilespmem:s23], [sflag:$0x3], $0x40, s26, s20, $0xb8;
	[tilespmem:$0x16940] =	vst v63  }
0x5d: {  	_ =	swait.ge [sflag:s31], $0x1F40  }
0x5e: {  	[sflag:s31] =	ssyncset.done $0x0  }
0x5f: {  	s24 =	simm.s32 $0x400;
	[sflag:s31] =	ssyncadd.s32 $0xFFFFE0C0  }
0x60: {  	[tilespmem:s21], [sflag:$0x1] =	stream.indirect.gather [hbm4b:s1+s20], $0x40, s24, s20, $0xb8;
	[tilespmem:$0x16940] =	vst v63  }
0x61: {  	_ =	swait.ge [sflag:s29], $0x1F40  }
0x62: {  	[sflag:s29] =	ssyncset.done $0x0  }
0x63: {  	s26 =	simm.s32 $0x2B00;
	[sflag:s29] =	ssyncadd.s32 $0xFFFFE0C0  }
0x64: {  	[spmem:s3] =	stream.indirect.scatter.add.bf16 [tilespmem:s25], [sflag:$0x4], $0x40, s26, s20, $0xb8;
	[tilespmem:$0x16940] =	vst v63  }
0x65: {  	_ =	swait.ge [sflag:s7], $0x1F40  }
0x66: {  	[sflag:s7] =	ssyncset.done $0x0  }
0x67: {  	s24 =	simm.s32 $0x480;
	[sflag:s7] =	ssyncadd.s32 $0xFFFFE0C0  }
0x68: {  	[tilespmem:s23], [sflag:$0x1] =	stream.indirect.gather [hbm4b:s1+s20], $0x40, s24, s20, $0xb8;
	[tilespmem:$0x16940] =	vst v63  }
0x69: {  	_ =	swait.ge [sflag:s29], $0x1F40  }
0x6a: {  	[sflag:s29] =	ssyncset.done $0x0  }
0x6b: {  	s26 =	simm.s32 $0x2B80;
	[sflag:s29] =	ssyncadd.s32 $0xFFFFE0C0  }
0x6c: {  	[spmem:s3] =	stream.indirect.scatter.add.bf16 [tilespmem:s28], [sflag:$0x5], $0x40, s26, s20, $0xb8;
	[tilespmem:$0x16940] =	vst v63  }
0x6d: {  	_ =	swait.ge [sflag:s10], $0x1F40  }
0x6e: {  	[sflag:s10] =	ssyncset.done $0x0  }
0x6f: {  	s22 =	simm.s32 $0x800;
	s24 =	simm.s32 $0x500;
	[sflag:s10] =	ssyncadd.s32 $0xFFFFE0C0  }
.LBB2_2:
0x70: {  	[tilespmem:s25], [sflag:$0x1] =	stream.indirect.gather [hbm4b:s1+s20], $0x40, s24, s20, $0xb8;
	[tilespmem:$0x16940] =	vst v63  }
0x71: {  	s24 =	smov.u32 s22  }
0x72: {  	p5 =	sne.s32 s22, $0x8800;
	s22 =	sadd.s32 $0x800, s22;
	_ =	swait.ge [sflag:s29], $0x1F40  }
0x73: {  	s24 =	sshra.s32 s24, $0x2;
	[sflag:s29] =	ssyncset.done $0x0  }
0x74: {  	s26 =	sadd.s32 $0x2A00, s24;
	[sflag:s29] =	ssyncadd.s32 $0xFFFFE0C0  }
0x75: {  	[spmem:s3] =	stream.indirect.scatter.add.bf16 [tilespmem:s21], [sflag:$0x2], $0x40, s26, s20, $0xb8;
	[tilespmem:$0x16940] =	vst v63  }
0x76: {  	_ =	swait.ge [sflag:s30], $0x1F40  }
0x77: {  	[sflag:s30] =	ssyncset.done $0x0  }
0x78: {  	s26 =	sadd.s32 $0x380, s24;
	[sflag:s30] =	ssyncadd.s32 $0xFFFFE0C0  }
0x79: {  	[tilespmem:s28], [sflag:$0x1] =	stream.indirect.gather [hbm4b:s1+s20], $0x40, s26, s20, $0xb8;
	[tilespmem:$0x16940] =	vst v63  }
0x7a: {  	_ =	swait.ge [sflag:s29], $0x1F40  }
0x7b: {  	[sflag:s29] =	ssyncset.done $0x0  }
0x7c: {  	s26 =	sadd.s32 $0x2A80, s24;
	[sflag:s29] =	ssyncadd.s32 $0xFFFFE0C0  }
0x7d: {  	[spmem:s3] =	stream.indirect.scatter.add.bf16 [tilespmem:s23], [sflag:$0x3], $0x40, s26, s20, $0xb8;
	[tilespmem:$0x16940] =	vst v63  }
0x7e: {  	_ =	swait.ge [sflag:s31], $0x1F40  }
0x7f: {  	[sflag:s31] =	ssyncset.done $0x0  }
0x80: {  	s26 =	sadd.s32 $0x400, s24;
	[sflag:s31] =	ssyncadd.s32 $0xFFFFE0C0  }
0x81: {  	[tilespmem:s21], [sflag:$0x1] =	stream.indirect.gather [hbm4b:s1+s20], $0x40, s26, s20, $0xb8;
	[tilespmem:$0x16940] =	vst v63  }
0x82: {  	_ =	swait.ge [sflag:s29], $0x1F40  }
0x83: {  	[sflag:s29] =	ssyncset.done $0x0  }
0x84: {  	s26 =	sadd.s32 $0x2B00, s24;
	[sflag:s29] =	ssyncadd.s32 $0xFFFFE0C0  }
0x85: {  	[spmem:s3] =	stream.indirect.scatter.add.bf16 [tilespmem:s25], [sflag:$0x4], $0x40, s26, s20, $0xb8;
	[tilespmem:$0x16940] =	vst v63  }
0x86: {  	_ =	swait.ge [sflag:s7], $0x1F40  }
0x87: {  	[sflag:s7] =	ssyncset.done $0x0  }
0x88: {  	s26 =	sadd.s32 $0x480, s24;
	[sflag:s7] =	ssyncadd.s32 $0xFFFFE0C0  }
0x89: {  	[tilespmem:s23], [sflag:$0x1] =	stream.indirect.gather [hbm4b:s1+s20], $0x40, s26, s20, $0xb8;
	[tilespmem:$0x16940] =	vst v63  }
0x8a: {  	_ =	swait.ge [sflag:s29], $0x1F40  }
0x8b: {  	[sflag:s29] =	ssyncset.done $0x0  }
.Ltmp2:
0x8c: {  	s26 =	sadd.s32 $0x2B80, s24;
	[sflag:s29] =	ssyncadd.s32 $0xFFFFE0C0;
	(pc) =	sbr.rel @p5 .LBB2_2-.Ltmp2, $4  }
0x8d: {  	[spmem:s3] =	stream.indirect.scatter.add.bf16 [tilespmem:s28], [sflag:$0x5], $0x40, s26, s20, $0xb8;
	[tilespmem:$0x16940] =	vst v63  }
0x8e: {  	_ =	swait.ge [sflag:s10], $0x1F40  }
0x8f: {  	[sflag:s10] =	ssyncset.done $0x0  }
0x90: {  	s24 =	sadd.s32 $0x500, s24;
	[sflag:s10] =	ssyncadd.s32 $0xFFFFE0C0  }
0x91: {  	[tilespmem:s25], [sflag:$0x1] =	stream.indirect.gather [hbm4b:s1+s20], $0x40, s24, s20, $0xb8;
	[tilespmem:$0x16940] =	vst v63  }
0x92: {  	_ =	swait.ge [sflag:s29], $0x1F40  }
0x93: {  	[sflag:s29] =	ssyncset.done $0x0  }
0x94: {  	s22 =	simm.s32 $0x4E00;
	[sflag:s29] =	ssyncadd.s32 $0xFFFFE0C0  }
0x95: {  	[spmem:s3] =	stream.indirect.scatter.add.bf16 [tilespmem:s21], [sflag:$0x2], $0x40, s22, s20, $0xb8;
	[tilespmem:$0x16940] =	vst v63  }
0x96: {  	_ =	swait.ge [sflag:s30], $0x1F40  }
0x97: {  	[sflag:s30] =	ssyncset.done $0x0  }
0x98: {  	[sflag:s30] =	ssyncadd.s32 $0xFFFFE0C0  }
0x99: {  	[tilespmem:s28], [sflag:$0x1] =	stream.indirect.gather [hbm4b:s1+s20], $0x40, s6, s20, $0xb8;
	[tilespmem:$0x16940] =	vst v63  }
0x9a: {  	_ =	swait.ge [sflag:s29], $0x1F40  }
0x9b: {  	[sflag:s29] =	ssyncset.done $0x0  }
0x9c: {  	s26 =	simm.s32 $0x4E80;
	[sflag:s29] =	ssyncadd.s32 $0xFFFFE0C0  }
0x9d: {  	[spmem:s3] =	stream.indirect.scatter.add.bf16 [tilespmem:s23], [sflag:$0x3], $0x40, s26, s20, $0xb8;
	[tilespmem:$0x16940] =	vst v63  }
0x9e: {  	_ =	swait.ge [sflag:s31], $0x1F40  }
0x9f: {  	[sflag:s31] =	ssyncset.done $0x0  }
0xa0: {  	[sflag:s31] =	ssyncadd.s32 $0xFFFFE0C0  }
0xa1: {  	[tilespmem:s21], [sflag:$0x1] =	stream.indirect.gather [hbm4b:s1+s20], $0x40, s6, s20, $0xb8;
	[tilespmem:$0x16940] =	vst v63  }
0xa2: {  	_ =	swait.ge [sflag:s29], $0x1F40  }
0xa3: {  	[sflag:s29] =	ssyncset.done $0x0  }
0xa4: {  	s24 =	simm.s32 $0x4F00;
	[sflag:s29] =	ssyncadd.s32 $0xFFFFE0C0  }
0xa5: {  	[spmem:s3] =	stream.indirect.scatter.add.bf16 [tilespmem:s25], [sflag:$0x4], $0x40, s24, s20, $0xb8;
	[tilespmem:$0x16940] =	vst v63  }
0xa6: {  	_ =	swait.ge [sflag:s7], $0x1F40  }
0xa7: {  	[sflag:s7] =	ssyncset.done $0x0  }
0xa8: {  	[sflag:s7] =	ssyncadd.s32 $0xFFFFE0C0  }
0xa9: {  	[tilespmem:s23], [sflag:$0x1] =	stream.indirect.gather [hbm4b:s1+s20], $0x40, s6, s20, $0xb8;
	[tilespmem:$0x16940] =	vst v63  }
0xaa: {  	_ =	swait.ge [sflag:s29], $0x1F40  }
0xab: {  	[sflag:s29] =	ssyncset.done $0x0  }
0xac: {  	s26 =	simm.s32 $0x4F80;
	[sflag:s29] =	ssyncadd.s32 $0xFFFFE0C0  }
0xad: {  	[spmem:s3] =	stream.indirect.scatter.add.bf16 [tilespmem:s28], [sflag:$0x5], $0x40, s26, s20, $0xb8;
	[tilespmem:$0x16940] =	vst v63  }
0xae: {  	_ =	swait.ge [sflag:s10], $0x1F40  }
0xaf: {  	[sflag:s10] =	ssyncset.done $0x0  }
0xb0: {  	[sflag:s10] =	ssyncadd.s32 $0xFFFFE0C0  }
0xb1: {  	[tilespmem:s25], [sflag:$0x1] =	stream.indirect.gather [hbm4b:s1+s20], $0x40, s6, s20, $0xb8;
	[tilespmem:$0x16940] =	vst v63  }
0xb2: {  	_ =	swait.ge [sflag:s30], $0x1F40  }
0xb3: {  	[sflag:s30] =	ssyncset.done $0x0  }
0xb4: {  	[sflag:s30] =	ssyncadd.s32 $0xFFFFE0C0  }
0xb5: {  	_ =	swait.ge [sflag:s29], $0x1F40  }
0xb6: {  	[sflag:s29] =	ssyncset.done $0x0  }
0xb7: {  	[sflag:s29] =	ssyncadd.s32 $0xFFFFE0C0  }
0xb8: {  	_ =	swait.ge [sflag:s29], $0x1F40  }
0xb9: {  	[sflag:s29] =	ssyncset.done $0x0  }
0xba: {  	[sflag:s29] =	ssyncadd.s32 $0xFFFFE0C0  }
0xbb: {  	_ =	swait.ge [sflag:s29], $0x1F40  }
0xbc: {  	p5 =	por @!p4 $0x1, $0x1;
	p6 =	por p2, p2;
	[sflag:s29] =	ssyncset.done $0x0  }
0xbd: {  	p6 =	por @!p4 p5, p5;
	s22 =	sshll.u32 @p1 s0, $0x6;
	[sflag:s29] =	ssyncadd.s32 $0xFFFFE0C0  }
0xbe: {  	s22 =	sor.u32 @p1 $0x1C06, s22;
	s24 =	sshrl.u32 @p1 s12, $0x3;
	[bflag:$0x0] =	sbarrier.arrive $0xFFFF  }
0xbf: {  	[hbm:s11], [sflag:s22] =	dma.local @p1 [spmem:s24], $0x13C0  }
0xc0: {  	p5 =	por @!p3 !p6, !p0;
	s22 =	simm.s32 @p1 $0x6  }
0xc1: {  	p5 =	por @!p3 !p5, !p5;
	_ =	swait.ge @p1 [sflag:s22], $0x13C0  }
0xc2: {  	p5 =	por p3, p5;
	s24 =	sshll.u32 @!p4 s0, $0x6;
	[sflag:s22] =	ssyncset.done @p1 $0x0  }
0xc3: {  	[sflag:s22] =	ssyncadd.s32 @p1 $0xFFFFEC40;
	s22 =	sor.u32 @!p4 $0x1C06, s24;
	s24 =	sshrl.u32 @!p4 s12, $0x3  }
0xc4: {  	[hbm:s13], [sflag:s22] =	dma.local @!p4 [spmem:s24], $0x13C0  }
.Ltmp3:
0xc5: {  	_ = 	snop;
	(pc) =	sbr.rel @!p5 .LBB2_5-.Ltmp3, $4  }
0xc6: {  	s22 =	simm.s32 @!p4 $0x6  }
0xc7: {  	_ =	swait.ge @!p4 [sflag:s22], $0x13C0  }
0xc8: {  	[sflag:s22] =	ssyncset.done @!p4 $0x0  }
0xc9: {  	[sflag:s22] =	ssyncadd.s32 @!p4 $0xFFFFEC40  }
0xca: {  	s22 =	rddreg [dreg:$0x5]  }
0xcb: {  	s24 =	rddreg [dreg:$0x4]  }
0xcc: {  	s26 =	rddreg [dreg:$0x6]  }
0xcd: {  	s22 =	smov.u32 @p3 s24;
	s24 =	sshrl.u32 s26, $0x3  }
.Ltmp4:
0xce: {  	s26 =	simm.s32 $0x1FC6;
	s22 =	sadd.s32 $0x12840, s22;
	(pc) =	sbr.rel .LBB2_5-.Ltmp4, $4  }
0xcf: {  	[hbm:s22], [sflag:s26] =	dma.local [spmem:s24], $0x1040  }
0xd0: {  	_ =	swait.ge [sflag:s15], $0x1040  }
0xd1: {  	[sflag:s15] =	ssyncset.done $0x0  }
0xd2: {  	[sflag:s15] =	ssyncadd.s32 $0xFFFFEFC0  }
.LBB2_6:
0xd3: {  	_ =	sfence.sel $0x180000  }
0xd4: {  	[bflag:$0x0] =	sbarrier.arrive $0xFFFF  }
0xd5: {  	_ =	strace $0x9000004A  }
0xd6: {  	[bflag:$0x2] =	sbarrier.arrive $0xFFFF  }
0xd7: {  	p0 =	sne.s32 s0, $0x0;
	s0 =	rddreg [dreg:$0x3]  }
0xd8: {  	s0 =	sadd.s32 @!p0 $0x100000, s0  }
0xd9: {  	[sflag:s0] =	ssyncadd.tile.s32 @!p0 $0x1;
	_ =	shalt  }
.Lfunc_end2:
_tile_overlayer_lowered:
.L_overlay_start_2:
0xda: {  	(tag) =	ssettag $0x2  }
0xdb: {  	s0 =	rddreg [dreg:$0x0];
	s2 =	stileid.u32  }
0xdc: {  	s1 =	rddreg [dreg:$0x1];
	p0 =	sne.s32 s2, $0x0  }
0xdd: {  	s3 =	rddreg [dreg:$0x2];
	[bflag:$0x3] =	sbarrier.arrive $0xFFFF;
	s2 =	simm.s32 @!p0 $0x1C06  }
0xde: {  	[timem:s3], [sflag:s2] =	dma.local @!p0 [hbm:s0], s1  }
0xdf: {  	s0 =	simm.s32 @!p0 $0x6  }
0xe0: {  	_ =	swait.ge @!p0 [sflag:s0], s1  }
0xe1: {  	s1 =	ssub.s32 @!p0 $0x0, s1;
	[sflag:s0] =	ssyncset.done @!p0 $0x0  }
0xe2: {  	[sflag:s0] =	ssyncadd.s32 @!p0 s1  }
0xe3: {  	[bflag:$0x3] =	sbarrier.arrive $0xFFFF  }
0xe4: {  	_ =	shalt  }

</sc_bundles>
